<compile_context>
chip_gen: v7x
topology: tpu7x:2x2x1
jax: 0.10.2.dev20260603
libtpu: 0.0.44.dev20260713+nightly
codegen_flags: <defaults>
</compile_context>

<pallas_src>
import functools

import jax
import jax.numpy as jnp
from jax import lax
from jax.experimental import pallas as pl
from jax.experimental.pallas import tpu as pltpu
from jax.experimental.pallas import tpu_sc as plsc

N = 10000
F_IN = 128
HID = 16
C = 16
L = 16
NC = 2
NS = 16
NW = NC * NS
CHUNK = 128
N_PAD = 10240
ZR = N_PAD // NS

_mesh = plsc.VectorSubcoreMesh(core_axis_name="c", subcore_axis_name="s")
_sc_params = pltpu.CompilerParams(needs_layout_passes=False, use_tc_tiling_on_sc=False)


def _iota16():
    return lax.iota(jnp.int32, 16)


def _full16(v):
    return jnp.full((16,), v, jnp.int32)


def _make_deg(cpt, extra):
    @functools.partial(
        pl.kernel,
        mesh=_mesh,
        compiler_params=_sc_params,
        out_type=jax.ShapeDtypeStruct((NC, N_PAD), jnp.float32),
        scratch_types=[
            pltpu.VMEM((cpt + (1 if extra else 0), CHUNK), jnp.int32),
            pltpu.VMEM((cpt + (1 if extra else 0), CHUNK), jnp.float32),
            pltpu.VMEM((ZR,), jnp.float32),
            pltpu.VMEM_SHARED((N_PAD,), jnp.float32),
        ],
    )
    def deg_kernel(row_hbm, ew_hbm, zeros_hbm, out_hbm, idx_v, val_v, zs_v, acc_sh):
        cid = lax.axis_index("c")
        sid = lax.axis_index("s")
        wid = sid * NC + cid
        pltpu.sync_copy(zeros_hbm, zs_v)
        pltpu.sync_copy(zs_v, acc_sh.at[pl.ds(sid * ZR, ZR)])
        plsc.subcore_barrier()
        if extra:
            pltpu.sync_copy(row_hbm.at[pl.ds(wid * cpt, cpt)],
                            idx_v.at[pl.ds(0, cpt)])
            pltpu.sync_copy(ew_hbm.at[pl.ds(wid * cpt, cpt)],
                            val_v.at[pl.ds(0, cpt)])
        else:
            pltpu.sync_copy(row_hbm.at[pl.ds(wid * cpt, cpt)], idx_v)
            pltpu.sync_copy(ew_hbm.at[pl.ds(wid * cpt, cpt)], val_v)
        if extra:
            @pl.when(wid < extra)
            def _():
                pltpu.sync_copy(row_hbm.at[pl.ds(NW * cpt + wid, 1)],
                                idx_v.at[pl.ds(cpt, 1)])
                pltpu.sync_copy(ew_hbm.at[pl.ds(NW * cpt + wid, 1)],
                                val_v.at[pl.ds(cpt, 1)])

        def body(j, carry):
            pltpu.sync_copy(val_v.at[j], acc_sh.at[idx_v.at[j]], add=True)
            return carry

        lax.fori_loop(0, cpt, body, 0)
        if extra:
            @pl.when(wid < extra)
            def _():
                pltpu.sync_copy(val_v.at[cpt], acc_sh.at[idx_v.at[cpt]],
                                add=True)
        plsc.subcore_barrier()
        pltpu.sync_copy(acc_sh.at[pl.ds(sid * ZR, ZR)], zs_v)
        pltpu.sync_copy(zs_v, out_hbm.at[cid, pl.ds(sid * ZR, ZR)])

    return deg_kernel


def _make_agg(ec, cpt, extra, compute_wn):
    out_type = [jax.ShapeDtypeStruct((NC, N_PAD, HID), jnp.float32)]
    if compute_wn:
        out_type.append(jax.ShapeDtypeStruct((ec, CHUNK), jnp.float32))

    xc = cpt + (1 if extra else 0)
    scratch = [
        pltpu.VMEM((xc, CHUNK), jnp.int32),
        pltpu.VMEM((xc, CHUNK), jnp.int32),
        pltpu.VMEM((xc, CHUNK), jnp.float32),
        pltpu.VMEM((CHUNK, HID), jnp.float32),
        pltpu.VMEM((CHUNK, HID), jnp.float32),
        pltpu.VMEM((CHUNK, HID), jnp.float32),
        pltpu.VMEM((CHUNK, HID), jnp.float32),
        pltpu.VMEM((ZR, HID), jnp.float32),
        pltpu.VMEM_SHARED((N_PAD, HID), jnp.float32),
        pltpu.SemaphoreType.DMA,
        pltpu.SemaphoreType.DMA,
        pltpu.SemaphoreType.DMA,
        pltpu.SemaphoreType.DMA,
    ]
    if compute_wn:
        scratch.append(pltpu.VMEM((xc, CHUNK), jnp.float32))
        scratch.append(pltpu.VMEM((N_PAD,), jnp.float32))

    @functools.partial(
        pl.kernel,
        mesh=_mesh,
        compiler_params=_sc_params,
        out_type=tuple(out_type) if compute_wn else out_type[0],
        scratch_types=scratch,
    )
    def agg_kernel(*refs):
        if compute_wn:
            (row_hbm, col_hbm, ew_hbm, dis_hbm, y_hbm, zeros_hbm,
             acc_out, wn_out,
             row_v, col_v, wn_v, rows_a, rows_b, sc_a, sc_b, st_v, acc_sh,
             sem_a, sem_b, sem_sa, sem_sb, ew_v, dis_v) = refs
        else:
            (row_hbm, col_hbm, wn_hbm, y_hbm, zeros_hbm,
             acc_out,
             row_v, col_v, wn_v, rows_a, rows_b, sc_a, sc_b, st_v, acc_sh,
             sem_a, sem_b, sem_sa, sem_sb) = refs
        cid = lax.axis_index("c")
        sid = lax.axis_index("s")
        wid = sid * NC + cid

        pltpu.sync_copy(zeros_hbm, st_v)
        pltpu.sync_copy(st_v, acc_sh.at[pl.ds(sid * ZR, ZR)])
        plsc.subcore_barrier()

        sl0 = pl.ds(wid * cpt, cpt)
        slv = pl.ds(0, cpt)
        sle = pl.ds(NW * cpt + wid, 1)
        slx = pl.ds(cpt, 1)
        pltpu.sync_copy(row_hbm.at[sl0], row_v.at[slv] if extra else row_v)
        pltpu.sync_copy(col_hbm.at[sl0], col_v.at[slv] if extra else col_v)
        if compute_wn:
            pltpu.sync_copy(ew_hbm.at[sl0], ew_v.at[slv] if extra else ew_v)
            pltpu.sync_copy(dis_hbm, dis_v)
        else:
            pltpu.sync_copy(wn_hbm.at[sl0], wn_v.at[slv] if extra else wn_v)
        if extra:
            @pl.when(wid < extra)
            def _():
                pltpu.sync_copy(row_hbm.at[sle], row_v.at[slx])
                pltpu.sync_copy(col_hbm.at[sle], col_v.at[slx])
                if compute_wn:
                    pltpu.sync_copy(ew_hbm.at[sle], ew_v.at[slx])
                else:
                    pltpu.sync_copy(wn_hbm.at[sle], wn_v.at[slx])

        def compute_wn_chunk(j):
            @plsc.parallel_loop(0, CHUNK // L)
            def _(g):
                sl = pl.ds(g * L, L)
                dr = plsc.load_gather(dis_v, [row_v[j, sl]])
                dc = plsc.load_gather(dis_v, [col_v[j, sl]])
                wn_v[j, sl] = dr * ew_v[j, sl] * dc

        def scale(j, rows_v, sc_v):
            @plsc.parallel_loop(0, CHUNK, unroll=16)
            def _(i):
                wb = plsc.load_gather(wn_v, [_full16(j), _full16(i)])
                sc_v[i, :] = rows_v[i, :] * wb

        npair = cpt // 2
        pltpu.async_copy(y_hbm.at[col_v.at[0]], rows_a, sem_a)

        def agg_body(p, carry):
            j0 = 2 * p
            j1 = j0 + 1
            pltpu.async_copy(y_hbm.at[col_v.at[j1]], rows_b, sem_b)
            if compute_wn:
                compute_wn_chunk(j0)
            pltpu.make_async_copy(y_hbm.at[col_v.at[j0]], rows_a, sem_a).wait()

            @pl.when(p > 0)
            def _():
                pltpu.make_async_copy(
                    sc_a, acc_sh.at[row_v.at[j0]], sem_sa).wait()

            scale(j0, rows_a, sc_a)
            pltpu.async_copy(sc_a, acc_sh.at[row_v.at[j0]], sem_sa, add=True)

            @pl.when(p + 1 < npair)
            def _():
                pltpu.async_copy(y_hbm.at[col_v.at[j1 + 1]], rows_a, sem_a)

            if compute_wn:
                compute_wn_chunk(j1)
            pltpu.make_async_copy(y_hbm.at[col_v.at[j1]], rows_b, sem_b).wait()

            @pl.when(p > 0)
            def _():
                pltpu.make_async_copy(
                    sc_b, acc_sh.at[row_v.at[j1]], sem_sb).wait()

            scale(j1, rows_b, sc_b)
            pltpu.async_copy(sc_b, acc_sh.at[row_v.at[j1]], sem_sb, add=True)
            return carry

        lax.fori_loop(0, npair, agg_body, 0)
        pltpu.make_async_copy(sc_a, acc_sh.at[row_v.at[0]], sem_sa).wait()
        pltpu.make_async_copy(sc_b, acc_sh.at[row_v.at[0]], sem_sb).wait()
        if cpt % 2:
            j = cpt - 1
            pltpu.async_copy(y_hbm.at[col_v.at[j]], rows_a, sem_a).wait()
            if compute_wn:
                compute_wn_chunk(j)
            scale(j, rows_a, sc_a)
            pltpu.sync_copy(sc_a, acc_sh.at[row_v.at[j]], add=True)
        if extra:
            @pl.when(wid < extra)
            def _():
                pltpu.async_copy(y_hbm.at[col_v.at[cpt]], rows_a, sem_a).wait()
                if compute_wn:
                    compute_wn_chunk(cpt)
                scale(cpt, rows_a, sc_a)
                pltpu.sync_copy(sc_a, acc_sh.at[row_v.at[cpt]], add=True)
        if compute_wn:
            pltpu.sync_copy(wn_v.at[slv] if extra else wn_v, wn_out.at[sl0])
            if extra:
                @pl.when(wid < extra)
                def _():
                    pltpu.sync_copy(wn_v.at[slx], wn_out.at[sle])
        plsc.subcore_barrier()
        pltpu.sync_copy(acc_sh.at[pl.ds(sid * ZR, ZR)], st_v)
        pltpu.sync_copy(st_v, acc_out.at[cid, pl.ds(sid * ZR, ZR)])

    return agg_kernel


def _mm_kernel(x_ref, w_ref, t0_ref, y1_ref):
    o = jnp.dot(x_ref[...], w_ref[...], preferred_element_type=jnp.float32)
    t0_ref[...] = o[:, :HID]
    y1_ref[...] = o[:, HID:]


def _dis_kernel(deg_ref, o_ref):
    d = deg_ref[0, :] + deg_ref[1, :]
    o_ref[0, :] = jnp.where(
        d > 0.0, lax.rsqrt(jnp.maximum(d, 1e-30)), 0.0)


def _layer_out_kernel(t0_ref, acc_ref, b_ref, w_ref, u0_ref, y2_ref):
    h = t0_ref[...] - (acc_ref[0] + acc_ref[1]) + b_ref[...]
    h = jnp.maximum(h, 0.0)
    o = jnp.dot(h, w_ref[...], preferred_element_type=jnp.float32)
    u0_ref[...] = o[:, :C]
    y2_ref[...] = o[:, C:]


def _final_kernel(u0_ref, acc_ref, b_ref, o_ref):
    z = u0_ref[...] - (acc_ref[0] + acc_ref[1]) + b_ref[...]
    z = z - jnp.max(z, axis=1, keepdims=True)
    o_ref[...] = z - jnp.log(jnp.sum(jnp.exp(z), axis=1, keepdims=True))


_ROWS_BLK = 2000


def _tc_matmul(x, w):
    m, k = x.shape
    n = w.shape[1] // 2
    grid = m // _ROWS_BLK
    return pl.pallas_call(
        _mm_kernel,
        grid=(grid,),
        in_specs=[
            pl.BlockSpec((_ROWS_BLK, k), lambda i: (i, 0)),
            pl.BlockSpec((k, 2 * n), lambda i: (0, 0)),
        ],
        out_specs=[pl.BlockSpec((_ROWS_BLK, n), lambda i: (i, 0))] * 2,
        out_shape=[jax.ShapeDtypeStruct((m, n), jnp.float32)] * 2,
    )(x, w)


def _tc_dis(deg_p):
    return pl.pallas_call(
        _dis_kernel,
        out_shape=jax.ShapeDtypeStruct((1, N_PAD), jnp.float32),
    )(deg_p)


def _tc_layer_out(t0, acc_p, b, w):
    m = t0.shape[0]
    n = w.shape[1]
    grid = m // _ROWS_BLK
    return pl.pallas_call(
        _layer_out_kernel,
        grid=(grid,),
        in_specs=[
            pl.BlockSpec((_ROWS_BLK, HID), lambda i: (i, 0)),
            pl.BlockSpec((NC, _ROWS_BLK, HID), lambda i: (0, i, 0)),
            pl.BlockSpec((1, HID), lambda i: (0, 0)),
            pl.BlockSpec((HID, n), lambda i: (0, 0)),
        ],
        out_specs=[pl.BlockSpec((_ROWS_BLK, n // 2), lambda i: (i, 0))] * 2,
        out_shape=[jax.ShapeDtypeStruct((m, n // 2), jnp.float32)] * 2,
    )(t0, acc_p, b, w)


def _tc_final(u0, acc_p, b):
    m = u0.shape[0]
    grid = m // _ROWS_BLK
    return pl.pallas_call(
        _final_kernel,
        grid=(grid,),
        in_specs=[
            pl.BlockSpec((_ROWS_BLK, C), lambda i: (i, 0)),
            pl.BlockSpec((NC, _ROWS_BLK, C), lambda i: (0, i, 0)),
            pl.BlockSpec((1, C), lambda i: (0, 0)),
        ],
        out_specs=pl.BlockSpec((_ROWS_BLK, C), lambda i: (i, 0)),
        out_shape=jax.ShapeDtypeStruct((m, C), jnp.float32),
    )(u0, acc_p, b)


def kernel(x, edge_index, edge_weight, W1, b1, W2, b2):
    e = edge_index.shape[1]
    row = edge_index[0]
    col = edge_index[1]
    ew = edge_weight
    npad = -e % (NW * CHUNK)
    if npad:
        k = jnp.arange(npad, dtype=jnp.int32)
        row = jnp.concatenate([row, N + (k % (N_PAD - N))])
        col = jnp.concatenate([col, (k * 97) % N])
        ew = jnp.concatenate([ew, jnp.zeros((npad,), jnp.float32)])
        e += npad
    ec = e // CHUNK
    cpt = ec // NW
    extra = ec % NW
    row2 = row.reshape(ec, CHUNK)
    col2 = col.reshape(ec, CHUNK)
    ew2 = ew.reshape(ec, CHUNK)
    zeros = jnp.zeros((ZR, HID), jnp.float32)

    deg_p = _make_deg(cpt, extra)(row2, ew2, zeros[:, 0])
    dis = _tc_dis(deg_p)[0]

    w1c = jnp.concatenate([W1[0], W1[1]], axis=1)
    t0, y1 = _tc_matmul(x, w1c)

    acc1_p, wn = _make_agg(ec, cpt, extra, True)(row2, col2, ew2, dis, y1, zeros)

    w2c = jnp.concatenate([W2[0], W2[1]], axis=1)
    u0, y2 = _tc_layer_out(t0, acc1_p, b1.reshape(1, HID), w2c)

    acc2_p = _make_agg(ec, cpt, extra, False)(row2, col2, wn, y2, zeros)

    return _tc_final(u0, acc2_p, b2.reshape(1, C))

# --- scband reference (transcript-rebuilt; emitter-appended) ---
"""Pipeline reference for scband-dfacheb-net-7876970020889 (READ-ONLY COPY).

The authoritative reference and input builder live on the scoring server;
editing this copy changes nothing except your own understanding.
"""

import jax, jax.numpy as jnp
import numpy as np

N = 10000
E = 320000
F_IN = 128
HID = 16
C = 16


def setup_inputs(seed: int = 0) -> dict:
    key = jax.random.key(seed)
    k1, k2, k3, k4, k5 = jax.random.split(key, 5)
    x = jax.random.normal(k1, (N, F_IN), dtype=jnp.float32)
    edge_index = jax.random.randint(k2, (2, E), 0, N, dtype=jnp.int32)
    edge_weight = jax.random.uniform(k3, (E,), dtype=jnp.float32)
    # ChebConv K=2 parameters: conv1 (F_IN -> 16), conv2 (16 -> C)
    W1 = jax.random.normal(k4, (2, F_IN, HID), dtype=jnp.float32) * (1.0 / np.sqrt(F_IN))
    b1 = jnp.zeros((HID,), dtype=jnp.float32)
    W2 = jax.random.normal(k5, (2, HID, C), dtype=jnp.float32) * (1.0 / np.sqrt(HID))
    b2 = jnp.zeros((C,), dtype=jnp.float32)
    return {"x": x, "edge_index": edge_index, "edge_weight": edge_weight,
            "W1": W1, "b1": b1, "W2": W2, "b2": b2}


def _cheb_conv(x, edge_index, edge_weight, W, b):
    # Faithful to PyG ChebConv with K=2, normalization='sym', lambda_max=2.0:
    #   L = I - D^{-1/2} A D^{-1/2}
    #   L_hat = (2/lambda_max) * L - I
    #   Tx_0 = x ; Tx_1 = L_hat @ x ; out = Tx_0 @ W[0] + Tx_1 @ W[1] + b
    row = edge_index[0]
    col = edge_index[1]
    n = x.shape[0]
    deg = jnp.zeros((n,), dtype=x.dtype).at[row].add(edge_weight)
    deg_inv_sqrt = jnp.where(deg > 0, jax.lax.rsqrt(jnp.maximum(deg, 1e-30)), 0.0)
    w_norm = deg_inv_sqrt[row] * edge_weight * deg_inv_sqrt[col]

    def lhat_matvec(v):
        # A_norm @ v  via gather (v[col]) + scatter-add at row
        av = jnp.zeros_like(v).at[row].add(w_norm[:, None] * v[col])
        lv = v - av                      # L @ v
        return (2.0 / 2.0) * lv - v      # L_hat @ v  (lambda_max = 2.0)

    tx0 = x
    tx1 = lhat_matvec(x)
    return tx0 @ W[0] + tx1 @ W[1] + b


def reference(x, edge_index, edge_weight, W1, b1, W2, b2):
    h = jax.nn.relu(_cheb_conv(x, edge_index, edge_weight, W1, b1))
    # dropout p=0.0 -> identity; DFALayer/DFA are identity in forward
    out = _cheb_conv(h, edge_index, edge_weight, W2, b2)
    return jax.nn.log_softmax(out, axis=1)

if __name__ == "__main__":
    import jax
    _d = setup_inputs()
    print(jax.jit(kernel)(*tuple(_d.values())))

</pallas_src>

<mosaic_0001>
#map = affine_map<(d0, d1) -> (0, 0)>
#map1 = affine_map<(d0, d1) -> (0)>
#map2 = affine_map<(d0, d1) -> (0, 0, 0)>
module attributes {stable_mosaic.version = 14 : i64} {
  func.func @agg_kernel(%arg0: i32, %arg1: i32, %arg2: memref<2528x128xi32, #tpu.memory_space<hbm>>, %arg3: memref<2528x128xi32, #tpu.memory_space<hbm>>, %arg4: memref<2528x128xf32, #tpu.memory_space<hbm>>, %arg5: memref<10240xf32, #tpu.memory_space<hbm>>, %arg6: memref<10000x16xf32, #tpu.memory_space<hbm>>, %arg7: memref<640x16xf32, #tpu.memory_space<hbm>>, %arg8: memref<2x10240x16xf32, #tpu.memory_space<hbm>>, %arg9: memref<2528x128xf32, #tpu.memory_space<hbm>>, %arg10: memref<79x128xi32, #tpu.memory_space<vmem>>, %arg11: memref<79x128xi32, #tpu.memory_space<vmem>>, %arg12: memref<79x128xf32, #tpu.memory_space<vmem>>, %arg13: memref<128x16xf32, #tpu.memory_space<vmem>>, %arg14: memref<128x16xf32, #tpu.memory_space<vmem>>, %arg15: memref<128x16xf32, #tpu.memory_space<vmem>>, %arg16: memref<128x16xf32, #tpu.memory_space<vmem>>, %arg17: memref<640x16xf32, #tpu.memory_space<vmem>>, %arg18: memref<10240x16xf32, #tpu.memory_space<vmem_shared>>, %arg19: memref<!tpu.dma_semaphore, #tpu.memory_space<semaphore_mem>>, %arg20: memref<!tpu.dma_semaphore, #tpu.memory_space<semaphore_mem>>, %arg21: memref<!tpu.dma_semaphore, #tpu.memory_space<semaphore_mem>>, %arg22: memref<!tpu.dma_semaphore, #tpu.memory_space<semaphore_mem>>, %arg23: memref<79x128xf32, #tpu.memory_space<vmem>>, %arg24: memref<10240xf32, #tpu.memory_space<vmem>>) attributes {dimension_semantics = [#tpu.dimension_semantics<core_parallel>, #tpu.dimension_semantics<subcore_parallel>], iteration_bounds = array<i64: 2, 16>, scalar_prefetch = 0 : i64, scratch_operands = 15 : i64, tpu.core_type = #tpu.core_type<sc_vector_subcore>, window_params = [{transform_indices = #map}, {transform_indices = #map}, {transform_indices = #map}, {transform_indices = #map1}, {transform_indices = #map}, {transform_indices = #map}, {transform_indices = #map2}, {transform_indices = #map}]} {
    %mul3A = arith.constant 2 : i32
    %mul3A_0 = arith.muli %arg1, %mul3A : i32
    %add3A = arith.addi %mul3A_0, %arg0 : i32
    "tpu.region"() ({
      %run_scoped3A_55 = tpu.sem_alloc : memref<!tpu.dma_semaphore, #tpu.memory_space<semaphore_mem>>
      tpu.enqueue_dma source(%arg7 : memref<640x16xf32, #tpu.memory_space<hbm>>) target(%arg17 : memref<640x16xf32, #tpu.memory_space<vmem>>) target_semaphore(%run_scoped3A_55 : memref<!tpu.dma_semaphore, #tpu.memory_space<semaphore_mem>>)
      tpu.wait_dma2 semaphore(%run_scoped3A_55 : memref<!tpu.dma_semaphore, #tpu.memory_space<semaphore_mem>>) src(%arg7 : memref<640x16xf32, #tpu.memory_space<hbm>>) dst(%arg17 : memref<640x16xf32, #tpu.memory_space<vmem>>)
      tpu.yield
    }) : () -> ()
    %mul3A_1 = arith.constant 640 : i32
    %mul3A_2 = arith.muli %arg1, %mul3A_1 : i32
    "tpu.region"() ({
      %run_scoped3A_55 = tpu.sem_alloc : memref<!tpu.dma_semaphore, #tpu.memory_space<semaphore_mem>>
      %dma_start3A_56 = arith.constant 0 : i32
      %dma_start3A_57 = tpu.memref_slice %arg18[%mul3A_2, %dma_start3A_56] : memref<10240x16xf32, #tpu.memory_space<vmem_shared>> -> memref<640x16xf32, #tpu.memory_space<vmem_shared>>
      %dma_start3A_58 = arith.constant 0 : i32
      %dma_start3A_59 = tpu.memref_slice %arg18[%mul3A_2, %dma_start3A_58] : memref<10240x16xf32, #tpu.memory_space<vmem_shared>> -> memref<640x16xf32, #tpu.memory_space<vmem_shared>>
      tpu.enqueue_dma source(%arg17 : memref<640x16xf32, #tpu.memory_space<vmem>>) target(%dma_start3A_59 : memref<640x16xf32, #tpu.memory_space<vmem_shared>>) target_semaphore(%run_scoped3A_55 : memref<!tpu.dma_semaphore, #tpu.memory_space<semaphore_mem>>)
      %dma_wait3A_60 = arith.constant 0 : i32
      %dma_wait3A_61 = tpu.memref_slice %arg18[%mul3A_2, %dma_wait3A_60] : memref<10240x16xf32, #tpu.memory_space<vmem_shared>> -> memref<640x16xf32, #tpu.memory_space<vmem_shared>>
      %dma_wait3A_62 = arith.constant 0 : i32
      %dma_wait3A_63 = tpu.memref_slice %arg18[%mul3A_2, %dma_wait3A_62] : memref<10240x16xf32, #tpu.memory_space<vmem_shared>> -> memref<640x16xf32, #tpu.memory_space<vmem_shared>>
      tpu.wait_dma2 semaphore(%run_scoped3A_55 : memref<!tpu.dma_semaphore, #tpu.memory_space<semaphore_mem>>) src(%arg17 : memref<640x16xf32, #tpu.memory_space<vmem>>) dst(%dma_wait3A_63 : memref<640x16xf32, #tpu.memory_space<vmem_shared>>)
      tpu.yield
    }) : () -> ()
    %barrier3A = arith.constant 0 : index
    tpu.barrier barrier_id(%barrier3A)
    %mul3A_3 = arith.constant 79 : i32
    %mul3A_4 = arith.muli %add3A, %mul3A_3 : i32
    %add3A_5 = arith.constant 2528 : i32
    %add3A_6 = arith.addi %add3A_5, %add3A : i32
    "tpu.region"() ({
      %run_scoped3A_55 = tpu.sem_alloc : memref<!tpu.dma_semaphore, #tpu.memory_space<semaphore_mem>>
      %dma_start3A_56 = arith.constant 0 : i32
      %dma_start3A_57 = tpu.memref_slice %arg2[%mul3A_4, %dma_start3A_56] : memref<2528x128xi32, #tpu.memory_space<hbm>> -> memref<79x128xi32, #tpu.memory_space<hbm>>
      %dma_start3A_58 = arith.constant 0 : i32
      %dma_start3A_59 = tpu.memref_slice %arg2[%mul3A_4, %dma_start3A_58] : memref<2528x128xi32, #tpu.memory_space<hbm>> -> memref<79x128xi32, #tpu.memory_space<hbm>>
      tpu.enqueue_dma source(%dma_start3A_59 : memref<79x128xi32, #tpu.memory_space<hbm>>) target(%arg10 : memref<79x128xi32, #tpu.memory_space<vmem>>) target_semaphore(%run_scoped3A_55 : memref<!tpu.dma_semaphore, #tpu.memory_space<semaphore_mem>>)
      %dma_wait3A_60 = arith.constant 0 : i32
      %dma_wait3A_61 = tpu.memref_slice %arg2[%mul3A_4, %dma_wait3A_60] : memref<2528x128xi32, #tpu.memory_space<hbm>> -> memref<79x128xi32, #tpu.memory_space<hbm>>
      %dma_wait3A_62 = arith.constant 0 : i32
      %dma_wait3A_63 = tpu.memref_slice %arg2[%mul3A_4, %dma_wait3A_62] : memref<2528x128xi32, #tpu.memory_space<hbm>> -> memref<79x128xi32, #tpu.memory_space<hbm>>
      tpu.wait_dma2 semaphore(%run_scoped3A_55 : memref<!tpu.dma_semaphore, #tpu.memory_space<semaphore_mem>>) src(%dma_wait3A_63 : memref<79x128xi32, #tpu.memory_space<hbm>>) dst(%arg10 : memref<79x128xi32, #tpu.memory_space<vmem>>)
      tpu.yield
    }) : () -> ()
    "tpu.region"() ({
      %run_scoped3A_55 = tpu.sem_alloc : memref<!tpu.dma_semaphore, #tpu.memory_space<semaphore_mem>>
      %dma_start3A_56 = arith.constant 0 : i32
      %dma_start3A_57 = tpu.memref_slice %arg3[%mul3A_4, %dma_start3A_56] : memref<2528x128xi32, #tpu.memory_space<hbm>> -> memref<79x128xi32, #tpu.memory_space<hbm>>
      %dma_start3A_58 = arith.constant 0 : i32
      %dma_start3A_59 = tpu.memref_slice %arg3[%mul3A_4, %dma_start3A_58] : memref<2528x128xi32, #tpu.memory_space<hbm>> -> memref<79x128xi32, #tpu.memory_space<hbm>>
      tpu.enqueue_dma source(%dma_start3A_59 : memref<79x128xi32, #tpu.memory_space<hbm>>) target(%arg11 : memref<79x128xi32, #tpu.memory_space<vmem>>) target_semaphore(%run_scoped3A_55 : memref<!tpu.dma_semaphore, #tpu.memory_space<semaphore_mem>>)
      %dma_wait3A_60 = arith.constant 0 : i32
      %dma_wait3A_61 = tpu.memref_slice %arg3[%mul3A_4, %dma_wait3A_60] : memref<2528x128xi32, #tpu.memory_space<hbm>> -> memref<79x128xi32, #tpu.memory_space<hbm>>
      %dma_wait3A_62 = arith.constant 0 : i32
      %dma_wait3A_63 = tpu.memref_slice %arg3[%mul3A_4, %dma_wait3A_62] : memref<2528x128xi32, #tpu.memory_space<hbm>> -> memref<79x128xi32, #tpu.memory_space<hbm>>
      tpu.wait_dma2 semaphore(%run_scoped3A_55 : memref<!tpu.dma_semaphore, #tpu.memory_space<semaphore_mem>>) src(%dma_wait3A_63 : memref<79x128xi32, #tpu.memory_space<hbm>>) dst(%arg11 : memref<79x128xi32, #tpu.memory_space<vmem>>)
      tpu.yield
    }) : () -> ()
    "tpu.region"() ({
      %run_scoped3A_55 = tpu.sem_alloc : memref<!tpu.dma_semaphore, #tpu.memory_space<semaphore_mem>>
      %dma_start3A_56 = arith.constant 0 : i32
      %dma_start3A_57 = tpu.memref_slice %arg4[%mul3A_4, %dma_start3A_56] : memref<2528x128xf32, #tpu.memory_space<hbm>> -> memref<79x128xf32, #tpu.memory_space<hbm>>
      %dma_start3A_58 = arith.constant 0 : i32
      %dma_start3A_59 = tpu.memref_slice %arg4[%mul3A_4, %dma_start3A_58] : memref<2528x128xf32, #tpu.memory_space<hbm>> -> memref<79x128xf32, #tpu.memory_space<hbm>>
      tpu.enqueue_dma source(%dma_start3A_59 : memref<79x128xf32, #tpu.memory_space<hbm>>) target(%arg23 : memref<79x128xf32, #tpu.memory_space<vmem>>) target_semaphore(%run_scoped3A_55 : memref<!tpu.dma_semaphore, #tpu.memory_space<semaphore_mem>>)
      %dma_wait3A_60 = arith.constant 0 : i32
      %dma_wait3A_61 = tpu.memref_slice %arg4[%mul3A_4, %dma_wait3A_60] : memref<2528x128xf32, #tpu.memory_space<hbm>> -> memref<79x128xf32, #tpu.memory_space<hbm>>
      %dma_wait3A_62 = arith.constant 0 : i32
      %dma_wait3A_63 = tpu.memref_slice %arg4[%mul3A_4, %dma_wait3A_62] : memref<2528x128xf32, #tpu.memory_space<hbm>> -> memref<79x128xf32, #tpu.memory_space<hbm>>
      tpu.wait_dma2 semaphore(%run_scoped3A_55 : memref<!tpu.dma_semaphore, #tpu.memory_space<semaphore_mem>>) src(%dma_wait3A_63 : memref<79x128xf32, #tpu.memory_space<hbm>>) dst(%arg23 : memref<79x128xf32, #tpu.memory_space<vmem>>)
      tpu.yield
    }) : () -> ()
    "tpu.region"() ({
      %run_scoped3A_55 = tpu.sem_alloc : memref<!tpu.dma_semaphore, #tpu.memory_space<semaphore_mem>>
      tpu.enqueue_dma source(%arg5 : memref<10240xf32, #tpu.memory_space<hbm>>) target(%arg24 : memref<10240xf32, #tpu.memory_space<vmem>>) target_semaphore(%run_scoped3A_55 : memref<!tpu.dma_semaphore, #tpu.memory_space<semaphore_mem>>)
      tpu.wait_dma2 semaphore(%run_scoped3A_55 : memref<!tpu.dma_semaphore, #tpu.memory_space<semaphore_mem>>) src(%arg5 : memref<10240xf32, #tpu.memory_space<hbm>>) dst(%arg24 : memref<10240xf32, #tpu.memory_space<vmem>>)
      tpu.yield
    }) : () -> ()
    %dma_start3A = arith.constant 0 : i32
    %dma_start3A_7 = arith.constant 0 : i32
    %dma_start3A_8 = tpu.memref_slice %arg11[%dma_start3A, %dma_start3A_7] : memref<79x128xi32, #tpu.memory_space<vmem>> -> memref<1x128xi32, #tpu.memory_space<vmem>>
    %dma_start3A_9 = tpu.memref_squeeze %dma_start3A_8 : memref<1x128xi32, #tpu.memory_space<vmem>> -> memref<128xi32, #tpu.memory_space<vmem>>
    %dma_start3A_10 = arith.constant 0 : i32
    %dma_start3A_11 = arith.constant 0 : i32
    %dma_start3A_12 = tpu.memref_slice %arg6[%dma_start3A_10, %dma_start3A_11] : memref<10000x16xf32, #tpu.memory_space<hbm>> -> memref<10000x16xf32, #tpu.memory_space<hbm>>
    tpu.enqueue_indirect_dma source(%dma_start3A_12 : memref<10000x16xf32, #tpu.memory_space<hbm>>) target(%arg13 : memref<128x16xf32, #tpu.memory_space<vmem>>) offsets(%dma_start3A_9 : memref<128xi32, #tpu.memory_space<vmem>>) semaphore(%arg19 : memref<!tpu.dma_semaphore, #tpu.memory_space<semaphore_mem>>)
    %scan3A = arith.constant 0 : i32
    %scan3A_13 = arith.constant 0 : i32
    %scan3A_14 = arith.constant 39 : i32
    %scan3A_15 = arith.addi %scan3A_13, %scan3A_14 : i32
    %scan3A_16 = arith.constant 1 : i32
    scf.for %scan3A_55 = %scan3A_13 to %scan3A_15 step %scan3A_16  : i32 {
      %mul3A_56 = arith.constant 2 : i32
      %mul3A_57 = arith.muli %mul3A_56, %scan3A_55 : i32
      %add3A_58 = arith.constant 1 : i32
      %add3A_59 = arith.addi %mul3A_57, %add3A_58 : i32
      %dma_start3A_60 = arith.constant 0 : i32
      %dma_start3A_61 = tpu.memref_slice %arg11[%add3A_59, %dma_start3A_60] : memref<79x128xi32, #tpu.memory_space<vmem>> -> memref<1x128xi32, #tpu.memory_space<vmem>>
      %dma_start3A_62 = tpu.memref_squeeze %dma_start3A_61 : memref<1x128xi32, #tpu.memory_space<vmem>> -> memref<128xi32, #tpu.memory_space<vmem>>
      %dma_start3A_63 = arith.constant 0 : i32
      %dma_start3A_64 = arith.constant 0 : i32
      %dma_start3A_65 = tpu.memref_slice %arg6[%dma_start3A_63, %dma_start3A_64] : memref<10000x16xf32, #tpu.memory_space<hbm>> -> memref<10000x16xf32, #tpu.memory_space<hbm>>
      tpu.enqueue_indirect_dma source(%dma_start3A_65 : memref<10000x16xf32, #tpu.memory_space<hbm>>) target(%arg14 : memref<128x16xf32, #tpu.memory_space<vmem>>) offsets(%dma_start3A_62 : memref<128xi32, #tpu.memory_space<vmem>>) semaphore(%arg20 : memref<!tpu.dma_semaphore, #tpu.memory_space<semaphore_mem>>)
      %parallel_loop3A_66 = arith.constant 0 : i32
      %parallel_loop3A_67 = arith.constant 8 : i32
      %parallel_loop3A_68 = arith.constant 1 : i32
      scf.for %parallel_loop3A_115 = %parallel_loop3A_66 to %parallel_loop3A_67 step %parallel_loop3A_68  : i32 {
        %parallel_loop3A_116 = arith.constant 16 : i32
        %parallel_loop3A_117 = arith.muli %parallel_loop3A_115, %parallel_loop3A_116 : i32
        %parallel_loop3A_118 = arith.index_cast %mul3A_57 : i32 to index
        %parallel_loop3A_119 = arith.index_cast %parallel_loop3A_117 : i32 to index
        %parallel_loop3A_120 = tpu.vector_load %arg10[%parallel_loop3A_118, %parallel_loop3A_119] {strides = array<i32>} : memref<79x128xi32, #tpu.memory_space<vmem>>, vector<16xi32>,
        %parallel_loop3A_121 = tpu.vector_load_idx %arg24[%parallel_loop3A_120] : memref<10240xf32, #tpu.memory_space<vmem>>[vector<16xi32>], vector<16xf32>,
        %parallel_loop3A_122 = arith.index_cast %mul3A_57 : i32 to index
        %parallel_loop3A_123 = arith.index_cast %parallel_loop3A_117 : i32 to index
        %parallel_loop3A_124 = tpu.vector_load %arg11[%parallel_loop3A_122, %parallel_loop3A_123] {strides = array<i32>} : memref<79x128xi32, #tpu.memory_space<vmem>>, vector<16xi32>,
        %parallel_loop3A_125 = tpu.vector_load_idx %arg24[%parallel_loop3A_124] : memref<10240xf32, #tpu.memory_space<vmem>>[vector<16xi32>], vector<16xf32>,
        %parallel_loop3A_126 = arith.index_cast %mul3A_57 : i32 to index
        %parallel_loop3A_127 = arith.index_cast %parallel_loop3A_117 : i32 to index
        %parallel_loop3A_128 = tpu.vector_load %arg23[%parallel_loop3A_126, %parallel_loop3A_127] {strides = array<i32>} : memref<79x128xf32, #tpu.memory_space<vmem>>, vector<16xf32>,
        %parallel_loop3A_129 = arith.mulf %parallel_loop3A_121, %parallel_loop3A_128 : vector<16xf32>
        %parallel_loop3A_130 = arith.mulf %parallel_loop3A_129, %parallel_loop3A_125 : vector<16xf32>
        %parallel_loop3A_131 = arith.index_cast %mul3A_57 : i32 to index
        %parallel_loop3A_132 = arith.index_cast %parallel_loop3A_117 : i32 to index
        %parallel_loop3A_133 = tpu.vector_load %arg12[%parallel_loop3A_131, %parallel_loop3A_132] {strides = array<i32>} : memref<79x128xf32, #tpu.memory_space<vmem>>, vector<16xf32>,
        tpu.vector_store %arg12[%parallel_loop3A_131, %parallel_loop3A_132], %parallel_loop3A_130 {strides = array<i32>} : memref<79x128xf32, #tpu.memory_space<vmem>>, vector<16xf32>,
      } {sc.loop_unroll_factor = 1 : i64, sc.parallel_access}
      %dma_wait3A_69 = arith.constant 0 : i32
      %dma_wait3A_70 = tpu.memref_slice %arg11[%mul3A_57, %dma_wait3A_69] : memref<79x128xi32, #tpu.memory_space<vmem>> -> memref<1x128xi32, #tpu.memory_space<vmem>>
      %dma_wait3A_71 = tpu.memref_squeeze %dma_wait3A_70 : memref<1x128xi32, #tpu.memory_space<vmem>> -> memref<128xi32, #tpu.memory_space<vmem>>
      %dma_wait3A_72 = arith.constant 0 : i32
      %dma_wait3A_73 = arith.constant 0 : i32
      %dma_wait3A_74 = tpu.memref_slice %arg6[%dma_wait3A_72, %dma_wait3A_73] : memref<10000x16xf32, #tpu.memory_space<hbm>> -> memref<10000x16xf32, #tpu.memory_space<hbm>>
      tpu.wait_indirect_dma semaphore(%arg19 : memref<!tpu.dma_semaphore, #tpu.memory_space<semaphore_mem>>) src(%dma_wait3A_74 : memref<10000x16xf32, #tpu.memory_space<hbm>>) dst(%arg13 : memref<128x16xf32, #tpu.memory_space<vmem>>)
      %gt3A = arith.constant 0 : i32
      %gt3A_75 = arith.cmpi sgt, %scan3A_55, %gt3A : i32
      %convert_element_type3A = arith.extui %gt3A_75 : i1 to i32
      %cond3A = arith.constant 0 : i32
      %cond3A_76 = arith.cmpi ne, %convert_element_type3A, %cond3A : i32
      scf.if %cond3A_76 {
        %dma_wait3A_115 = arith.constant 0 : i32
        %dma_wait3A_116 = tpu.memref_slice %arg10[%mul3A_57, %dma_wait3A_115] : memref<79x128xi32, #tpu.memory_space<vmem>> -> memref<1x128xi32, #tpu.memory_space<vmem>>
        %dma_wait3A_117 = tpu.memref_squeeze %dma_wait3A_116 : memref<1x128xi32, #tpu.memory_space<vmem>> -> memref<128xi32, #tpu.memory_space<vmem>>
        %dma_wait3A_118 = arith.constant 0 : i32
        %dma_wait3A_119 = arith.constant 0 : i32
        %dma_wait3A_120 = tpu.memref_slice %arg18[%dma_wait3A_118, %dma_wait3A_119] : memref<10240x16xf32, #tpu.memory_space<vmem_shared>> -> memref<10240x16xf32, #tpu.memory_space<vmem_shared>>
        tpu.wait_indirect_dma semaphore(%arg21 : memref<!tpu.dma_semaphore, #tpu.memory_space<semaphore_mem>>) src(%arg15 : memref<128x16xf32, #tpu.memory_space<vmem>>) dst(%dma_wait3A_120 : memref<10240x16xf32, #tpu.memory_space<vmem_shared>>)
      } else {
      }
      %parallel_loop3A_77 = arith.constant 0 : i32
      %parallel_loop3A_78 = arith.constant 128 : i32
      %parallel_loop3A_79 = arith.constant 1 : i32
      scf.for %parallel_loop3A_115 = %parallel_loop3A_77 to %parallel_loop3A_78 step %parallel_loop3A_79  : i32 {
        %parallel_loop3A_116 = vector.broadcast %mul3A_57 : i32 to vector<16xi32>
        %parallel_loop3A_117 = vector.broadcast %parallel_loop3A_115 : i32 to vector<16xi32>
        %parallel_loop3A_118 = tpu.vector_load_idx %arg12[%parallel_loop3A_116, %parallel_loop3A_117] : memref<79x128xf32, #tpu.memory_space<vmem>>[vector<16xi32>, vector<16xi32>], vector<16xf32>,
        %parallel_loop3A_119 = arith.index_cast %parallel_loop3A_115 : i32 to index
        %parallel_loop3A_120 = arith.constant 0 : index
        %parallel_loop3A_121 = tpu.vector_load %arg13[%parallel_loop3A_119, %parallel_loop3A_120] {strides = array<i32>} : memref<128x16xf32, #tpu.memory_space<vmem>>, vector<16xf32>,
        %parallel_loop3A_122 = arith.mulf %parallel_loop3A_121, %parallel_loop3A_118 : vector<16xf32>
        %parallel_loop3A_123 = arith.index_cast %parallel_loop3A_115 : i32 to index
        %parallel_loop3A_124 = arith.constant 0 : index
        %parallel_loop3A_125 = tpu.vector_load %arg15[%parallel_loop3A_123, %parallel_loop3A_124] {strides = array<i32>} : memref<128x16xf32, #tpu.memory_space<vmem>>, vector<16xf32>,
        tpu.vector_store %arg15[%parallel_loop3A_123, %parallel_loop3A_124], %parallel_loop3A_122 {strides = array<i32>} : memref<128x16xf32, #tpu.memory_space<vmem>>, vector<16xf32>,
      } {sc.loop_unroll_factor = 16 : i64, sc.parallel_access}
      %dma_start3A_80 = arith.constant 0 : i32
      %dma_start3A_81 = tpu.memref_slice %arg10[%mul3A_57, %dma_start3A_80] : memref<79x128xi32, #tpu.memory_space<vmem>> -> memref<1x128xi32, #tpu.memory_space<vmem>>
      %dma_start3A_82 = tpu.memref_squeeze %dma_start3A_81 : memref<1x128xi32, #tpu.memory_space<vmem>> -> memref<128xi32, #tpu.memory_space<vmem>>
      %dma_start3A_83 = arith.constant 0 : i32
      %dma_start3A_84 = arith.constant 0 : i32
      %dma_start3A_85 = tpu.memref_slice %arg18[%dma_start3A_83, %dma_start3A_84] : memref<10240x16xf32, #tpu.memory_space<vmem_shared>> -> memref<10240x16xf32, #tpu.memory_space<vmem_shared>>
      tpu.enqueue_indirect_dma source(%arg15 : memref<128x16xf32, #tpu.memory_space<vmem>>) target(%dma_start3A_85 : memref<10240x16xf32, #tpu.memory_space<vmem_shared>>) offsets(%dma_start3A_82 : memref<128xi32, #tpu.memory_space<vmem>>) semaphore(%arg21 : memref<!tpu.dma_semaphore, #tpu.memory_space<semaphore_mem>>) {add = true}
      %add3A_86 = arith.constant 1 : i32
      %add3A_87 = arith.addi %scan3A_55, %add3A_86 : i32
      %lt3A = arith.constant 39 : i32
      %lt3A_88 = arith.cmpi slt, %add3A_87, %lt3A : i32
      %convert_element_type3A_89 = arith.extui %lt3A_88 : i1 to i32
      %cond3A_90 = arith.constant 0 : i32
      %cond3A_91 = arith.cmpi ne, %convert_element_type3A_89, %cond3A_90 : i32
      scf.if %cond3A_91 {
        %add3A_115 = arith.constant 1 : i32
        %add3A_116 = arith.addi %add3A_59, %add3A_115 : i32
        %dma_start3A_117 = arith.constant 0 : i32
        %dma_start3A_118 = tpu.memref_slice %arg11[%add3A_116, %dma_start3A_117] : memref<79x128xi32, #tpu.memory_space<vmem>> -> memref<1x128xi32, #tpu.memory_space<vmem>>
        %dma_start3A_119 = tpu.memref_squeeze %dma_start3A_118 : memref<1x128xi32, #tpu.memory_space<vmem>> -> memref<128xi32, #tpu.memory_space<vmem>>
        %dma_start3A_120 = arith.constant 0 : i32
        %dma_start3A_121 = arith.constant 0 : i32
        %dma_start3A_122 = tpu.memref_slice %arg6[%dma_start3A_120, %dma_start3A_121] : memref<10000x16xf32, #tpu.memory_space<hbm>> -> memref<10000x16xf32, #tpu.memory_space<hbm>>
        tpu.enqueue_indirect_dma source(%dma_start3A_122 : memref<10000x16xf32, #tpu.memory_space<hbm>>) target(%arg13 : memref<128x16xf32, #tpu.memory_space<vmem>>) offsets(%dma_start3A_119 : memref<128xi32, #tpu.memory_space<vmem>>) semaphore(%arg19 : memref<!tpu.dma_semaphore, #tpu.memory_space<semaphore_mem>>)
      } else {
      }
      %parallel_loop3A_92 = arith.constant 0 : i32
      %parallel_loop3A_93 = arith.constant 8 : i32
      %parallel_loop3A_94 = arith.constant 1 : i32
      scf.for %parallel_loop3A_115 = %parallel_loop3A_92 to %parallel_loop3A_93 step %parallel_loop3A_94  : i32 {
        %parallel_loop3A_116 = arith.constant 16 : i32
        %parallel_loop3A_117 = arith.muli %parallel_loop3A_115, %parallel_loop3A_116 : i32
        %parallel_loop3A_118 = arith.index_cast %add3A_59 : i32 to index
        %parallel_loop3A_119 = arith.index_cast %parallel_loop3A_117 : i32 to index
        %parallel_loop3A_120 = tpu.vector_load %arg10[%parallel_loop3A_118, %parallel_loop3A_119] {strides = array<i32>} : memref<79x128xi32, #tpu.memory_space<vmem>>, vector<16xi32>,
        %parallel_loop3A_121 = tpu.vector_load_idx %arg24[%parallel_loop3A_120] : memref<10240xf32, #tpu.memory_space<vmem>>[vector<16xi32>], vector<16xf32>,
        %parallel_loop3A_122 = arith.index_cast %add3A_59 : i32 to index
        %parallel_loop3A_123 = arith.index_cast %parallel_loop3A_117 : i32 to index
        %parallel_loop3A_124 = tpu.vector_load %arg11[%parallel_loop3A_122, %parallel_loop3A_123] {strides = array<i32>} : memref<79x128xi32, #tpu.memory_space<vmem>>, vector<16xi32>,
        %parallel_loop3A_125 = tpu.vector_load_idx %arg24[%parallel_loop3A_124] : memref<10240xf32, #tpu.memory_space<vmem>>[vector<16xi32>], vector<16xf32>,
        %parallel_loop3A_126 = arith.index_cast %add3A_59 : i32 to index
        %parallel_loop3A_127 = arith.index_cast %parallel_loop3A_117 : i32 to index
        %parallel_loop3A_128 = tpu.vector_load %arg23[%parallel_loop3A_126, %parallel_loop3A_127] {strides = array<i32>} : memref<79x128xf32, #tpu.memory_space<vmem>>, vector<16xf32>,
        %parallel_loop3A_129 = arith.mulf %parallel_loop3A_121, %parallel_loop3A_128 : vector<16xf32>
        %parallel_loop3A_130 = arith.mulf %parallel_loop3A_129, %parallel_loop3A_125 : vector<16xf32>
        %parallel_loop3A_131 = arith.index_cast %add3A_59 : i32 to index
        %parallel_loop3A_132 = arith.index_cast %parallel_loop3A_117 : i32 to index
        %parallel_loop3A_133 = tpu.vector_load %arg12[%parallel_loop3A_131, %parallel_loop3A_132] {strides = array<i32>} : memref<79x128xf32, #tpu.memory_space<vmem>>, vector<16xf32>,
        tpu.vector_store %arg12[%parallel_loop3A_131, %parallel_loop3A_132], %parallel_loop3A_130 {strides = array<i32>} : memref<79x128xf32, #tpu.memory_space<vmem>>, vector<16xf32>,
      } {sc.loop_unroll_factor = 1 : i64, sc.parallel_access}
      %dma_wait3A_95 = arith.constant 0 : i32
      %dma_wait3A_96 = tpu.memref_slice %arg11[%add3A_59, %dma_wait3A_95] : memref<79x128xi32, #tpu.memory_space<vmem>> -> memref<1x128xi32, #tpu.memory_space<vmem>>
      %dma_wait3A_97 = tpu.memref_squeeze %dma_wait3A_96 : memref<1x128xi32, #tpu.memory_space<vmem>> -> memref<128xi32, #tpu.memory_space<vmem>>
      %dma_wait3A_98 = arith.constant 0 : i32
      %dma_wait3A_99 = arith.constant 0 : i32
      %dma_wait3A_100 = tpu.memref_slice %arg6[%dma_wait3A_98, %dma_wait3A_99] : memref<10000x16xf32, #tpu.memory_space<hbm>> -> memref<10000x16xf32, #tpu.memory_space<hbm>>
      tpu.wait_indirect_dma semaphore(%arg20 : memref<!tpu.dma_semaphore, #tpu.memory_space<semaphore_mem>>) src(%dma_wait3A_100 : memref<10000x16xf32, #tpu.memory_space<hbm>>) dst(%arg14 : memref<128x16xf32, #tpu.memory_space<vmem>>)
      %gt3A_101 = arith.constant 0 : i32
      %gt3A_102 = arith.cmpi sgt, %scan3A_55, %gt3A_101 : i32
      %convert_element_type3A_103 = arith.extui %gt3A_102 : i1 to i32
      %cond3A_104 = arith.constant 0 : i32
      %cond3A_105 = arith.cmpi ne, %convert_element_type3A_103, %cond3A_104 : i32
      scf.if %cond3A_105 {
        %dma_wait3A_115 = arith.constant 0 : i32
        %dma_wait3A_116 = tpu.memref_slice %arg10[%add3A_59, %dma_wait3A_115] : memref<79x128xi32, #tpu.memory_space<vmem>> -> memref<1x128xi32, #tpu.memory_space<vmem>>
        %dma_wait3A_117 = tpu.memref_squeeze %dma_wait3A_116 : memref<1x128xi32, #tpu.memory_space<vmem>> -> memref<128xi32, #tpu.memory_space<vmem>>
        %dma_wait3A_118 = arith.constant 0 : i32
        %dma_wait3A_119 = arith.constant 0 : i32
        %dma_wait3A_120 = tpu.memref_slice %arg18[%dma_wait3A_118, %dma_wait3A_119] : memref<10240x16xf32, #tpu.memory_space<vmem_shared>> -> memref<10240x16xf32, #tpu.memory_space<vmem_shared>>
        tpu.wait_indirect_dma semaphore(%arg22 : memref<!tpu.dma_semaphore, #tpu.memory_space<semaphore_mem>>) src(%arg16 : memref<128x16xf32, #tpu.memory_space<vmem>>) dst(%dma_wait3A_120 : memref<10240x16xf32, #tpu.memory_space<vmem_shared>>)
      } else {
      }
      %parallel_loop3A_106 = arith.constant 0 : i32
      %parallel_loop3A_107 = arith.constant 128 : i32
      %parallel_loop3A_108 = arith.constant 1 : i32
      scf.for %parallel_loop3A_115 = %parallel_loop3A_106 to %parallel_loop3A_107 step %parallel_loop3A_108  : i32 {
        %parallel_loop3A_116 = vector.broadcast %add3A_59 : i32 to vector<16xi32>
        %parallel_loop3A_117 = vector.broadcast %parallel_loop3A_115 : i32 to vector<16xi32>
        %parallel_loop3A_118 = tpu.vector_load_idx %arg12[%parallel_loop3A_116, %parallel_loop3A_117] : memref<79x128xf32, #tpu.memory_space<vmem>>[vector<16xi32>, vector<16xi32>], vector<16xf32>,
        %parallel_loop3A_119 = arith.index_cast %parallel_loop3A_115 : i32 to index
        %parallel_loop3A_120 = arith.constant 0 : index
        %parallel_loop3A_121 = tpu.vector_load %arg14[%parallel_loop3A_119, %parallel_loop3A_120] {strides = array<i32>} : memref<128x16xf32, #tpu.memory_space<vmem>>, vector<16xf32>,
        %parallel_loop3A_122 = arith.mulf %parallel_loop3A_121, %parallel_loop3A_118 : vector<16xf32>
        %parallel_loop3A_123 = arith.index_cast %parallel_loop3A_115 : i32 to index
        %parallel_loop3A_124 = arith.constant 0 : index
        %parallel_loop3A_125 = tpu.vector_load %arg16[%parallel_loop3A_123, %parallel_loop3A_124] {strides = array<i32>} : memref<128x16xf32, #tpu.memory_space<vmem>>, vector<16xf32>,
        tpu.vector_store %arg16[%parallel_loop3A_123, %parallel_loop3A_124], %parallel_loop3A_122 {strides = array<i32>} : memref<128x16xf32, #tpu.memory_space<vmem>>, vector<16xf32>,
      } {sc.loop_unroll_factor = 16 : i64, sc.parallel_access}
      %dma_start3A_109 = arith.constant 0 : i32
      %dma_start3A_110 = tpu.memref_slice %arg10[%add3A_59, %dma_start3A_109] : memref<79x128xi32, #tpu.memory_space<vmem>> -> memref<1x128xi32, #tpu.memory_space<vmem>>
      %dma_start3A_111 = tpu.memref_squeeze %dma_start3A_110 : memref<1x128xi32, #tpu.memory_space<vmem>> -> memref<128xi32, #tpu.memory_space<vmem>>
      %dma_start3A_112 = arith.constant 0 : i32
      %dma_start3A_113 = arith.constant 0 : i32
      %dma_start3A_114 = tpu.memref_slice %arg18[%dma_start3A_112, %dma_start3A_113] : memref<10240x16xf32, #tpu.memory_space<vmem_shared>> -> memref<10240x16xf32, #tpu.memory_space<vmem_shared>>
      tpu.enqueue_indirect_dma source(%arg16 : memref<128x16xf32, #tpu.memory_space<vmem>>) target(%dma_start3A_114 : memref<10240x16xf32, #tpu.memory_space<vmem_shared>>) offsets(%dma_start3A_111 : memref<128xi32, #tpu.memory_space<vmem>>) semaphore(%arg22 : memref<!tpu.dma_semaphore, #tpu.memory_space<semaphore_mem>>) {add = true}
    }
    %scan3A_17 = arith.constant 39 : i32
    %dma_wait3A = arith.constant 0 : i32
    %dma_wait3A_18 = arith.constant 0 : i32
    %dma_wait3A_19 = tpu.memref_slice %arg10[%dma_wait3A, %dma_wait3A_18] : memref<79x128xi32, #tpu.memory_space<vmem>> -> memref<1x128xi32, #tpu.memory_space<vmem>>
    %dma_wait3A_20 = tpu.memref_squeeze %dma_wait3A_19 : memref<1x128xi32, #tpu.memory_space<vmem>> -> memref<128xi32, #tpu.memory_space<vmem>>
    %dma_wait3A_21 = arith.constant 0 : i32
    %dma_wait3A_22 = arith.constant 0 : i32
    %dma_wait3A_23 = tpu.memref_slice %arg18[%dma_wait3A_21, %dma_wait3A_22] : memref<10240x16xf32, #tpu.memory_space<vmem_shared>> -> memref<10240x16xf32, #tpu.memory_space<vmem_shared>>
    tpu.wait_indirect_dma semaphore(%arg21 : memref<!tpu.dma_semaphore, #tpu.memory_space<semaphore_mem>>) src(%arg15 : memref<128x16xf32, #tpu.memory_space<vmem>>) dst(%dma_wait3A_23 : memref<10240x16xf32, #tpu.memory_space<vmem_shared>>)
    %dma_wait3A_24 = arith.constant 0 : i32
    %dma_wait3A_25 = arith.constant 0 : i32
    %dma_wait3A_26 = tpu.memref_slice %arg10[%dma_wait3A_24, %dma_wait3A_25] : memref<79x128xi32, #tpu.memory_space<vmem>> -> memref<1x128xi32, #tpu.memory_space<vmem>>
    %dma_wait3A_27 = tpu.memref_squeeze %dma_wait3A_26 : memref<1x128xi32, #tpu.memory_space<vmem>> -> memref<128xi32, #tpu.memory_space<vmem>>
    %dma_wait3A_28 = arith.constant 0 : i32
    %dma_wait3A_29 = arith.constant 0 : i32
    %dma_wait3A_30 = tpu.memref_slice %arg18[%dma_wait3A_28, %dma_wait3A_29] : memref<10240x16xf32, #tpu.memory_space<vmem_shared>> -> memref<10240x16xf32, #tpu.memory_space<vmem_shared>>
    tpu.wait_indirect_dma semaphore(%arg22 : memref<!tpu.dma_semaphore, #tpu.memory_space<semaphore_mem>>) src(%arg16 : memref<128x16xf32, #tpu.memory_space<vmem>>) dst(%dma_wait3A_30 : memref<10240x16xf32, #tpu.memory_space<vmem_shared>>)
    %dma_start3A_31 = arith.constant 78 : i32
    %dma_start3A_32 = arith.constant 0 : i32
    %dma_start3A_33 = tpu.memref_slice %arg11[%dma_start3A_31, %dma_start3A_32] : memref<79x128xi32, #tpu.memory_space<vmem>> -> memref<1x128xi32, #tpu.memory_space<vmem>>
    %dma_start3A_34 = tpu.memref_squeeze %dma_start3A_33 : memref<1x128xi32, #tpu.memory_space<vmem>> -> memref<128xi32, #tpu.memory_space<vmem>>
    %dma_start3A_35 = arith.constant 0 : i32
    %dma_start3A_36 = arith.constant 0 : i32
    %dma_start3A_37 = tpu.memref_slice %arg6[%dma_start3A_35, %dma_start3A_36] : memref<10000x16xf32, #tpu.memory_space<hbm>> -> memref<10000x16xf32, #tpu.memory_space<hbm>>
    tpu.enqueue_indirect_dma source(%dma_start3A_37 : memref<10000x16xf32, #tpu.memory_space<hbm>>) target(%arg13 : memref<128x16xf32, #tpu.memory_space<vmem>>) offsets(%dma_start3A_34 : memref<128xi32, #tpu.memory_space<vmem>>) semaphore(%arg19 : memref<!tpu.dma_semaphore, #tpu.memory_space<semaphore_mem>>)
    %dma_wait3A_38 = arith.constant 78 : i32
    %dma_wait3A_39 = arith.constant 0 : i32
    %dma_wait3A_40 = tpu.memref_slice %arg11[%dma_wait3A_38, %dma_wait3A_39] : memref<79x128xi32, #tpu.memory_space<vmem>> -> memref<1x128xi32, #tpu.memory_space<vmem>>
    %dma_wait3A_41 = tpu.memref_squeeze %dma_wait3A_40 : memref<1x128xi32, #tpu.memory_space<vmem>> -> memref<128xi32, #tpu.memory_space<vmem>>
    %dma_wait3A_42 = arith.constant 0 : i32
    %dma_wait3A_43 = arith.constant 0 : i32
    %dma_wait3A_44 = tpu.memref_slice %arg6[%dma_wait3A_42, %dma_wait3A_43] : memref<10000x16xf32, #tpu.memory_space<hbm>> -> memref<10000x16xf32, #tpu.memory_space<hbm>>
    tpu.wait_indirect_dma semaphore(%arg19 : memref<!tpu.dma_semaphore, #tpu.memory_space<semaphore_mem>>) src(%dma_wait3A_44 : memref<10000x16xf32, #tpu.memory_space<hbm>>) dst(%arg13 : memref<128x16xf32, #tpu.memory_space<vmem>>)
    %parallel_loop3A = arith.constant 0 : i32
    %parallel_loop3A_45 = arith.constant 8 : i32
    %parallel_loop3A_46 = arith.constant 1 : i32
    scf.for %parallel_loop3A_55 = %parallel_loop3A to %parallel_loop3A_45 step %parallel_loop3A_46  : i32 {
      %parallel_loop3A_56 = arith.constant 16 : i32
      %parallel_loop3A_57 = arith.muli %parallel_loop3A_55, %parallel_loop3A_56 : i32
      %parallel_loop3A_58 = arith.constant 78 : i32
      %parallel_loop3A_59 = arith.index_cast %parallel_loop3A_58 : i32 to index
      %parallel_loop3A_60 = arith.index_cast %parallel_loop3A_57 : i32 to index
      %parallel_loop3A_61 = tpu.vector_load %arg10[%parallel_loop3A_59, %parallel_loop3A_60] {strides = array<i32>} : memref<79x128xi32, #tpu.memory_space<vmem>>, vector<16xi32>,
      %parallel_loop3A_62 = tpu.vector_load_idx %arg24[%parallel_loop3A_61] : memref<10240xf32, #tpu.memory_space<vmem>>[vector<16xi32>], vector<16xf32>,
      %parallel_loop3A_63 = arith.constant 78 : i32
      %parallel_loop3A_64 = arith.index_cast %parallel_loop3A_63 : i32 to index
      %parallel_loop3A_65 = arith.index_cast %parallel_loop3A_57 : i32 to index
      %parallel_loop3A_66 = tpu.vector_load %arg11[%parallel_loop3A_64, %parallel_loop3A_65] {strides = array<i32>} : memref<79x128xi32, #tpu.memory_space<vmem>>, vector<16xi32>,
      %parallel_loop3A_67 = tpu.vector_load_idx %arg24[%parallel_loop3A_66] : memref<10240xf32, #tpu.memory_space<vmem>>[vector<16xi32>], vector<16xf32>,
      %parallel_loop3A_68 = arith.constant 78 : i32
      %parallel_loop3A_69 = arith.index_cast %parallel_loop3A_68 : i32 to index
      %parallel_loop3A_70 = arith.index_cast %parallel_loop3A_57 : i32 to index
      %parallel_loop3A_71 = tpu.vector_load %arg23[%parallel_loop3A_69, %parallel_loop3A_70] {strides = array<i32>} : memref<79x128xf32, #tpu.memory_space<vmem>>, vector<16xf32>,
      %parallel_loop3A_72 = arith.mulf %parallel_loop3A_62, %parallel_loop3A_71 : vector<16xf32>
      %parallel_loop3A_73 = arith.mulf %parallel_loop3A_72, %parallel_loop3A_67 : vector<16xf32>
      %parallel_loop3A_74 = arith.constant 78 : i32
      %parallel_loop3A_75 = arith.index_cast %parallel_loop3A_74 : i32 to index
      %parallel_loop3A_76 = arith.index_cast %parallel_loop3A_57 : i32 to index
      %parallel_loop3A_77 = tpu.vector_load %arg12[%parallel_loop3A_75, %parallel_loop3A_76] {strides = array<i32>} : memref<79x128xf32, #tpu.memory_space<vmem>>, vector<16xf32>,
      tpu.vector_store %arg12[%parallel_loop3A_75, %parallel_loop3A_76], %parallel_loop3A_73 {strides = array<i32>} : memref<79x128xf32, #tpu.memory_space<vmem>>, vector<16xf32>,
    } {sc.loop_unroll_factor = 1 : i64, sc.parallel_access}
    %parallel_loop3A_47 = arith.constant 0 : i32
    %parallel_loop3A_48 = arith.constant 128 : i32
    %parallel_loop3A_49 = arith.constant 1 : i32
    scf.for %parallel_loop3A_55 = %parallel_loop3A_47 to %parallel_loop3A_48 step %parallel_loop3A_49  : i32 {
      %parallel_loop3A_56 = arith.constant 78 : i32
      %parallel_loop3A_57 = vector.broadcast %parallel_loop3A_56 : i32 to vector<16xi32>
      %parallel_loop3A_58 = vector.broadcast %parallel_loop3A_55 : i32 to vector<16xi32>
      %parallel_loop3A_59 = tpu.vector_load_idx %arg12[%parallel_loop3A_57, %parallel_loop3A_58] : memref<79x128xf32, #tpu.memory_space<vmem>>[vector<16xi32>, vector<16xi32>], vector<16xf32>,
      %parallel_loop3A_60 = arith.index_cast %parallel_loop3A_55 : i32 to index
      %parallel_loop3A_61 = arith.constant 0 : index
      %parallel_loop3A_62 = tpu.vector_load %arg13[%parallel_loop3A_60, %parallel_loop3A_61] {strides = array<i32>} : memref<128x16xf32, #tpu.memory_space<vmem>>, vector<16xf32>,
      %parallel_loop3A_63 = arith.mulf %parallel_loop3A_62, %parallel_loop3A_59 : vector<16xf32>
      %parallel_loop3A_64 = arith.index_cast %parallel_loop3A_55 : i32 to index
      %parallel_loop3A_65 = arith.constant 0 : index
      %parallel_loop3A_66 = tpu.vector_load %arg15[%parallel_loop3A_64, %parallel_loop3A_65] {strides = array<i32>} : memref<128x16xf32, #tpu.memory_space<vmem>>, vector<16xf32>,
      tpu.vector_store %arg15[%parallel_loop3A_64, %parallel_loop3A_65], %parallel_loop3A_63 {strides = array<i32>} : memref<128x16xf32, #tpu.memory_space<vmem>>, vector<16xf32>,
    } {sc.loop_unroll_factor = 16 : i64, sc.parallel_access}
    %run_scoped3A = arith.constant 78 : i32
    "tpu.region"() ({
      %run_scoped3A_55 = tpu.sem_alloc : memref<!tpu.dma_semaphore, #tpu.memory_space<semaphore_mem>>
      %dma_start3A_56 = arith.constant 0 : i32
      %dma_start3A_57 = tpu.memref_slice %arg10[%run_scoped3A, %dma_start3A_56] : memref<79x128xi32, #tpu.memory_space<vmem>> -> memref<1x128xi32, #tpu.memory_space<vmem>>
      %dma_start3A_58 = tpu.memref_squeeze %dma_start3A_57 : memref<1x128xi32, #tpu.memory_space<vmem>> -> memref<128xi32, #tpu.memory_space<vmem>>
      %dma_start3A_59 = arith.constant 0 : i32
      %dma_start3A_60 = arith.constant 0 : i32
      %dma_start3A_61 = tpu.memref_slice %arg18[%dma_start3A_59, %dma_start3A_60] : memref<10240x16xf32, #tpu.memory_space<vmem_shared>> -> memref<10240x16xf32, #tpu.memory_space<vmem_shared>>
      tpu.enqueue_indirect_dma source(%arg15 : memref<128x16xf32, #tpu.memory_space<vmem>>) target(%dma_start3A_61 : memref<10240x16xf32, #tpu.memory_space<vmem_shared>>) offsets(%dma_start3A_58 : memref<128xi32, #tpu.memory_space<vmem>>) semaphore(%run_scoped3A_55 : memref<!tpu.dma_semaphore, #tpu.memory_space<semaphore_mem>>) {add = true}
      %dma_wait3A_62 = arith.constant 0 : i32
      %dma_wait3A_63 = tpu.memref_slice %arg10[%run_scoped3A, %dma_wait3A_62] : memref<79x128xi32, #tpu.memory_space<vmem>> -> memref<1x128xi32, #tpu.memory_space<vmem>>
      %dma_wait3A_64 = tpu.memref_squeeze %dma_wait3A_63 : memref<1x128xi32, #tpu.memory_space<vmem>> -> memref<128xi32, #tpu.memory_space<vmem>>
      %dma_wait3A_65 = arith.constant 0 : i32
      %dma_wait3A_66 = arith.constant 0 : i32
      %dma_wait3A_67 = tpu.memref_slice %arg18[%dma_wait3A_65, %dma_wait3A_66] : memref<10240x16xf32, #tpu.memory_space<vmem_shared>> -> memref<10240x16xf32, #tpu.memory_space<vmem_shared>>
      tpu.wait_indirect_dma semaphore(%run_scoped3A_55 : memref<!tpu.dma_semaphore, #tpu.memory_space<semaphore_mem>>) src(%arg15 : memref<128x16xf32, #tpu.memory_space<vmem>>) dst(%dma_wait3A_67 : memref<10240x16xf32, #tpu.memory_space<vmem_shared>>)
      tpu.yield
    }) : () -> ()
    "tpu.region"() ({
      %run_scoped3A_55 = tpu.sem_alloc : memref<!tpu.dma_semaphore, #tpu.memory_space<semaphore_mem>>
      %dma_start3A_56 = arith.constant 0 : i32
      %dma_start3A_57 = tpu.memref_slice %arg9[%mul3A_4, %dma_start3A_56] : memref<2528x128xf32, #tpu.memory_space<hbm>> -> memref<79x128xf32, #tpu.memory_space<hbm>>
      %dma_start3A_58 = arith.constant 0 : i32
      %dma_start3A_59 = tpu.memref_slice %arg9[%mul3A_4, %dma_start3A_58] : memref<2528x128xf32, #tpu.memory_space<hbm>> -> memref<79x128xf32, #tpu.memory_space<hbm>>
      tpu.enqueue_dma source(%arg12 : memref<79x128xf32, #tpu.memory_space<vmem>>) target(%dma_start3A_59 : memref<79x128xf32, #tpu.memory_space<hbm>>) target_semaphore(%run_scoped3A_55 : memref<!tpu.dma_semaphore, #tpu.memory_space<semaphore_mem>>)
      %dma_wait3A_60 = arith.constant 0 : i32
      %dma_wait3A_61 = tpu.memref_slice %arg9[%mul3A_4, %dma_wait3A_60] : memref<2528x128xf32, #tpu.memory_space<hbm>> -> memref<79x128xf32, #tpu.memory_space<hbm>>
      %dma_wait3A_62 = arith.constant 0 : i32
      %dma_wait3A_63 = tpu.memref_slice %arg9[%mul3A_4, %dma_wait3A_62] : memref<2528x128xf32, #tpu.memory_space<hbm>> -> memref<79x128xf32, #tpu.memory_space<hbm>>
      tpu.wait_dma2 semaphore(%run_scoped3A_55 : memref<!tpu.dma_semaphore, #tpu.memory_space<semaphore_mem>>) src(%arg12 : memref<79x128xf32, #tpu.memory_space<vmem>>) dst(%dma_wait3A_63 : memref<79x128xf32, #tpu.memory_space<hbm>>)
      tpu.yield
    }) : () -> ()
    %barrier3A_50 = arith.constant 0 : index
    tpu.barrier barrier_id(%barrier3A_50)
    %mul3A_51 = arith.constant 640 : i32
    %mul3A_52 = arith.muli %arg1, %mul3A_51 : i32
    "tpu.region"() ({
      %run_scoped3A_55 = tpu.sem_alloc : memref<!tpu.dma_semaphore, #tpu.memory_space<semaphore_mem>>
      %dma_start3A_56 = arith.constant 0 : i32
      %dma_start3A_57 = tpu.memref_slice %arg18[%mul3A_52, %dma_start3A_56] : memref<10240x16xf32, #tpu.memory_space<vmem_shared>> -> memref<640x16xf32, #tpu.memory_space<vmem_shared>>
      %dma_start3A_58 = arith.constant 0 : i32
      %dma_start3A_59 = tpu.memref_slice %arg18[%mul3A_52, %dma_start3A_58] : memref<10240x16xf32, #tpu.memory_space<vmem_shared>> -> memref<640x16xf32, #tpu.memory_space<vmem_shared>>
      tpu.enqueue_dma source(%dma_start3A_59 : memref<640x16xf32, #tpu.memory_space<vmem_shared>>) target(%arg17 : memref<640x16xf32, #tpu.memory_space<vmem>>) target_semaphore(%run_scoped3A_55 : memref<!tpu.dma_semaphore, #tpu.memory_space<semaphore_mem>>)
      %dma_wait3A_60 = arith.constant 0 : i32
      %dma_wait3A_61 = tpu.memref_slice %arg18[%mul3A_52, %dma_wait3A_60] : memref<10240x16xf32, #tpu.memory_space<vmem_shared>> -> memref<640x16xf32, #tpu.memory_space<vmem_shared>>
      %dma_wait3A_62 = arith.constant 0 : i32
      %dma_wait3A_63 = tpu.memref_slice %arg18[%mul3A_52, %dma_wait3A_62] : memref<10240x16xf32, #tpu.memory_space<vmem_shared>> -> memref<640x16xf32, #tpu.memory_space<vmem_shared>>
      tpu.wait_dma2 semaphore(%run_scoped3A_55 : memref<!tpu.dma_semaphore, #tpu.memory_space<semaphore_mem>>) src(%dma_wait3A_63 : memref<640x16xf32, #tpu.memory_space<vmem_shared>>) dst(%arg17 : memref<640x16xf32, #tpu.memory_space<vmem>>)
      tpu.yield
    }) : () -> ()
    %mul3A_53 = arith.constant 640 : i32
    %mul3A_54 = arith.muli %arg1, %mul3A_53 : i32
    "tpu.region"() ({
      %run_scoped3A_55 = tpu.sem_alloc : memref<!tpu.dma_semaphore, #tpu.memory_space<semaphore_mem>>
      %dma_start3A_56 = arith.constant 0 : i32
      %dma_start3A_57 = tpu.memref_slice %arg8[%arg0, %mul3A_54, %dma_start3A_56] : memref<2x10240x16xf32, #tpu.memory_space<hbm>> -> memref<1x640x16xf32, #tpu.memory_space<hbm>>
      %dma_start3A_58 = tpu.memref_squeeze %dma_start3A_57 : memref<1x640x16xf32, #tpu.memory_space<hbm>> -> memref<640x16xf32, #tpu.memory_space<hbm>>
      %dma_start3A_59 = arith.constant 0 : i32
      %dma_start3A_60 = tpu.memref_slice %arg8[%arg0, %mul3A_54, %dma_start3A_59] : memref<2x10240x16xf32, #tpu.memory_space<hbm>> -> memref<1x640x16xf32, #tpu.memory_space<hbm>>
      %dma_start3A_61 = tpu.memref_squeeze %dma_start3A_60 : memref<1x640x16xf32, #tpu.memory_space<hbm>> -> memref<640x16xf32, #tpu.memory_space<hbm>>
      tpu.enqueue_dma source(%arg17 : memref<640x16xf32, #tpu.memory_space<vmem>>) target(%dma_start3A_61 : memref<640x16xf32, #tpu.memory_space<hbm>>) target_semaphore(%run_scoped3A_55 : memref<!tpu.dma_semaphore, #tpu.memory_space<semaphore_mem>>)
      %dma_wait3A_62 = arith.constant 0 : i32
      %dma_wait3A_63 = tpu.memref_slice %arg8[%arg0, %mul3A_54, %dma_wait3A_62] : memref<2x10240x16xf32, #tpu.memory_space<hbm>> -> memref<1x640x16xf32, #tpu.memory_space<hbm>>
      %dma_wait3A_64 = tpu.memref_squeeze %dma_wait3A_63 : memref<1x640x16xf32, #tpu.memory_space<hbm>> -> memref<640x16xf32, #tpu.memory_space<hbm>>
      %dma_wait3A_65 = arith.constant 0 : i32
      %dma_wait3A_66 = tpu.memref_slice %arg8[%arg0, %mul3A_54, %dma_wait3A_65] : memref<2x10240x16xf32, #tpu.memory_space<hbm>> -> memref<1x640x16xf32, #tpu.memory_space<hbm>>
      %dma_wait3A_67 = tpu.memref_squeeze %dma_wait3A_66 : memref<1x640x16xf32, #tpu.memory_space<hbm>> -> memref<640x16xf32, #tpu.memory_space<hbm>>
      tpu.wait_dma2 semaphore(%run_scoped3A_55 : memref<!tpu.dma_semaphore, #tpu.memory_space<semaphore_mem>>) src(%arg17 : memref<640x16xf32, #tpu.memory_space<vmem>>) dst(%dma_wait3A_67 : memref<640x16xf32, #tpu.memory_space<hbm>>)
      tpu.yield
    }) : () -> ()
    return
  }
}

#map = affine_map<(d0, d1) -> (0, 0)>
#map1 = affine_map<(d0, d1) -> (0)>
module attributes {stable_mosaic.version = 14 : i64} {
  func.func @deg_kernel(%arg0: i32, %arg1: i32, %arg2: memref<2528x128xi32, #tpu.memory_space<hbm>>, %arg3: memref<2528x128xf32, #tpu.memory_space<hbm>>, %arg4: memref<640xf32, #tpu.memory_space<hbm>>, %arg5: memref<2x10240xf32, #tpu.memory_space<hbm>>, %arg6: memref<79x128xi32, #tpu.memory_space<vmem>>, %arg7: memref<79x128xf32, #tpu.memory_space<vmem>>, %arg8: memref<640xf32, #tpu.memory_space<vmem>>, %arg9: memref<10240xf32, #tpu.memory_space<vmem_shared>>) attributes {dimension_semantics = [#tpu.dimension_semantics<core_parallel>, #tpu.dimension_semantics<subcore_parallel>], iteration_bounds = array<i64: 2, 16>, scalar_prefetch = 0 : i64, scratch_operands = 4 : i64, tpu.core_type = #tpu.core_type<sc_vector_subcore>, window_params = [{transform_indices = #map}, {transform_indices = #map}, {transform_indices = #map1}, {transform_indices = #map}]} {
    %mul3A = arith.constant 2 : i32
    %mul3A_0 = arith.muli %arg1, %mul3A : i32
    %add3A = arith.addi %mul3A_0, %arg0 : i32
    "tpu.region"() ({
      %run_scoped3A = tpu.sem_alloc : memref<!tpu.dma_semaphore, #tpu.memory_space<semaphore_mem>>
      tpu.enqueue_dma source(%arg4 : memref<640xf32, #tpu.memory_space<hbm>>) target(%arg8 : memref<640xf32, #tpu.memory_space<vmem>>) target_semaphore(%run_scoped3A : memref<!tpu.dma_semaphore, #tpu.memory_space<semaphore_mem>>)
      tpu.wait_dma2 semaphore(%run_scoped3A : memref<!tpu.dma_semaphore, #tpu.memory_space<semaphore_mem>>) src(%arg4 : memref<640xf32, #tpu.memory_space<hbm>>) dst(%arg8 : memref<640xf32, #tpu.memory_space<vmem>>)
      tpu.yield
    }) : () -> ()
    %mul3A_1 = arith.constant 640 : i32
    %mul3A_2 = arith.muli %arg1, %mul3A_1 : i32
    "tpu.region"() ({
      %run_scoped3A = tpu.sem_alloc : memref<!tpu.dma_semaphore, #tpu.memory_space<semaphore_mem>>
      %dma_start3A = tpu.memref_slice %arg9[%mul3A_2] : memref<10240xf32, #tpu.memory_space<vmem_shared>> -> memref<640xf32, #tpu.memory_space<vmem_shared>>
      %dma_start3A_17 = tpu.memref_slice %arg9[%mul3A_2] : memref<10240xf32, #tpu.memory_space<vmem_shared>> -> memref<640xf32, #tpu.memory_space<vmem_shared>>
      tpu.enqueue_dma source(%arg8 : memref<640xf32, #tpu.memory_space<vmem>>) target(%dma_start3A_17 : memref<640xf32, #tpu.memory_space<vmem_shared>>) target_semaphore(%run_scoped3A : memref<!tpu.dma_semaphore, #tpu.memory_space<semaphore_mem>>)
      %dma_wait3A = tpu.memref_slice %arg9[%mul3A_2] : memref<10240xf32, #tpu.memory_space<vmem_shared>> -> memref<640xf32, #tpu.memory_space<vmem_shared>>
      %dma_wait3A_18 = tpu.memref_slice %arg9[%mul3A_2] : memref<10240xf32, #tpu.memory_space<vmem_shared>> -> memref<640xf32, #tpu.memory_space<vmem_shared>>
      tpu.wait_dma2 semaphore(%run_scoped3A : memref<!tpu.dma_semaphore, #tpu.memory_space<semaphore_mem>>) src(%arg8 : memref<640xf32, #tpu.memory_space<vmem>>) dst(%dma_wait3A_18 : memref<640xf32, #tpu.memory_space<vmem_shared>>)
      tpu.yield
    }) : () -> ()
    %barrier3A = arith.constant 0 : index
    tpu.barrier barrier_id(%barrier3A)
    %mul3A_3 = arith.constant 79 : i32
    %mul3A_4 = arith.muli %add3A, %mul3A_3 : i32
    "tpu.region"() ({
      %run_scoped3A = tpu.sem_alloc : memref<!tpu.dma_semaphore, #tpu.memory_space<semaphore_mem>>
      %dma_start3A = arith.constant 0 : i32
      %dma_start3A_17 = tpu.memref_slice %arg2[%mul3A_4, %dma_start3A] : memref<2528x128xi32, #tpu.memory_space<hbm>> -> memref<79x128xi32, #tpu.memory_space<hbm>>
      %dma_start3A_18 = arith.constant 0 : i32
      %dma_start3A_19 = tpu.memref_slice %arg2[%mul3A_4, %dma_start3A_18] : memref<2528x128xi32, #tpu.memory_space<hbm>> -> memref<79x128xi32, #tpu.memory_space<hbm>>
      tpu.enqueue_dma source(%dma_start3A_19 : memref<79x128xi32, #tpu.memory_space<hbm>>) target(%arg6 : memref<79x128xi32, #tpu.memory_space<vmem>>) target_semaphore(%run_scoped3A : memref<!tpu.dma_semaphore, #tpu.memory_space<semaphore_mem>>)
      %dma_wait3A = arith.constant 0 : i32
      %dma_wait3A_20 = tpu.memref_slice %arg2[%mul3A_4, %dma_wait3A] : memref<2528x128xi32, #tpu.memory_space<hbm>> -> memref<79x128xi32, #tpu.memory_space<hbm>>
      %dma_wait3A_21 = arith.constant 0 : i32
      %dma_wait3A_22 = tpu.memref_slice %arg2[%mul3A_4, %dma_wait3A_21] : memref<2528x128xi32, #tpu.memory_space<hbm>> -> memref<79x128xi32, #tpu.memory_space<hbm>>
      tpu.wait_dma2 semaphore(%run_scoped3A : memref<!tpu.dma_semaphore, #tpu.memory_space<semaphore_mem>>) src(%dma_wait3A_22 : memref<79x128xi32, #tpu.memory_space<hbm>>) dst(%arg6 : memref<79x128xi32, #tpu.memory_space<vmem>>)
      tpu.yield
    }) : () -> ()
    %mul3A_5 = arith.constant 79 : i32
    %mul3A_6 = arith.muli %add3A, %mul3A_5 : i32
    "tpu.region"() ({
      %run_scoped3A = tpu.sem_alloc : memref<!tpu.dma_semaphore, #tpu.memory_space<semaphore_mem>>
      %dma_start3A = arith.constant 0 : i32
      %dma_start3A_17 = tpu.memref_slice %arg3[%mul3A_6, %dma_start3A] : memref<2528x128xf32, #tpu.memory_space<hbm>> -> memref<79x128xf32, #tpu.memory_space<hbm>>
      %dma_start3A_18 = arith.constant 0 : i32
      %dma_start3A_19 = tpu.memref_slice %arg3[%mul3A_6, %dma_start3A_18] : memref<2528x128xf32, #tpu.memory_space<hbm>> -> memref<79x128xf32, #tpu.memory_space<hbm>>
      tpu.enqueue_dma source(%dma_start3A_19 : memref<79x128xf32, #tpu.memory_space<hbm>>) target(%arg7 : memref<79x128xf32, #tpu.memory_space<vmem>>) target_semaphore(%run_scoped3A : memref<!tpu.dma_semaphore, #tpu.memory_space<semaphore_mem>>)
      %dma_wait3A = arith.constant 0 : i32
      %dma_wait3A_20 = tpu.memref_slice %arg3[%mul3A_6, %dma_wait3A] : memref<2528x128xf32, #tpu.memory_space<hbm>> -> memref<79x128xf32, #tpu.memory_space<hbm>>
      %dma_wait3A_21 = arith.constant 0 : i32
      %dma_wait3A_22 = tpu.memref_slice %arg3[%mul3A_6, %dma_wait3A_21] : memref<2528x128xf32, #tpu.memory_space<hbm>> -> memref<79x128xf32, #tpu.memory_space<hbm>>
      tpu.wait_dma2 semaphore(%run_scoped3A : memref<!tpu.dma_semaphore, #tpu.memory_space<semaphore_mem>>) src(%dma_wait3A_22 : memref<79x128xf32, #tpu.memory_space<hbm>>) dst(%arg7 : memref<79x128xf32, #tpu.memory_space<vmem>>)
      tpu.yield
    }) : () -> ()
    %scan3A = arith.constant 0 : i32
    %scan3A_7 = arith.constant 0 : i32
    %scan3A_8 = arith.constant 79 : i32
    %scan3A_9 = arith.addi %scan3A_7, %scan3A_8 : i32
    %scan3A_10 = arith.constant 1 : i32
    scf.for %scan3A_17 = %scan3A_7 to %scan3A_9 step %scan3A_10  : i32 {
      "tpu.region"() ({
        %run_scoped3A = tpu.sem_alloc : memref<!tpu.dma_semaphore, #tpu.memory_space<semaphore_mem>>
        %dma_start3A = arith.constant 0 : i32
        %dma_start3A_18 = tpu.memref_slice %arg7[%scan3A_17, %dma_start3A] : memref<79x128xf32, #tpu.memory_space<vmem>> -> memref<1x128xf32, #tpu.memory_space<vmem>>
        %dma_start3A_19 = tpu.memref_squeeze %dma_start3A_18 : memref<1x128xf32, #tpu.memory_space<vmem>> -> memref<128xf32, #tpu.memory_space<vmem>>
        %dma_start3A_20 = arith.constant 0 : i32
        %dma_start3A_21 = tpu.memref_slice %arg6[%scan3A_17, %dma_start3A_20] : memref<79x128xi32, #tpu.memory_space<vmem>> -> memref<1x128xi32, #tpu.memory_space<vmem>>
        %dma_start3A_22 = tpu.memref_squeeze %dma_start3A_21 : memref<1x128xi32, #tpu.memory_space<vmem>> -> memref<128xi32, #tpu.memory_space<vmem>>
        %dma_start3A_23 = arith.constant 0 : i32
        %dma_start3A_24 = tpu.memref_slice %arg9[%dma_start3A_23] : memref<10240xf32, #tpu.memory_space<vmem_shared>> -> memref<10240xf32, #tpu.memory_space<vmem_shared>>
        tpu.enqueue_indirect_dma source(%dma_start3A_19 : memref<128xf32, #tpu.memory_space<vmem>>) target(%dma_start3A_24 : memref<10240xf32, #tpu.memory_space<vmem_shared>>) offsets(%dma_start3A_22 : memref<128xi32, #tpu.memory_space<vmem>>) semaphore(%run_scoped3A : memref<!tpu.dma_semaphore, #tpu.memory_space<semaphore_mem>>) {add = true}
        %dma_wait3A = arith.constant 0 : i32
        %dma_wait3A_25 = tpu.memref_slice %arg7[%scan3A_17, %dma_wait3A] : memref<79x128xf32, #tpu.memory_space<vmem>> -> memref<1x128xf32, #tpu.memory_space<vmem>>
        %dma_wait3A_26 = tpu.memref_squeeze %dma_wait3A_25 : memref<1x128xf32, #tpu.memory_space<vmem>> -> memref<128xf32, #tpu.memory_space<vmem>>
        %dma_wait3A_27 = arith.constant 0 : i32
        %dma_wait3A_28 = tpu.memref_slice %arg6[%scan3A_17, %dma_wait3A_27] : memref<79x128xi32, #tpu.memory_space<vmem>> -> memref<1x128xi32, #tpu.memory_space<vmem>>
        %dma_wait3A_29 = tpu.memref_squeeze %dma_wait3A_28 : memref<1x128xi32, #tpu.memory_space<vmem>> -> memref<128xi32, #tpu.memory_space<vmem>>
        %dma_wait3A_30 = arith.constant 0 : i32
        %dma_wait3A_31 = tpu.memref_slice %arg9[%dma_wait3A_30] : memref<10240xf32, #tpu.memory_space<vmem_shared>> -> memref<10240xf32, #tpu.memory_space<vmem_shared>>
        tpu.wait_indirect_dma semaphore(%run_scoped3A : memref<!tpu.dma_semaphore, #tpu.memory_space<semaphore_mem>>) src(%dma_wait3A_26 : memref<128xf32, #tpu.memory_space<vmem>>) dst(%dma_wait3A_31 : memref<10240xf32, #tpu.memory_space<vmem_shared>>)
        tpu.yield
      }) : () -> ()
    }
    %scan3A_11 = arith.constant 79 : i32
    %barrier3A_12 = arith.constant 0 : index
    tpu.barrier barrier_id(%barrier3A_12)
    %mul3A_13 = arith.constant 640 : i32
    %mul3A_14 = arith.muli %arg1, %mul3A_13 : i32
    "tpu.region"() ({
      %run_scoped3A = tpu.sem_alloc : memref<!tpu.dma_semaphore, #tpu.memory_space<semaphore_mem>>
      %dma_start3A = tpu.memref_slice %arg9[%mul3A_14] : memref<10240xf32, #tpu.memory_space<vmem_shared>> -> memref<640xf32, #tpu.memory_space<vmem_shared>>
      %dma_start3A_17 = tpu.memref_slice %arg9[%mul3A_14] : memref<10240xf32, #tpu.memory_space<vmem_shared>> -> memref<640xf32, #tpu.memory_space<vmem_shared>>
      tpu.enqueue_dma source(%dma_start3A_17 : memref<640xf32, #tpu.memory_space<vmem_shared>>) target(%arg8 : memref<640xf32, #tpu.memory_space<vmem>>) target_semaphore(%run_scoped3A : memref<!tpu.dma_semaphore, #tpu.memory_space<semaphore_mem>>)
      %dma_wait3A = tpu.memref_slice %arg9[%mul3A_14] : memref<10240xf32, #tpu.memory_space<vmem_shared>> -> memref<640xf32, #tpu.memory_space<vmem_shared>>
      %dma_wait3A_18 = tpu.memref_slice %arg9[%mul3A_14] : memref<10240xf32, #tpu.memory_space<vmem_shared>> -> memref<640xf32, #tpu.memory_space<vmem_shared>>
      tpu.wait_dma2 semaphore(%run_scoped3A : memref<!tpu.dma_semaphore, #tpu.memory_space<semaphore_mem>>) src(%dma_wait3A_18 : memref<640xf32, #tpu.memory_space<vmem_shared>>) dst(%arg8 : memref<640xf32, #tpu.memory_space<vmem>>)
      tpu.yield
    }) : () -> ()
    %mul3A_15 = arith.constant 640 : i32
    %mul3A_16 = arith.muli %arg1, %mul3A_15 : i32
    "tpu.region"() ({
      %run_scoped3A = tpu.sem_alloc : memref<!tpu.dma_semaphore, #tpu.memory_space<semaphore_mem>>
      %dma_start3A = tpu.memref_slice %arg5[%arg0, %mul3A_16] : memref<2x10240xf32, #tpu.memory_space<hbm>> -> memref<1x640xf32, #tpu.memory_space<hbm>>
      %dma_start3A_17 = tpu.memref_squeeze %dma_start3A : memref<1x640xf32, #tpu.memory_space<hbm>> -> memref<640xf32, #tpu.memory_space<hbm>>
      %dma_start3A_18 = tpu.memref_slice %arg5[%arg0, %mul3A_16] : memref<2x10240xf32, #tpu.memory_space<hbm>> -> memref<1x640xf32, #tpu.memory_space<hbm>>
      %dma_start3A_19 = tpu.memref_squeeze %dma_start3A_18 : memref<1x640xf32, #tpu.memory_space<hbm>> -> memref<640xf32, #tpu.memory_space<hbm>>
      tpu.enqueue_dma source(%arg8 : memref<640xf32, #tpu.memory_space<vmem>>) target(%dma_start3A_19 : memref<640xf32, #tpu.memory_space<hbm>>) target_semaphore(%run_scoped3A : memref<!tpu.dma_semaphore, #tpu.memory_space<semaphore_mem>>)
      %dma_wait3A = tpu.memref_slice %arg5[%arg0, %mul3A_16] : memref<2x10240xf32, #tpu.memory_space<hbm>> -> memref<1x640xf32, #tpu.memory_space<hbm>>
      %dma_wait3A_20 = tpu.memref_squeeze %dma_wait3A : memref<1x640xf32, #tpu.memory_space<hbm>> -> memref<640xf32, #tpu.memory_space<hbm>>
      %dma_wait3A_21 = tpu.memref_slice %arg5[%arg0, %mul3A_16] : memref<2x10240xf32, #tpu.memory_space<hbm>> -> memref<1x640xf32, #tpu.memory_space<hbm>>
      %dma_wait3A_22 = tpu.memref_squeeze %dma_wait3A_21 : memref<1x640xf32, #tpu.memory_space<hbm>> -> memref<640xf32, #tpu.memory_space<hbm>>
      tpu.wait_dma2 semaphore(%run_scoped3A : memref<!tpu.dma_semaphore, #tpu.memory_space<semaphore_mem>>) src(%arg8 : memref<640xf32, #tpu.memory_space<vmem>>) dst(%dma_wait3A_22 : memref<640xf32, #tpu.memory_space<hbm>>)
      tpu.yield
    }) : () -> ()
    return
  }
}

#map = affine_map<(d0, d1) -> (0, 0)>
#map1 = affine_map<(d0, d1) -> (0, 0, 0)>
module attributes {stable_mosaic.version = 14 : i64} {
  func.func @agg_kernel(%arg0: i32, %arg1: i32, %arg2: memref<2528x128xi32, #tpu.memory_space<hbm>>, %arg3: memref<2528x128xi32, #tpu.memory_space<hbm>>, %arg4: memref<2528x128xf32, #tpu.memory_space<hbm>>, %arg5: memref<10000x16xf32, #tpu.memory_space<hbm>>, %arg6: memref<640x16xf32, #tpu.memory_space<hbm>>, %arg7: memref<2x10240x16xf32, #tpu.memory_space<hbm>>, %arg8: memref<79x128xi32, #tpu.memory_space<vmem>>, %arg9: memref<79x128xi32, #tpu.memory_space<vmem>>, %arg10: memref<79x128xf32, #tpu.memory_space<vmem>>, %arg11: memref<128x16xf32, #tpu.memory_space<vmem>>, %arg12: memref<128x16xf32, #tpu.memory_space<vmem>>, %arg13: memref<128x16xf32, #tpu.memory_space<vmem>>, %arg14: memref<128x16xf32, #tpu.memory_space<vmem>>, %arg15: memref<640x16xf32, #tpu.memory_space<vmem>>, %arg16: memref<10240x16xf32, #tpu.memory_space<vmem_shared>>, %arg17: memref<!tpu.dma_semaphore, #tpu.memory_space<semaphore_mem>>, %arg18: memref<!tpu.dma_semaphore, #tpu.memory_space<semaphore_mem>>, %arg19: memref<!tpu.dma_semaphore, #tpu.memory_space<semaphore_mem>>, %arg20: memref<!tpu.dma_semaphore, #tpu.memory_space<semaphore_mem>>) attributes {dimension_semantics = [#tpu.dimension_semantics<core_parallel>, #tpu.dimension_semantics<subcore_parallel>], iteration_bounds = array<i64: 2, 16>, scalar_prefetch = 0 : i64, scratch_operands = 13 : i64, tpu.core_type = #tpu.core_type<sc_vector_subcore>, window_params = [{transform_indices = #map}, {transform_indices = #map}, {transform_indices = #map}, {transform_indices = #map}, {transform_indices = #map}, {transform_indices = #map1}]} {
    %mul3A = arith.constant 2 : i32
    %mul3A_0 = arith.muli %arg1, %mul3A : i32
    %add3A = arith.addi %mul3A_0, %arg0 : i32
    "tpu.region"() ({
      %run_scoped3A_52 = tpu.sem_alloc : memref<!tpu.dma_semaphore, #tpu.memory_space<semaphore_mem>>
      tpu.enqueue_dma source(%arg6 : memref<640x16xf32, #tpu.memory_space<hbm>>) target(%arg15 : memref<640x16xf32, #tpu.memory_space<vmem>>) target_semaphore(%run_scoped3A_52 : memref<!tpu.dma_semaphore, #tpu.memory_space<semaphore_mem>>)
      tpu.wait_dma2 semaphore(%run_scoped3A_52 : memref<!tpu.dma_semaphore, #tpu.memory_space<semaphore_mem>>) src(%arg6 : memref<640x16xf32, #tpu.memory_space<hbm>>) dst(%arg15 : memref<640x16xf32, #tpu.memory_space<vmem>>)
      tpu.yield
    }) : () -> ()
    %mul3A_1 = arith.constant 640 : i32
    %mul3A_2 = arith.muli %arg1, %mul3A_1 : i32
    "tpu.region"() ({
      %run_scoped3A_52 = tpu.sem_alloc : memref<!tpu.dma_semaphore, #tpu.memory_space<semaphore_mem>>
      %dma_start3A_53 = arith.constant 0 : i32
      %dma_start3A_54 = tpu.memref_slice %arg16[%mul3A_2, %dma_start3A_53] : memref<10240x16xf32, #tpu.memory_space<vmem_shared>> -> memref<640x16xf32, #tpu.memory_space<vmem_shared>>
      %dma_start3A_55 = arith.constant 0 : i32
      %dma_start3A_56 = tpu.memref_slice %arg16[%mul3A_2, %dma_start3A_55] : memref<10240x16xf32, #tpu.memory_space<vmem_shared>> -> memref<640x16xf32, #tpu.memory_space<vmem_shared>>
      tpu.enqueue_dma source(%arg15 : memref<640x16xf32, #tpu.memory_space<vmem>>) target(%dma_start3A_56 : memref<640x16xf32, #tpu.memory_space<vmem_shared>>) target_semaphore(%run_scoped3A_52 : memref<!tpu.dma_semaphore, #tpu.memory_space<semaphore_mem>>)
      %dma_wait3A_57 = arith.constant 0 : i32
      %dma_wait3A_58 = tpu.memref_slice %arg16[%mul3A_2, %dma_wait3A_57] : memref<10240x16xf32, #tpu.memory_space<vmem_shared>> -> memref<640x16xf32, #tpu.memory_space<vmem_shared>>
      %dma_wait3A_59 = arith.constant 0 : i32
      %dma_wait3A_60 = tpu.memref_slice %arg16[%mul3A_2, %dma_wait3A_59] : memref<10240x16xf32, #tpu.memory_space<vmem_shared>> -> memref<640x16xf32, #tpu.memory_space<vmem_shared>>
      tpu.wait_dma2 semaphore(%run_scoped3A_52 : memref<!tpu.dma_semaphore, #tpu.memory_space<semaphore_mem>>) src(%arg15 : memref<640x16xf32, #tpu.memory_space<vmem>>) dst(%dma_wait3A_60 : memref<640x16xf32, #tpu.memory_space<vmem_shared>>)
      tpu.yield
    }) : () -> ()
    %barrier3A = arith.constant 0 : index
    tpu.barrier barrier_id(%barrier3A)
    %mul3A_3 = arith.constant 79 : i32
    %mul3A_4 = arith.muli %add3A, %mul3A_3 : i32
    %add3A_5 = arith.constant 2528 : i32
    %add3A_6 = arith.addi %add3A_5, %add3A : i32
    "tpu.region"() ({
      %run_scoped3A_52 = tpu.sem_alloc : memref<!tpu.dma_semaphore, #tpu.memory_space<semaphore_mem>>
      %dma_start3A_53 = arith.constant 0 : i32
      %dma_start3A_54 = tpu.memref_slice %arg2[%mul3A_4, %dma_start3A_53] : memref<2528x128xi32, #tpu.memory_space<hbm>> -> memref<79x128xi32, #tpu.memory_space<hbm>>
      %dma_start3A_55 = arith.constant 0 : i32
      %dma_start3A_56 = tpu.memref_slice %arg2[%mul3A_4, %dma_start3A_55] : memref<2528x128xi32, #tpu.memory_space<hbm>> -> memref<79x128xi32, #tpu.memory_space<hbm>>
      tpu.enqueue_dma source(%dma_start3A_56 : memref<79x128xi32, #tpu.memory_space<hbm>>) target(%arg8 : memref<79x128xi32, #tpu.memory_space<vmem>>) target_semaphore(%run_scoped3A_52 : memref<!tpu.dma_semaphore, #tpu.memory_space<semaphore_mem>>)
      %dma_wait3A_57 = arith.constant 0 : i32
      %dma_wait3A_58 = tpu.memref_slice %arg2[%mul3A_4, %dma_wait3A_57] : memref<2528x128xi32, #tpu.memory_space<hbm>> -> memref<79x128xi32, #tpu.memory_space<hbm>>
      %dma_wait3A_59 = arith.constant 0 : i32
      %dma_wait3A_60 = tpu.memref_slice %arg2[%mul3A_4, %dma_wait3A_59] : memref<2528x128xi32, #tpu.memory_space<hbm>> -> memref<79x128xi32, #tpu.memory_space<hbm>>
      tpu.wait_dma2 semaphore(%run_scoped3A_52 : memref<!tpu.dma_semaphore, #tpu.memory_space<semaphore_mem>>) src(%dma_wait3A_60 : memref<79x128xi32, #tpu.memory_space<hbm>>) dst(%arg8 : memref<79x128xi32, #tpu.memory_space<vmem>>)
      tpu.yield
    }) : () -> ()
    "tpu.region"() ({
      %run_scoped3A_52 = tpu.sem_alloc : memref<!tpu.dma_semaphore, #tpu.memory_space<semaphore_mem>>
      %dma_start3A_53 = arith.constant 0 : i32
      %dma_start3A_54 = tpu.memref_slice %arg3[%mul3A_4, %dma_start3A_53] : memref<2528x128xi32, #tpu.memory_space<hbm>> -> memref<79x128xi32, #tpu.memory_space<hbm>>
      %dma_start3A_55 = arith.constant 0 : i32
      %dma_start3A_56 = tpu.memref_slice %arg3[%mul3A_4, %dma_start3A_55] : memref<2528x128xi32, #tpu.memory_space<hbm>> -> memref<79x128xi32, #tpu.memory_space<hbm>>
      tpu.enqueue_dma source(%dma_start3A_56 : memref<79x128xi32, #tpu.memory_space<hbm>>) target(%arg9 : memref<79x128xi32, #tpu.memory_space<vmem>>) target_semaphore(%run_scoped3A_52 : memref<!tpu.dma_semaphore, #tpu.memory_space<semaphore_mem>>)
      %dma_wait3A_57 = arith.constant 0 : i32
      %dma_wait3A_58 = tpu.memref_slice %arg3[%mul3A_4, %dma_wait3A_57] : memref<2528x128xi32, #tpu.memory_space<hbm>> -> memref<79x128xi32, #tpu.memory_space<hbm>>
      %dma_wait3A_59 = arith.constant 0 : i32
      %dma_wait3A_60 = tpu.memref_slice %arg3[%mul3A_4, %dma_wait3A_59] : memref<2528x128xi32, #tpu.memory_space<hbm>> -> memref<79x128xi32, #tpu.memory_space<hbm>>
      tpu.wait_dma2 semaphore(%run_scoped3A_52 : memref<!tpu.dma_semaphore, #tpu.memory_space<semaphore_mem>>) src(%dma_wait3A_60 : memref<79x128xi32, #tpu.memory_space<hbm>>) dst(%arg9 : memref<79x128xi32, #tpu.memory_space<vmem>>)
      tpu.yield
    }) : () -> ()
    "tpu.region"() ({
      %run_scoped3A_52 = tpu.sem_alloc : memref<!tpu.dma_semaphore, #tpu.memory_space<semaphore_mem>>
      %dma_start3A_53 = arith.constant 0 : i32
      %dma_start3A_54 = tpu.memref_slice %arg4[%mul3A_4, %dma_start3A_53] : memref<2528x128xf32, #tpu.memory_space<hbm>> -> memref<79x128xf32, #tpu.memory_space<hbm>>
      %dma_start3A_55 = arith.constant 0 : i32
      %dma_start3A_56 = tpu.memref_slice %arg4[%mul3A_4, %dma_start3A_55] : memref<2528x128xf32, #tpu.memory_space<hbm>> -> memref<79x128xf32, #tpu.memory_space<hbm>>
      tpu.enqueue_dma source(%dma_start3A_56 : memref<79x128xf32, #tpu.memory_space<hbm>>) target(%arg10 : memref<79x128xf32, #tpu.memory_space<vmem>>) target_semaphore(%run_scoped3A_52 : memref<!tpu.dma_semaphore, #tpu.memory_space<semaphore_mem>>)
      %dma_wait3A_57 = arith.constant 0 : i32
      %dma_wait3A_58 = tpu.memref_slice %arg4[%mul3A_4, %dma_wait3A_57] : memref<2528x128xf32, #tpu.memory_space<hbm>> -> memref<79x128xf32, #tpu.memory_space<hbm>>
      %dma_wait3A_59 = arith.constant 0 : i32
      %dma_wait3A_60 = tpu.memref_slice %arg4[%mul3A_4, %dma_wait3A_59] : memref<2528x128xf32, #tpu.memory_space<hbm>> -> memref<79x128xf32, #tpu.memory_space<hbm>>
      tpu.wait_dma2 semaphore(%run_scoped3A_52 : memref<!tpu.dma_semaphore, #tpu.memory_space<semaphore_mem>>) src(%dma_wait3A_60 : memref<79x128xf32, #tpu.memory_space<hbm>>) dst(%arg10 : memref<79x128xf32, #tpu.memory_space<vmem>>)
      tpu.yield
    }) : () -> ()
    %dma_start3A = arith.constant 0 : i32
    %dma_start3A_7 = arith.constant 0 : i32
    %dma_start3A_8 = tpu.memref_slice %arg9[%dma_start3A, %dma_start3A_7] : memref<79x128xi32, #tpu.memory_space<vmem>> -> memref<1x128xi32, #tpu.memory_space<vmem>>
    %dma_start3A_9 = tpu.memref_squeeze %dma_start3A_8 : memref<1x128xi32, #tpu.memory_space<vmem>> -> memref<128xi32, #tpu.memory_space<vmem>>
    %dma_start3A_10 = arith.constant 0 : i32
    %dma_start3A_11 = arith.constant 0 : i32
    %dma_start3A_12 = tpu.memref_slice %arg5[%dma_start3A_10, %dma_start3A_11] : memref<10000x16xf32, #tpu.memory_space<hbm>> -> memref<10000x16xf32, #tpu.memory_space<hbm>>
    tpu.enqueue_indirect_dma source(%dma_start3A_12 : memref<10000x16xf32, #tpu.memory_space<hbm>>) target(%arg11 : memref<128x16xf32, #tpu.memory_space<vmem>>) offsets(%dma_start3A_9 : memref<128xi32, #tpu.memory_space<vmem>>) semaphore(%arg17 : memref<!tpu.dma_semaphore, #tpu.memory_space<semaphore_mem>>)
    %scan3A = arith.constant 0 : i32
    %scan3A_13 = arith.constant 0 : i32
    %scan3A_14 = arith.constant 39 : i32
    %scan3A_15 = arith.addi %scan3A_13, %scan3A_14 : i32
    %scan3A_16 = arith.constant 1 : i32
    scf.for %scan3A_52 = %scan3A_13 to %scan3A_15 step %scan3A_16  : i32 {
      %mul3A_53 = arith.constant 2 : i32
      %mul3A_54 = arith.muli %mul3A_53, %scan3A_52 : i32
      %add3A_55 = arith.constant 1 : i32
      %add3A_56 = arith.addi %mul3A_54, %add3A_55 : i32
      %dma_start3A_57 = arith.constant 0 : i32
      %dma_start3A_58 = tpu.memref_slice %arg9[%add3A_56, %dma_start3A_57] : memref<79x128xi32, #tpu.memory_space<vmem>> -> memref<1x128xi32, #tpu.memory_space<vmem>>
      %dma_start3A_59 = tpu.memref_squeeze %dma_start3A_58 : memref<1x128xi32, #tpu.memory_space<vmem>> -> memref<128xi32, #tpu.memory_space<vmem>>
      %dma_start3A_60 = arith.constant 0 : i32
      %dma_start3A_61 = arith.constant 0 : i32
      %dma_start3A_62 = tpu.memref_slice %arg5[%dma_start3A_60, %dma_start3A_61] : memref<10000x16xf32, #tpu.memory_space<hbm>> -> memref<10000x16xf32, #tpu.memory_space<hbm>>
      tpu.enqueue_indirect_dma source(%dma_start3A_62 : memref<10000x16xf32, #tpu.memory_space<hbm>>) target(%arg12 : memref<128x16xf32, #tpu.memory_space<vmem>>) offsets(%dma_start3A_59 : memref<128xi32, #tpu.memory_space<vmem>>) semaphore(%arg18 : memref<!tpu.dma_semaphore, #tpu.memory_space<semaphore_mem>>)
      %dma_wait3A_63 = arith.constant 0 : i32
      %dma_wait3A_64 = tpu.memref_slice %arg9[%mul3A_54, %dma_wait3A_63] : memref<79x128xi32, #tpu.memory_space<vmem>> -> memref<1x128xi32, #tpu.memory_space<vmem>>
      %dma_wait3A_65 = tpu.memref_squeeze %dma_wait3A_64 : memref<1x128xi32, #tpu.memory_space<vmem>> -> memref<128xi32, #tpu.memory_space<vmem>>
      %dma_wait3A_66 = arith.constant 0 : i32
      %dma_wait3A_67 = arith.constant 0 : i32
      %dma_wait3A_68 = tpu.memref_slice %arg5[%dma_wait3A_66, %dma_wait3A_67] : memref<10000x16xf32, #tpu.memory_space<hbm>> -> memref<10000x16xf32, #tpu.memory_space<hbm>>
      tpu.wait_indirect_dma semaphore(%arg17 : memref<!tpu.dma_semaphore, #tpu.memory_space<semaphore_mem>>) src(%dma_wait3A_68 : memref<10000x16xf32, #tpu.memory_space<hbm>>) dst(%arg11 : memref<128x16xf32, #tpu.memory_space<vmem>>)
      %gt3A = arith.constant 0 : i32
      %gt3A_69 = arith.cmpi sgt, %scan3A_52, %gt3A : i32
      %convert_element_type3A = arith.extui %gt3A_69 : i1 to i32
      %cond3A = arith.constant 0 : i32
      %cond3A_70 = arith.cmpi ne, %convert_element_type3A, %cond3A : i32
      scf.if %cond3A_70 {
        %dma_wait3A_106 = arith.constant 0 : i32
        %dma_wait3A_107 = tpu.memref_slice %arg8[%mul3A_54, %dma_wait3A_106] : memref<79x128xi32, #tpu.memory_space<vmem>> -> memref<1x128xi32, #tpu.memory_space<vmem>>
        %dma_wait3A_108 = tpu.memref_squeeze %dma_wait3A_107 : memref<1x128xi32, #tpu.memory_space<vmem>> -> memref<128xi32, #tpu.memory_space<vmem>>
        %dma_wait3A_109 = arith.constant 0 : i32
        %dma_wait3A_110 = arith.constant 0 : i32
        %dma_wait3A_111 = tpu.memref_slice %arg16[%dma_wait3A_109, %dma_wait3A_110] : memref<10240x16xf32, #tpu.memory_space<vmem_shared>> -> memref<10240x16xf32, #tpu.memory_space<vmem_shared>>
        tpu.wait_indirect_dma semaphore(%arg19 : memref<!tpu.dma_semaphore, #tpu.memory_space<semaphore_mem>>) src(%arg13 : memref<128x16xf32, #tpu.memory_space<vmem>>) dst(%dma_wait3A_111 : memref<10240x16xf32, #tpu.memory_space<vmem_shared>>)
      } else {
      }
      %parallel_loop3A_71 = arith.constant 0 : i32
      %parallel_loop3A_72 = arith.constant 128 : i32
      %parallel_loop3A_73 = arith.constant 1 : i32
      scf.for %parallel_loop3A_106 = %parallel_loop3A_71 to %parallel_loop3A_72 step %parallel_loop3A_73  : i32 {
        %parallel_loop3A_107 = vector.broadcast %mul3A_54 : i32 to vector<16xi32>
        %parallel_loop3A_108 = vector.broadcast %parallel_loop3A_106 : i32 to vector<16xi32>
        %parallel_loop3A_109 = tpu.vector_load_idx %arg10[%parallel_loop3A_107, %parallel_loop3A_108] : memref<79x128xf32, #tpu.memory_space<vmem>>[vector<16xi32>, vector<16xi32>], vector<16xf32>,
        %parallel_loop3A_110 = arith.index_cast %parallel_loop3A_106 : i32 to index
        %parallel_loop3A_111 = arith.constant 0 : index
        %parallel_loop3A_112 = tpu.vector_load %arg11[%parallel_loop3A_110, %parallel_loop3A_111] {strides = array<i32>} : memref<128x16xf32, #tpu.memory_space<vmem>>, vector<16xf32>,
        %parallel_loop3A_113 = arith.mulf %parallel_loop3A_112, %parallel_loop3A_109 : vector<16xf32>
        %parallel_loop3A_114 = arith.index_cast %parallel_loop3A_106 : i32 to index
        %parallel_loop3A_115 = arith.constant 0 : index
        %parallel_loop3A_116 = tpu.vector_load %arg13[%parallel_loop3A_114, %parallel_loop3A_115] {strides = array<i32>} : memref<128x16xf32, #tpu.memory_space<vmem>>, vector<16xf32>,
        tpu.vector_store %arg13[%parallel_loop3A_114, %parallel_loop3A_115], %parallel_loop3A_113 {strides = array<i32>} : memref<128x16xf32, #tpu.memory_space<vmem>>, vector<16xf32>,
      } {sc.loop_unroll_factor = 16 : i64, sc.parallel_access}
      %dma_start3A_74 = arith.constant 0 : i32
      %dma_start3A_75 = tpu.memref_slice %arg8[%mul3A_54, %dma_start3A_74] : memref<79x128xi32, #tpu.memory_space<vmem>> -> memref<1x128xi32, #tpu.memory_space<vmem>>
      %dma_start3A_76 = tpu.memref_squeeze %dma_start3A_75 : memref<1x128xi32, #tpu.memory_space<vmem>> -> memref<128xi32, #tpu.memory_space<vmem>>
      %dma_start3A_77 = arith.constant 0 : i32
      %dma_start3A_78 = arith.constant 0 : i32
      %dma_start3A_79 = tpu.memref_slice %arg16[%dma_start3A_77, %dma_start3A_78] : memref<10240x16xf32, #tpu.memory_space<vmem_shared>> -> memref<10240x16xf32, #tpu.memory_space<vmem_shared>>
      tpu.enqueue_indirect_dma source(%arg13 : memref<128x16xf32, #tpu.memory_space<vmem>>) target(%dma_start3A_79 : memref<10240x16xf32, #tpu.memory_space<vmem_shared>>) offsets(%dma_start3A_76 : memref<128xi32, #tpu.memory_space<vmem>>) semaphore(%arg19 : memref<!tpu.dma_semaphore, #tpu.memory_space<semaphore_mem>>) {add = true}
      %add3A_80 = arith.constant 1 : i32
      %add3A_81 = arith.addi %scan3A_52, %add3A_80 : i32
      %lt3A = arith.constant 39 : i32
      %lt3A_82 = arith.cmpi slt, %add3A_81, %lt3A : i32
      %convert_element_type3A_83 = arith.extui %lt3A_82 : i1 to i32
      %cond3A_84 = arith.constant 0 : i32
      %cond3A_85 = arith.cmpi ne, %convert_element_type3A_83, %cond3A_84 : i32
      scf.if %cond3A_85 {
        %add3A_106 = arith.constant 1 : i32
        %add3A_107 = arith.addi %add3A_56, %add3A_106 : i32
        %dma_start3A_108 = arith.constant 0 : i32
        %dma_start3A_109 = tpu.memref_slice %arg9[%add3A_107, %dma_start3A_108] : memref<79x128xi32, #tpu.memory_space<vmem>> -> memref<1x128xi32, #tpu.memory_space<vmem>>
        %dma_start3A_110 = tpu.memref_squeeze %dma_start3A_109 : memref<1x128xi32, #tpu.memory_space<vmem>> -> memref<128xi32, #tpu.memory_space<vmem>>
        %dma_start3A_111 = arith.constant 0 : i32
        %dma_start3A_112 = arith.constant 0 : i32
        %dma_start3A_113 = tpu.memref_slice %arg5[%dma_start3A_111, %dma_start3A_112] : memref<10000x16xf32, #tpu.memory_space<hbm>> -> memref<10000x16xf32, #tpu.memory_space<hbm>>
        tpu.enqueue_indirect_dma source(%dma_start3A_113 : memref<10000x16xf32, #tpu.memory_space<hbm>>) target(%arg11 : memref<128x16xf32, #tpu.memory_space<vmem>>) offsets(%dma_start3A_110 : memref<128xi32, #tpu.memory_space<vmem>>) semaphore(%arg17 : memref<!tpu.dma_semaphore, #tpu.memory_space<semaphore_mem>>)
      } else {
      }
      %dma_wait3A_86 = arith.constant 0 : i32
      %dma_wait3A_87 = tpu.memref_slice %arg9[%add3A_56, %dma_wait3A_86] : memref<79x128xi32, #tpu.memory_space<vmem>> -> memref<1x128xi32, #tpu.memory_space<vmem>>
      %dma_wait3A_88 = tpu.memref_squeeze %dma_wait3A_87 : memref<1x128xi32, #tpu.memory_space<vmem>> -> memref<128xi32, #tpu.memory_space<vmem>>
      %dma_wait3A_89 = arith.constant 0 : i32
      %dma_wait3A_90 = arith.constant 0 : i32
      %dma_wait3A_91 = tpu.memref_slice %arg5[%dma_wait3A_89, %dma_wait3A_90] : memref<10000x16xf32, #tpu.memory_space<hbm>> -> memref<10000x16xf32, #tpu.memory_space<hbm>>
      tpu.wait_indirect_dma semaphore(%arg18 : memref<!tpu.dma_semaphore, #tpu.memory_space<semaphore_mem>>) src(%dma_wait3A_91 : memref<10000x16xf32, #tpu.memory_space<hbm>>) dst(%arg12 : memref<128x16xf32, #tpu.memory_space<vmem>>)
      %gt3A_92 = arith.constant 0 : i32
      %gt3A_93 = arith.cmpi sgt, %scan3A_52, %gt3A_92 : i32
      %convert_element_type3A_94 = arith.extui %gt3A_93 : i1 to i32
      %cond3A_95 = arith.constant 0 : i32
      %cond3A_96 = arith.cmpi ne, %convert_element_type3A_94, %cond3A_95 : i32
      scf.if %cond3A_96 {
        %dma_wait3A_106 = arith.constant 0 : i32
        %dma_wait3A_107 = tpu.memref_slice %arg8[%add3A_56, %dma_wait3A_106] : memref<79x128xi32, #tpu.memory_space<vmem>> -> memref<1x128xi32, #tpu.memory_space<vmem>>
        %dma_wait3A_108 = tpu.memref_squeeze %dma_wait3A_107 : memref<1x128xi32, #tpu.memory_space<vmem>> -> memref<128xi32, #tpu.memory_space<vmem>>
        %dma_wait3A_109 = arith.constant 0 : i32
        %dma_wait3A_110 = arith.constant 0 : i32
        %dma_wait3A_111 = tpu.memref_slice %arg16[%dma_wait3A_109, %dma_wait3A_110] : memref<10240x16xf32, #tpu.memory_space<vmem_shared>> -> memref<10240x16xf32, #tpu.memory_space<vmem_shared>>
        tpu.wait_indirect_dma semaphore(%arg20 : memref<!tpu.dma_semaphore, #tpu.memory_space<semaphore_mem>>) src(%arg14 : memref<128x16xf32, #tpu.memory_space<vmem>>) dst(%dma_wait3A_111 : memref<10240x16xf32, #tpu.memory_space<vmem_shared>>)
      } else {
      }
      %parallel_loop3A_97 = arith.constant 0 : i32
      %parallel_loop3A_98 = arith.constant 128 : i32
      %parallel_loop3A_99 = arith.constant 1 : i32
      scf.for %parallel_loop3A_106 = %parallel_loop3A_97 to %parallel_loop3A_98 step %parallel_loop3A_99  : i32 {
        %parallel_loop3A_107 = vector.broadcast %add3A_56 : i32 to vector<16xi32>
        %parallel_loop3A_108 = vector.broadcast %parallel_loop3A_106 : i32 to vector<16xi32>
        %parallel_loop3A_109 = tpu.vector_load_idx %arg10[%parallel_loop3A_107, %parallel_loop3A_108] : memref<79x128xf32, #tpu.memory_space<vmem>>[vector<16xi32>, vector<16xi32>], vector<16xf32>,
        %parallel_loop3A_110 = arith.index_cast %parallel_loop3A_106 : i32 to index
        %parallel_loop3A_111 = arith.constant 0 : index
        %parallel_loop3A_112 = tpu.vector_load %arg12[%parallel_loop3A_110, %parallel_loop3A_111] {strides = array<i32>} : memref<128x16xf32, #tpu.memory_space<vmem>>, vector<16xf32>,
        %parallel_loop3A_113 = arith.mulf %parallel_loop3A_112, %parallel_loop3A_109 : vector<16xf32>
        %parallel_loop3A_114 = arith.index_cast %parallel_loop3A_106 : i32 to index
        %parallel_loop3A_115 = arith.constant 0 : index
        %parallel_loop3A_116 = tpu.vector_load %arg14[%parallel_loop3A_114, %parallel_loop3A_115] {strides = array<i32>} : memref<128x16xf32, #tpu.memory_space<vmem>>, vector<16xf32>,
        tpu.vector_store %arg14[%parallel_loop3A_114, %parallel_loop3A_115], %parallel_loop3A_113 {strides = array<i32>} : memref<128x16xf32, #tpu.memory_space<vmem>>, vector<16xf32>,
      } {sc.loop_unroll_factor = 16 : i64, sc.parallel_access}
      %dma_start3A_100 = arith.constant 0 : i32
      %dma_start3A_101 = tpu.memref_slice %arg8[%add3A_56, %dma_start3A_100] : memref<79x128xi32, #tpu.memory_space<vmem>> -> memref<1x128xi32, #tpu.memory_space<vmem>>
      %dma_start3A_102 = tpu.memref_squeeze %dma_start3A_101 : memref<1x128xi32, #tpu.memory_space<vmem>> -> memref<128xi32, #tpu.memory_space<vmem>>
      %dma_start3A_103 = arith.constant 0 : i32
      %dma_start3A_104 = arith.constant 0 : i32
      %dma_start3A_105 = tpu.memref_slice %arg16[%dma_start3A_103, %dma_start3A_104] : memref<10240x16xf32, #tpu.memory_space<vmem_shared>> -> memref<10240x16xf32, #tpu.memory_space<vmem_shared>>
      tpu.enqueue_indirect_dma source(%arg14 : memref<128x16xf32, #tpu.memory_space<vmem>>) target(%dma_start3A_105 : memref<10240x16xf32, #tpu.memory_space<vmem_shared>>) offsets(%dma_start3A_102 : memref<128xi32, #tpu.memory_space<vmem>>) semaphore(%arg20 : memref<!tpu.dma_semaphore, #tpu.memory_space<semaphore_mem>>) {add = true}
    }
    %scan3A_17 = arith.constant 39 : i32
    %dma_wait3A = arith.constant 0 : i32
    %dma_wait3A_18 = arith.constant 0 : i32
    %dma_wait3A_19 = tpu.memref_slice %arg8[%dma_wait3A, %dma_wait3A_18] : memref<79x128xi32, #tpu.memory_space<vmem>> -> memref<1x128xi32, #tpu.memory_space<vmem>>
    %dma_wait3A_20 = tpu.memref_squeeze %dma_wait3A_19 : memref<1x128xi32, #tpu.memory_space<vmem>> -> memref<128xi32, #tpu.memory_space<vmem>>
    %dma_wait3A_21 = arith.constant 0 : i32
    %dma_wait3A_22 = arith.constant 0 : i32
    %dma_wait3A_23 = tpu.memref_slice %arg16[%dma_wait3A_21, %dma_wait3A_22] : memref<10240x16xf32, #tpu.memory_space<vmem_shared>> -> memref<10240x16xf32, #tpu.memory_space<vmem_shared>>
    tpu.wait_indirect_dma semaphore(%arg19 : memref<!tpu.dma_semaphore, #tpu.memory_space<semaphore_mem>>) src(%arg13 : memref<128x16xf32, #tpu.memory_space<vmem>>) dst(%dma_wait3A_23 : memref<10240x16xf32, #tpu.memory_space<vmem_shared>>)
    %dma_wait3A_24 = arith.constant 0 : i32
    %dma_wait3A_25 = arith.constant 0 : i32
    %dma_wait3A_26 = tpu.memref_slice %arg8[%dma_wait3A_24, %dma_wait3A_25] : memref<79x128xi32, #tpu.memory_space<vmem>> -> memref<1x128xi32, #tpu.memory_space<vmem>>
    %dma_wait3A_27 = tpu.memref_squeeze %dma_wait3A_26 : memref<1x128xi32, #tpu.memory_space<vmem>> -> memref<128xi32, #tpu.memory_space<vmem>>
    %dma_wait3A_28 = arith.constant 0 : i32
    %dma_wait3A_29 = arith.constant 0 : i32
    %dma_wait3A_30 = tpu.memref_slice %arg16[%dma_wait3A_28, %dma_wait3A_29] : memref<10240x16xf32, #tpu.memory_space<vmem_shared>> -> memref<10240x16xf32, #tpu.memory_space<vmem_shared>>
    tpu.wait_indirect_dma semaphore(%arg20 : memref<!tpu.dma_semaphore, #tpu.memory_space<semaphore_mem>>) src(%arg14 : memref<128x16xf32, #tpu.memory_space<vmem>>) dst(%dma_wait3A_30 : memref<10240x16xf32, #tpu.memory_space<vmem_shared>>)
    %dma_start3A_31 = arith.constant 78 : i32
    %dma_start3A_32 = arith.constant 0 : i32
    %dma_start3A_33 = tpu.memref_slice %arg9[%dma_start3A_31, %dma_start3A_32] : memref<79x128xi32, #tpu.memory_space<vmem>> -> memref<1x128xi32, #tpu.memory_space<vmem>>
    %dma_start3A_34 = tpu.memref_squeeze %dma_start3A_33 : memref<1x128xi32, #tpu.memory_space<vmem>> -> memref<128xi32, #tpu.memory_space<vmem>>
    %dma_start3A_35 = arith.constant 0 : i32
    %dma_start3A_36 = arith.constant 0 : i32
    %dma_start3A_37 = tpu.memref_slice %arg5[%dma_start3A_35, %dma_start3A_36] : memref<10000x16xf32, #tpu.memory_space<hbm>> -> memref<10000x16xf32, #tpu.memory_space<hbm>>
    tpu.enqueue_indirect_dma source(%dma_start3A_37 : memref<10000x16xf32, #tpu.memory_space<hbm>>) target(%arg11 : memref<128x16xf32, #tpu.memory_space<vmem>>) offsets(%dma_start3A_34 : memref<128xi32, #tpu.memory_space<vmem>>) semaphore(%arg17 : memref<!tpu.dma_semaphore, #tpu.memory_space<semaphore_mem>>)
    %dma_wait3A_38 = arith.constant 78 : i32
    %dma_wait3A_39 = arith.constant 0 : i32
    %dma_wait3A_40 = tpu.memref_slice %arg9[%dma_wait3A_38, %dma_wait3A_39] : memref<79x128xi32, #tpu.memory_space<vmem>> -> memref<1x128xi32, #tpu.memory_space<vmem>>
    %dma_wait3A_41 = tpu.memref_squeeze %dma_wait3A_40 : memref<1x128xi32, #tpu.memory_space<vmem>> -> memref<128xi32, #tpu.memory_space<vmem>>
    %dma_wait3A_42 = arith.constant 0 : i32
    %dma_wait3A_43 = arith.constant 0 : i32
    %dma_wait3A_44 = tpu.memref_slice %arg5[%dma_wait3A_42, %dma_wait3A_43] : memref<10000x16xf32, #tpu.memory_space<hbm>> -> memref<10000x16xf32, #tpu.memory_space<hbm>>
    tpu.wait_indirect_dma semaphore(%arg17 : memref<!tpu.dma_semaphore, #tpu.memory_space<semaphore_mem>>) src(%dma_wait3A_44 : memref<10000x16xf32, #tpu.memory_space<hbm>>) dst(%arg11 : memref<128x16xf32, #tpu.memory_space<vmem>>)
    %parallel_loop3A = arith.constant 0 : i32
    %parallel_loop3A_45 = arith.constant 128 : i32
    %parallel_loop3A_46 = arith.constant 1 : i32
    scf.for %parallel_loop3A_52 = %parallel_loop3A to %parallel_loop3A_45 step %parallel_loop3A_46  : i32 {
      %parallel_loop3A_53 = arith.constant 78 : i32
      %parallel_loop3A_54 = vector.broadcast %parallel_loop3A_53 : i32 to vector<16xi32>
      %parallel_loop3A_55 = vector.broadcast %parallel_loop3A_52 : i32 to vector<16xi32>
      %parallel_loop3A_56 = tpu.vector_load_idx %arg10[%parallel_loop3A_54, %parallel_loop3A_55] : memref<79x128xf32, #tpu.memory_space<vmem>>[vector<16xi32>, vector<16xi32>], vector<16xf32>,
      %parallel_loop3A_57 = arith.index_cast %parallel_loop3A_52 : i32 to index
      %parallel_loop3A_58 = arith.constant 0 : index
      %parallel_loop3A_59 = tpu.vector_load %arg11[%parallel_loop3A_57, %parallel_loop3A_58] {strides = array<i32>} : memref<128x16xf32, #tpu.memory_space<vmem>>, vector<16xf32>,
      %parallel_loop3A_60 = arith.mulf %parallel_loop3A_59, %parallel_loop3A_56 : vector<16xf32>
      %parallel_loop3A_61 = arith.index_cast %parallel_loop3A_52 : i32 to index
      %parallel_loop3A_62 = arith.constant 0 : index
      %parallel_loop3A_63 = tpu.vector_load %arg13[%parallel_loop3A_61, %parallel_loop3A_62] {strides = array<i32>} : memref<128x16xf32, #tpu.memory_space<vmem>>, vector<16xf32>,
      tpu.vector_store %arg13[%parallel_loop3A_61, %parallel_loop3A_62], %parallel_loop3A_60 {strides = array<i32>} : memref<128x16xf32, #tpu.memory_space<vmem>>, vector<16xf32>,
    } {sc.loop_unroll_factor = 16 : i64, sc.parallel_access}
    %run_scoped3A = arith.constant 78 : i32
    "tpu.region"() ({
      %run_scoped3A_52 = tpu.sem_alloc : memref<!tpu.dma_semaphore, #tpu.memory_space<semaphore_mem>>
      %dma_start3A_53 = arith.constant 0 : i32
      %dma_start3A_54 = tpu.memref_slice %arg8[%run_scoped3A, %dma_start3A_53] : memref<79x128xi32, #tpu.memory_space<vmem>> -> memref<1x128xi32, #tpu.memory_space<vmem>>
      %dma_start3A_55 = tpu.memref_squeeze %dma_start3A_54 : memref<1x128xi32, #tpu.memory_space<vmem>> -> memref<128xi32, #tpu.memory_space<vmem>>
      %dma_start3A_56 = arith.constant 0 : i32
      %dma_start3A_57 = arith.constant 0 : i32
      %dma_start3A_58 = tpu.memref_slice %arg16[%dma_start3A_56, %dma_start3A_57] : memref<10240x16xf32, #tpu.memory_space<vmem_shared>> -> memref<10240x16xf32, #tpu.memory_space<vmem_shared>>
      tpu.enqueue_indirect_dma source(%arg13 : memref<128x16xf32, #tpu.memory_space<vmem>>) target(%dma_start3A_58 : memref<10240x16xf32, #tpu.memory_space<vmem_shared>>) offsets(%dma_start3A_55 : memref<128xi32, #tpu.memory_space<vmem>>) semaphore(%run_scoped3A_52 : memref<!tpu.dma_semaphore, #tpu.memory_space<semaphore_mem>>) {add = true}
      %dma_wait3A_59 = arith.constant 0 : i32
      %dma_wait3A_60 = tpu.memref_slice %arg8[%run_scoped3A, %dma_wait3A_59] : memref<79x128xi32, #tpu.memory_space<vmem>> -> memref<1x128xi32, #tpu.memory_space<vmem>>
      %dma_wait3A_61 = tpu.memref_squeeze %dma_wait3A_60 : memref<1x128xi32, #tpu.memory_space<vmem>> -> memref<128xi32, #tpu.memory_space<vmem>>
      %dma_wait3A_62 = arith.constant 0 : i32
      %dma_wait3A_63 = arith.constant 0 : i32
      %dma_wait3A_64 = tpu.memref_slice %arg16[%dma_wait3A_62, %dma_wait3A_63] : memref<10240x16xf32, #tpu.memory_space<vmem_shared>> -> memref<10240x16xf32, #tpu.memory_space<vmem_shared>>
      tpu.wait_indirect_dma semaphore(%run_scoped3A_52 : memref<!tpu.dma_semaphore, #tpu.memory_space<semaphore_mem>>) src(%arg13 : memref<128x16xf32, #tpu.memory_space<vmem>>) dst(%dma_wait3A_64 : memref<10240x16xf32, #tpu.memory_space<vmem_shared>>)
      tpu.yield
    }) : () -> ()
    %barrier3A_47 = arith.constant 0 : index
    tpu.barrier barrier_id(%barrier3A_47)
    %mul3A_48 = arith.constant 640 : i32
    %mul3A_49 = arith.muli %arg1, %mul3A_48 : i32
    "tpu.region"() ({
      %run_scoped3A_52 = tpu.sem_alloc : memref<!tpu.dma_semaphore, #tpu.memory_space<semaphore_mem>>
      %dma_start3A_53 = arith.constant 0 : i32
      %dma_start3A_54 = tpu.memref_slice %arg16[%mul3A_49, %dma_start3A_53] : memref<10240x16xf32, #tpu.memory_space<vmem_shared>> -> memref<640x16xf32, #tpu.memory_space<vmem_shared>>
      %dma_start3A_55 = arith.constant 0 : i32
      %dma_start3A_56 = tpu.memref_slice %arg16[%mul3A_49, %dma_start3A_55] : memref<10240x16xf32, #tpu.memory_space<vmem_shared>> -> memref<640x16xf32, #tpu.memory_space<vmem_shared>>
      tpu.enqueue_dma source(%dma_start3A_56 : memref<640x16xf32, #tpu.memory_space<vmem_shared>>) target(%arg15 : memref<640x16xf32, #tpu.memory_space<vmem>>) target_semaphore(%run_scoped3A_52 : memref<!tpu.dma_semaphore, #tpu.memory_space<semaphore_mem>>)
      %dma_wait3A_57 = arith.constant 0 : i32
      %dma_wait3A_58 = tpu.memref_slice %arg16[%mul3A_49, %dma_wait3A_57] : memref<10240x16xf32, #tpu.memory_space<vmem_shared>> -> memref<640x16xf32, #tpu.memory_space<vmem_shared>>
      %dma_wait3A_59 = arith.constant 0 : i32
      %dma_wait3A_60 = tpu.memref_slice %arg16[%mul3A_49, %dma_wait3A_59] : memref<10240x16xf32, #tpu.memory_space<vmem_shared>> -> memref<640x16xf32, #tpu.memory_space<vmem_shared>>
      tpu.wait_dma2 semaphore(%run_scoped3A_52 : memref<!tpu.dma_semaphore, #tpu.memory_space<semaphore_mem>>) src(%dma_wait3A_60 : memref<640x16xf32, #tpu.memory_space<vmem_shared>>) dst(%arg15 : memref<640x16xf32, #tpu.memory_space<vmem>>)
      tpu.yield
    }) : () -> ()
    %mul3A_50 = arith.constant 640 : i32
    %mul3A_51 = arith.muli %arg1, %mul3A_50 : i32
    "tpu.region"() ({
      %run_scoped3A_52 = tpu.sem_alloc : memref<!tpu.dma_semaphore, #tpu.memory_space<semaphore_mem>>
      %dma_start3A_53 = arith.constant 0 : i32
      %dma_start3A_54 = tpu.memref_slice %arg7[%arg0, %mul3A_51, %dma_start3A_53] : memref<2x10240x16xf32, #tpu.memory_space<hbm>> -> memref<1x640x16xf32, #tpu.memory_space<hbm>>
      %dma_start3A_55 = tpu.memref_squeeze %dma_start3A_54 : memref<1x640x16xf32, #tpu.memory_space<hbm>> -> memref<640x16xf32, #tpu.memory_space<hbm>>
      %dma_start3A_56 = arith.constant 0 : i32
      %dma_start3A_57 = tpu.memref_slice %arg7[%arg0, %mul3A_51, %dma_start3A_56] : memref<2x10240x16xf32, #tpu.memory_space<hbm>> -> memref<1x640x16xf32, #tpu.memory_space<hbm>>
      %dma_start3A_58 = tpu.memref_squeeze %dma_start3A_57 : memref<1x640x16xf32, #tpu.memory_space<hbm>> -> memref<640x16xf32, #tpu.memory_space<hbm>>
      tpu.enqueue_dma source(%arg15 : memref<640x16xf32, #tpu.memory_space<vmem>>) target(%dma_start3A_58 : memref<640x16xf32, #tpu.memory_space<hbm>>) target_semaphore(%run_scoped3A_52 : memref<!tpu.dma_semaphore, #tpu.memory_space<semaphore_mem>>)
      %dma_wait3A_59 = arith.constant 0 : i32
      %dma_wait3A_60 = tpu.memref_slice %arg7[%arg0, %mul3A_51, %dma_wait3A_59] : memref<2x10240x16xf32, #tpu.memory_space<hbm>> -> memref<1x640x16xf32, #tpu.memory_space<hbm>>
      %dma_wait3A_61 = tpu.memref_squeeze %dma_wait3A_60 : memref<1x640x16xf32, #tpu.memory_space<hbm>> -> memref<640x16xf32, #tpu.memory_space<hbm>>
      %dma_wait3A_62 = arith.constant 0 : i32
      %dma_wait3A_63 = tpu.memref_slice %arg7[%arg0, %mul3A_51, %dma_wait3A_62] : memref<2x10240x16xf32, #tpu.memory_space<hbm>> -> memref<1x640x16xf32, #tpu.memory_space<hbm>>
      %dma_wait3A_64 = tpu.memref_squeeze %dma_wait3A_63 : memref<1x640x16xf32, #tpu.memory_space<hbm>> -> memref<640x16xf32, #tpu.memory_space<hbm>>
      tpu.wait_dma2 semaphore(%run_scoped3A_52 : memref<!tpu.dma_semaphore, #tpu.memory_space<semaphore_mem>>) src(%arg15 : memref<640x16xf32, #tpu.memory_space<vmem>>) dst(%dma_wait3A_64 : memref<640x16xf32, #tpu.memory_space<hbm>>)
      tpu.yield
    }) : () -> ()
    return
  }
}

module attributes {stable_mosaic.version = 14 : i64} {
  func.func @_mm_kernel(%arg0: i32, %arg1: memref<2000x128xf32, #tpu.memory_space<vmem>>, %arg2: memref<128x32xf32, #tpu.memory_space<vmem>>, %arg3: memref<2000x16xf32, #tpu.memory_space<vmem>>, %arg4: memref<2000x16xf32, #tpu.memory_space<vmem>>) attributes {dimension_semantics = [#tpu.dimension_semantics<arbitrary>], iteration_bounds = array<i64: 5>, scalar_prefetch = 0 : i64, scratch_operands = 0 : i64, tpu.core_type = #tpu.core_type<tc>, window_params = [{transform_indices = @transform_0, window_bounds = array<i64: 2000, 128>}, {pipeline_mode = #tpu.pipeline_mode<synchronous>, transform_indices = @transform_1, window_bounds = array<i64: 128, 32>}, {transform_indices = @transform_2, window_bounds = array<i64: 2000, 16>}, {transform_indices = @transform_3, window_bounds = array<i64: 2000, 16>}]} {
    %get3A = arith.constant 0 : index
    %get3A_0 = arith.constant 0 : index
    %get3A_1 = vector.load %arg1[%get3A, %get3A_0] : memref<2000x128xf32, #tpu.memory_space<vmem>>, vector<2000x128xf32>
    %get3A_2 = arith.constant 0 : index
    %get3A_3 = arith.constant 0 : index
    %get3A_4 = vector.load %arg2[%get3A_2, %get3A_3] : memref<128x32xf32, #tpu.memory_space<vmem>>, vector<128x32xf32>
    %dot_general3A = arith.constant dense<0.000000e+00> : vector<2000x32xf32>
    %dot_general3A_5 = tpu.matmul %get3A_1, %get3A_4, %dot_general3A {dimension_numbers = #tpu.dot_dimension_numbers<[1], [0], [0], [1], [0, 0, 1, 1], [], []>, transpose_lhs_hint = false} : vector<2000x128xf32>, vector<128x32xf32>, vector<2000x32xf32> -> vector<2000x32xf32>
    %slice3A = vector.extract_strided_slice %dot_general3A_5 {offsets = [0, 0], sizes = [2000, 16], strides = [1, 1]} : vector<2000x32xf32> to vector<2000x16xf32>
    %swap3A = arith.constant 0 : index
    %swap3A_6 = arith.constant 0 : index
    %swap3A_7 = vector.load %arg3[%swap3A, %swap3A_6] : memref<2000x16xf32, #tpu.memory_space<vmem>>, vector<2000x16xf32>
    tpu.vector_store %arg3[%swap3A, %swap3A_6], %slice3A {strides = array<i32>} : memref<2000x16xf32, #tpu.memory_space<vmem>>, vector<2000x16xf32>,
    %slice3A_8 = vector.extract_strided_slice %dot_general3A_5 {offsets = [0, 16], sizes = [2000, 16], strides = [1, 1]} : vector<2000x32xf32> to vector<2000x16xf32>
    %swap3A_9 = arith.constant 0 : index
    %swap3A_10 = arith.constant 0 : index
    %swap3A_11 = vector.load %arg4[%swap3A_9, %swap3A_10] : memref<2000x16xf32, #tpu.memory_space<vmem>>, vector<2000x16xf32>
    tpu.vector_store %arg4[%swap3A_9, %swap3A_10], %slice3A_8 {strides = array<i32>} : memref<2000x16xf32, #tpu.memory_space<vmem>>, vector<2000x16xf32>,
    return
  }
  func.func @transform_0(%arg0: i32) -> (i32, i32) {
    %c0_i32 = arith.constant 0 : i32
    %c0_i32_0 = arith.constant 0 : i32
    return %arg0, %c0_i32 : i32, i32
  }
  func.func @transform_1(%arg0: i32) -> (i32, i32) {
    %c0_i32 = arith.constant 0 : i32
    %c0_i32_0 = arith.constant 0 : i32
    %c0_i32_1 = arith.constant 0 : i32
    return %c0_i32, %c0_i32_0 : i32, i32
  }
  func.func @transform_2(%arg0: i32) -> (i32, i32) {
    %c0_i32 = arith.constant 0 : i32
    %c0_i32_0 = arith.constant 0 : i32
    return %arg0, %c0_i32 : i32, i32
  }
  func.func @transform_3(%arg0: i32) -> (i32, i32) {
    %c0_i32 = arith.constant 0 : i32
    %c0_i32_0 = arith.constant 0 : i32
    return %arg0, %c0_i32 : i32, i32
  }
}

module attributes {stable_mosaic.version = 14 : i64} {
  func.func @_dis_kernel(%arg0: memref<2x10240xf32, #tpu.memory_space<vmem>>, %arg1: memref<1x10240xf32, #tpu.memory_space<vmem>>) attributes {dimension_semantics = [], scalar_prefetch = 0 : i64, scratch_operands = 0 : i64, tpu.core_type = #tpu.core_type<tc>} {
    %get3A = arith.constant 0 : index
    %get3A_0 = arith.constant 0 : index
    %get3A_1 = vector.load %arg0[%get3A, %get3A_0] : memref<2x10240xf32, #tpu.memory_space<vmem>>, vector<1x10240xf32>
    %get3A_2 = vector.shape_cast %get3A_1 : vector<1x10240xf32> to vector<10240xf32>
    %get3A_3 = arith.constant 1 : index
    %get3A_4 = arith.constant 0 : index
    %get3A_5 = vector.load %arg0[%get3A_3, %get3A_4] : memref<2x10240xf32, #tpu.memory_space<vmem>>, vector<1x10240xf32>
    %get3A_6 = vector.shape_cast %get3A_5 : vector<1x10240xf32> to vector<10240xf32>
    %add3A = arith.addf %get3A_2, %get3A_6 : vector<10240xf32>
    %gt3A = arith.constant 0.000000e+00 : f32
    %gt3A_7 = vector.broadcast %gt3A : f32 to vector<10240xf32>
    %gt3A_8 = arith.cmpf ogt, %add3A, %gt3A_7 : vector<10240xf32>
    %max3A = arith.constant 1.000000e-30 : f32
    %max3A_9 = vector.broadcast %max3A : f32 to vector<10240xf32>
    %max3A_10 = arith.maximumf %add3A, %max3A_9 : vector<10240xf32>
    %rsqrt3A = math.rsqrt %max3A_10 : vector<10240xf32>
    %jit3A = arith.constant 0.000000e+00 : f32
    %broadcast_in_dim3A = vector.broadcast %jit3A : f32 to vector<10240xf32>
    %select_n3A = arith.select %gt3A_8, %rsqrt3A, %broadcast_in_dim3A : vector<10240xi1>, vector<10240xf32>
    %swap3A = arith.constant 0 : index
    %swap3A_11 = arith.constant 0 : index
    %swap3A_12 = vector.load %arg1[%swap3A, %swap3A_11] : memref<1x10240xf32, #tpu.memory_space<vmem>>, vector<1x10240xf32>
    %swap3A_13 = vector.shape_cast %swap3A_12 : vector<1x10240xf32> to vector<10240xf32>
    %swap3A_14 = vector.shape_cast %select_n3A : vector<10240xf32> to vector<1x10240xf32>
    tpu.vector_store %arg1[%swap3A, %swap3A_11], %swap3A_14 {strides = array<i32>} : memref<1x10240xf32, #tpu.memory_space<vmem>>, vector<1x10240xf32>,
    return
  }
}

module attributes {stable_mosaic.version = 14 : i64} {
  func.func @_layer_out_kernel(%arg0: i32, %arg1: memref<2000x16xf32, #tpu.memory_space<vmem>>, %arg2: memref<2x2000x16xf32, #tpu.memory_space<vmem>>, %arg3: memref<1x16xf32, #tpu.memory_space<vmem>>, %arg4: memref<16x32xf32, #tpu.memory_space<vmem>>, %arg5: memref<2000x16xf32, #tpu.memory_space<vmem>>, %arg6: memref<2000x16xf32, #tpu.memory_space<vmem>>) attributes {dimension_semantics = [#tpu.dimension_semantics<arbitrary>], iteration_bounds = array<i64: 5>, scalar_prefetch = 0 : i64, scratch_operands = 0 : i64, tpu.core_type = #tpu.core_type<tc>, window_params = [{transform_indices = @transform_0, window_bounds = array<i64: 2000, 16>}, {transform_indices = @transform_1, window_bounds = array<i64: 2, 2000, 16>}, {pipeline_mode = #tpu.pipeline_mode<synchronous>, transform_indices = @transform_2, window_bounds = array<i64: 1, 16>}, {pipeline_mode = #tpu.pipeline_mode<synchronous>, transform_indices = @transform_3, window_bounds = array<i64: 16, 32>}, {transform_indices = @transform_4, window_bounds = array<i64: 2000, 16>}, {transform_indices = @transform_5, window_bounds = array<i64: 2000, 16>}]} {
    %get3A = arith.constant 0 : index
    %get3A_0 = arith.constant 0 : index
    %get3A_1 = vector.load %arg1[%get3A, %get3A_0] : memref<2000x16xf32, #tpu.memory_space<vmem>>, vector<2000x16xf32>
    %get3A_2 = arith.constant 0 : index
    %get3A_3 = arith.constant 0 : index
    %get3A_4 = arith.constant 0 : index
    %get3A_5 = vector.load %arg2[%get3A_2, %get3A_3, %get3A_4] : memref<2x2000x16xf32, #tpu.memory_space<vmem>>, vector<1x2000x16xf32>
    %get3A_6 = vector.shape_cast %get3A_5 : vector<1x2000x16xf32> to vector<2000x16xf32>
    %get3A_7 = arith.constant 1 : index
    %get3A_8 = arith.constant 0 : index
    %get3A_9 = arith.constant 0 : index
    %get3A_10 = vector.load %arg2[%get3A_7, %get3A_8, %get3A_9] : memref<2x2000x16xf32, #tpu.memory_space<vmem>>, vector<1x2000x16xf32>
    %get3A_11 = vector.shape_cast %get3A_10 : vector<1x2000x16xf32> to vector<2000x16xf32>
    %add3A = arith.addf %get3A_6, %get3A_11 : vector<2000x16xf32>
    %sub3A = arith.subf %get3A_1, %add3A : vector<2000x16xf32>
    %get3A_12 = arith.constant 0 : index
    %get3A_13 = arith.constant 0 : index
    %get3A_14 = vector.load %arg3[%get3A_12, %get3A_13] : memref<1x16xf32, #tpu.memory_space<vmem>>, vector<1x16xf32>
    %add3A_15 = vector.broadcast %get3A_14 : vector<1x16xf32> to vector<2000x16xf32>
    %add3A_16 = arith.addf %sub3A, %add3A_15 : vector<2000x16xf32>
    %max3A = arith.constant 0.000000e+00 : f32
    %max3A_17 = vector.broadcast %max3A : f32 to vector<2000x16xf32>
    %max3A_18 = arith.maximumf %add3A_16, %max3A_17 : vector<2000x16xf32>
    %get3A_19 = arith.constant 0 : index
    %get3A_20 = arith.constant 0 : index
    %get3A_21 = vector.load %arg4[%get3A_19, %get3A_20] : memref<16x32xf32, #tpu.memory_space<vmem>>, vector<16x32xf32>
    %dot_general3A = arith.constant dense<0.000000e+00> : vector<2000x32xf32>
    %dot_general3A_22 = tpu.matmul %max3A_18, %get3A_21, %dot_general3A {dimension_numbers = #tpu.dot_dimension_numbers<[1], [0], [0], [1], [0, 0, 1, 1], [], []>, transpose_lhs_hint = false} : vector<2000x16xf32>, vector<16x32xf32>, vector<2000x32xf32> -> vector<2000x32xf32>
    %slice3A = vector.extract_strided_slice %dot_general3A_22 {offsets = [0, 0], sizes = [2000, 16], strides = [1, 1]} : vector<2000x32xf32> to vector<2000x16xf32>
    %swap3A = arith.constant 0 : index
    %swap3A_23 = arith.constant 0 : index
    %swap3A_24 = vector.load %arg5[%swap3A, %swap3A_23] : memref<2000x16xf32, #tpu.memory_space<vmem>>, vector<2000x16xf32>
    tpu.vector_store %arg5[%swap3A, %swap3A_23], %slice3A {strides = array<i32>} : memref<2000x16xf32, #tpu.memory_space<vmem>>, vector<2000x16xf32>,
    %slice3A_25 = vector.extract_strided_slice %dot_general3A_22 {offsets = [0, 16], sizes = [2000, 16], strides = [1, 1]} : vector<2000x32xf32> to vector<2000x16xf32>
    %swap3A_26 = arith.constant 0 : index
    %swap3A_27 = arith.constant 0 : index
    %swap3A_28 = vector.load %arg6[%swap3A_26, %swap3A_27] : memref<2000x16xf32, #tpu.memory_space<vmem>>, vector<2000x16xf32>
    tpu.vector_store %arg6[%swap3A_26, %swap3A_27], %slice3A_25 {strides = array<i32>} : memref<2000x16xf32, #tpu.memory_space<vmem>>, vector<2000x16xf32>,
    return
  }
  func.func @transform_0(%arg0: i32) -> (i32, i32) {
    %c0_i32 = arith.constant 0 : i32
    %c0_i32_0 = arith.constant 0 : i32
    return %arg0, %c0_i32 : i32, i32
  }
  func.func @transform_1(%arg0: i32) -> (i32, i32, i32) {
    %c0_i32 = arith.constant 0 : i32
    %c0_i32_0 = arith.constant 0 : i32
    %c0_i32_1 = arith.constant 0 : i32
    return %c0_i32, %arg0, %c0_i32_0 : i32, i32, i32
  }
  func.func @transform_2(%arg0: i32) -> (i32, i32) {
    %c0_i32 = arith.constant 0 : i32
    %c0_i32_0 = arith.constant 0 : i32
    %c0_i32_1 = arith.constant 0 : i32
    return %c0_i32, %c0_i32_0 : i32, i32
  }
  func.func @transform_3(%arg0: i32) -> (i32, i32) {
    %c0_i32 = arith.constant 0 : i32
    %c0_i32_0 = arith.constant 0 : i32
    %c0_i32_1 = arith.constant 0 : i32
    return %c0_i32, %c0_i32_0 : i32, i32
  }
  func.func @transform_4(%arg0: i32) -> (i32, i32) {
    %c0_i32 = arith.constant 0 : i32
    %c0_i32_0 = arith.constant 0 : i32
    return %arg0, %c0_i32 : i32, i32
  }
  func.func @transform_5(%arg0: i32) -> (i32, i32) {
    %c0_i32 = arith.constant 0 : i32
    %c0_i32_0 = arith.constant 0 : i32
    return %arg0, %c0_i32 : i32, i32
  }
}

module attributes {stable_mosaic.version = 14 : i64} {
  func.func @_final_kernel(%arg0: i32, %arg1: memref<2000x16xf32, #tpu.memory_space<vmem>>, %arg2: memref<2x2000x16xf32, #tpu.memory_space<vmem>>, %arg3: memref<1x16xf32, #tpu.memory_space<vmem>>, %arg4: memref<2000x16xf32, #tpu.memory_space<vmem>>) attributes {dimension_semantics = [#tpu.dimension_semantics<arbitrary>], iteration_bounds = array<i64: 5>, scalar_prefetch = 0 : i64, scratch_operands = 0 : i64, tpu.core_type = #tpu.core_type<tc>, window_params = [{transform_indices = @transform_0, window_bounds = array<i64: 2000, 16>}, {transform_indices = @transform_1, window_bounds = array<i64: 2, 2000, 16>}, {pipeline_mode = #tpu.pipeline_mode<synchronous>, transform_indices = @transform_2, window_bounds = array<i64: 1, 16>}, {transform_indices = @transform_3, window_bounds = array<i64: 2000, 16>}]} {
    %get3A = arith.constant 0 : index
    %get3A_0 = arith.constant 0 : index
    %get3A_1 = vector.load %arg1[%get3A, %get3A_0] : memref<2000x16xf32, #tpu.memory_space<vmem>>, vector<2000x16xf32>
    %get3A_2 = arith.constant 0 : index
    %get3A_3 = arith.constant 0 : index
    %get3A_4 = arith.constant 0 : index
    %get3A_5 = vector.load %arg2[%get3A_2, %get3A_3, %get3A_4] : memref<2x2000x16xf32, #tpu.memory_space<vmem>>, vector<1x2000x16xf32>
    %get3A_6 = vector.shape_cast %get3A_5 : vector<1x2000x16xf32> to vector<2000x16xf32>
    %get3A_7 = arith.constant 1 : index
    %get3A_8 = arith.constant 0 : index
    %get3A_9 = arith.constant 0 : index
    %get3A_10 = vector.load %arg2[%get3A_7, %get3A_8, %get3A_9] : memref<2x2000x16xf32, #tpu.memory_space<vmem>>, vector<1x2000x16xf32>
    %get3A_11 = vector.shape_cast %get3A_10 : vector<1x2000x16xf32> to vector<2000x16xf32>
    %add3A = arith.addf %get3A_6, %get3A_11 : vector<2000x16xf32>
    %sub3A = arith.subf %get3A_1, %add3A : vector<2000x16xf32>
    %get3A_12 = arith.constant 0 : index
    %get3A_13 = arith.constant 0 : index
    %get3A_14 = vector.load %arg3[%get3A_12, %get3A_13] : memref<1x16xf32, #tpu.memory_space<vmem>>, vector<1x16xf32>
    %add3A_15 = vector.broadcast %get3A_14 : vector<1x16xf32> to vector<2000x16xf32>
    %add3A_16 = arith.addf %sub3A, %add3A_15 : vector<2000x16xf32>
    %reduce_max3A = arith.constant dense<0xFF800000> : vector<2000xf32>
    %reduce_max3A_17 = vector.multi_reduction <maximumf>, %add3A_16, %reduce_max3A [1] : vector<2000x16xf32> to vector<2000xf32>
    %broadcast_in_dim3A = vector.shape_cast %reduce_max3A_17 : vector<2000xf32> to vector<2000x1xf32>
    %sub3A_18 = vector.broadcast %broadcast_in_dim3A : vector<2000x1xf32> to vector<2000x16xf32>
    %sub3A_19 = arith.subf %add3A_16, %sub3A_18 : vector<2000x16xf32>
    %exp3A = math.exp %sub3A_19 : vector<2000x16xf32>
    %reduce_sum3A = arith.constant dense<0.000000e+00> : vector<2000xf32>
    %reduce_sum3A_20 = vector.multi_reduction <add>, %exp3A, %reduce_sum3A [1] : vector<2000x16xf32> to vector<2000xf32>
    %broadcast_in_dim3A_21 = vector.shape_cast %reduce_sum3A_20 : vector<2000xf32> to vector<2000x1xf32>
    %log3A = math.log %broadcast_in_dim3A_21 : vector<2000x1xf32>
    %sub3A_22 = vector.broadcast %log3A : vector<2000x1xf32> to vector<2000x16xf32>
    %sub3A_23 = arith.subf %sub3A_19, %sub3A_22 : vector<2000x16xf32>
    %swap3A = arith.constant 0 : index
    %swap3A_24 = arith.constant 0 : index
    %swap3A_25 = vector.load %arg4[%swap3A, %swap3A_24] : memref<2000x16xf32, #tpu.memory_space<vmem>>, vector<2000x16xf32>
    tpu.vector_store %arg4[%swap3A, %swap3A_24], %sub3A_23 {strides = array<i32>} : memref<2000x16xf32, #tpu.memory_space<vmem>>, vector<2000x16xf32>,
    return
  }
  func.func @transform_0(%arg0: i32) -> (i32, i32) {
    %c0_i32 = arith.constant 0 : i32
    %c0_i32_0 = arith.constant 0 : i32
    return %arg0, %c0_i32 : i32, i32
  }
  func.func @transform_1(%arg0: i32) -> (i32, i32, i32) {
    %c0_i32 = arith.constant 0 : i32
    %c0_i32_0 = arith.constant 0 : i32
    %c0_i32_1 = arith.constant 0 : i32
    return %c0_i32, %arg0, %c0_i32_0 : i32, i32, i32
  }
  func.func @transform_2(%arg0: i32) -> (i32, i32) {
    %c0_i32 = arith.constant 0 : i32
    %c0_i32_0 = arith.constant 0 : i32
    %c0_i32_1 = arith.constant 0 : i32
    return %c0_i32, %c0_i32_0 : i32, i32
  }
  func.func @transform_3(%arg0: i32) -> (i32, i32) {
    %c0_i32 = arith.constant 0 : i32
    %c0_i32_0 = arith.constant 0 : i32
    return %arg0, %c0_i32 : i32, i32
  }
}

</mosaic_0001>

<sc_bundles>
// kernel: kernel.12.cloned.1.call-start
scs
__scs_entry_jumppad:
0x0: {  	(pc) =	sbr.rel $0x88, $3  }
0x1: {  	(tag) =	ssettag $0x0;
	lr =	simm.s32 $0x1  }
0x2: {  	[smem:$0x3F9A] =	sst lr;
	_ =	strace $0xD0000000  }
0x3: {  	_ = 	snop  }
0x4: {  	_ = 	snop  }
0x5: {  	_ = 	snop  }
0x6: {  	_ = 	snop  }
0x7: {  	_ = 	snop  }
__scs_overlays_trampoline_lowered:
0x8: {  	[smem:$0x3FA9] =	sst s0  }
0x9: {  	[smem:$0x3FAA] =	sst s1  }
0xa: {  	[smem:$0x3FAB] =	sst s2  }
0xb: {  	[smem:$0x3FAC] =	sst s3  }
0xc: {  	[smem:$0x3FAD] =	sst s4  }
0xd: {  	[smem:$0x3FAE] =	sst s5  }
0xe: {  	[smem:$0x3FAF] =	sst s6  }
0xf: {  	[smem:$0x3FB0] =	sst s7  }
0x10: {  	[smem:$0x3FB1] =	sst s8  }
0x11: {  	[smem:$0x3FB2] =	sst s9;
	s0 =	simm.s32 @!p0 $0x0  }
0x12: {  	s1 =	sld [smem:$0x3F98];
	s0 =	simm.s32 @p0 $0x1  }
0x13: {  	[smem:$0x3FB3] =	sst s0;
	s0 =	simm.s32 @!p1 $0x0  }
0x14: {  	s2 =	sld [smem:$0x3F97];
	s0 =	simm.s32 @p1 $0x1  }
0x15: {  	[smem:$0x3FB4] =	sst s0;
	s0 =	simm.s32 @!p2 $0x0  }
0x16: {  	s3 =	sld [smem:$0x3FDB];
	s0 =	simm.s32 @p2 $0x1  }
0x17: {  	s4 =	simm.s32 $0x1BF5;
	[smem:$0x3FB6] =	sst s0  }
0x18: {  	s0 =	sld [smem:$0x3F99];
	_ =	swait.ge [sflag:s4], $0x0  }
0x19: {  	s7 =	sld [smem:$0x3F9A]  }
0x1a: {  	s8 =	sadd.s32 $0xFFFFE003, lr  }
0x1b: {  	s9 =	sadd.s32 $0xFFFFFEF7, lr;
	s5 =	simm.s32 $0xFFFFFFFF;
	p2 =	slt.u32 s8, $0xFFFFF086  }
0x1c: {  	p1 =	slt.u32 s9, $0xF7A;
	s5 =	simm.s32 @!p2 $0x0  }
0x1d: {  	s5 =	simm.s32 @p1 $0x1;
	p0 =	seq.s32 s7, s2  }
0x1e: {  	s7 =	smul.u32 @!p0 $0xF7A, s2;
	p2 =	seq.s32 @!p0 s5, $0x0  }
0x1f: {  	s9 =	smul.u32 $0xF7A, s1;
	s8 =	simm.s32 @!p0 $0x1BF5;
	p2 =	por !p2, p0  }
0x20: {  	[sflag:s8] =	ssyncset.s32 @!p0 $0xFFFFF086;
	s6 =	sadd.s32 @!p0 s3, s7;
	s7 =	simm.s32 @!p0 $0x108  }
0x21: {  	s3 =	sadd.s32 s3, s9;
	s6 =	sadd.s32 @!p0 $0x88, s6;
	s7 =	simm.s32 @p2 $0x1082  }
0x22: {  	[simem:s7], [sflag:s8] =	dma.local @!p0 [hbm:s6], $0xF7A  }
0x23: {  	s9 =	sor.u32 $0xD0000000, s2;
	s6 =	simm.s32 $0x108;
	_ =	swait.ge @!p0 [sflag:s8], $0x0  }
0x24: {  	s3 =	sadd.s32 $0x88, s3;
	s6 =	simm.s32 @!p1 $0x1082;
	[sflag:s4] =	ssyncset.s32 $0xFFFFF086  }
0x25: {  	[simem:s6], [sflag:s4] =	dma.local [hbm:s3], $0xF7A  }
0x26: {  	[smem:$0x3F9A] =	sst s1;
	(tag) =	ssettag s2;
	_ =	strace s9  }
0x27: {  	s1 =	sld [smem:$0x3FAA]  }
0x28: {  	s2 =	sld [smem:$0x3FAB]  }
0x29: {  	s4 =	sld [smem:$0x3FAD]  }
0x2a: {  	p0 =	seq.s32 s5, $0x0;
	s5 =	sld [smem:$0x3FAE]  }
0x2b: {  	s6 =	sld [smem:$0x3FAF]  }
0x2c: {  	s7 =	sld [smem:$0x3FB0]  }
0x2d: {  	s3 =	simm.s32 $0x108;
	s8 =	sld [smem:$0x3FB1]  }
0x2e: {  	s3 =	simm.s32 @!p0 $0x1082;
	s9 =	sld [smem:$0x3FB2]  }
0x2f: {  	lr =	sadd.s32 s0, s3;
	s0 =	sld [smem:$0x3FA9]  }
0x30: {  	s3 =	sld [smem:$0x3FAC]  }
0x31: {  	[smem:$0x3FB5] =	sst s10  }
0x32: {  	s10 =	sld [smem:$0x3FB3];
	_ =	sdelay $0x3  }
0x33: {  	p0 =	seq.s32 s10, $0x1;
	s10 =	sld [smem:$0x3FB5];
	_ =	sdelay $0x3  }
0x34: {  	[smem:$0x3FB5] =	sst s10  }
0x35: {  	s10 =	sld [smem:$0x3FB4];
	_ =	sdelay $0x3  }
0x36: {  	p1 =	seq.s32 s10, $0x1;
	s10 =	sld [smem:$0x3FB5];
	_ =	sdelay $0x3  }
0x37: {  	[smem:$0x3FB5] =	sst s10  }
0x38: {  	s10 =	sld [smem:$0x3FB6]  }
0x39: {  	_ = 	snop;
	(pc) =	sbr.ind lr, $3  }
0x3a: {  	_ = 	snop  }
0x3b: {  	_ = 	snop  }
0x3c: {  	p2 =	seq.s32 s10, $0x1;
	s10 =	sld [smem:$0x3FB5]  }
0x3d: {  	_ =	shalt  }
0x3e: {  	_ =	shalt  }
0x3f: {  	_ =	shalt  }
0x40: {  	_ =	shalt  }
0x41: {  	_ =	shalt  }
0x42: {  	_ =	shalt  }
0x43: {  	_ =	shalt  }
0x44: {  	_ =	shalt  }
0x45: {  	_ =	shalt  }
0x46: {  	_ =	shalt  }
0x47: {  	_ =	shalt  }
0x48: {  	_ =	shalt  }
0x49: {  	_ =	shalt  }
0x4a: {  	_ =	shalt  }
0x4b: {  	_ =	shalt  }
0x4c: {  	_ =	shalt  }
0x4d: {  	_ =	shalt  }
0x4e: {  	_ =	shalt  }
0x4f: {  	_ =	shalt  }
0x50: {  	_ =	shalt  }
0x51: {  	_ =	shalt  }
0x52: {  	_ =	shalt  }
0x53: {  	_ =	shalt  }
0x54: {  	_ =	shalt  }
0x55: {  	_ =	shalt  }
0x56: {  	_ =	shalt  }
0x57: {  	_ =	shalt  }
0x58: {  	_ =	shalt  }
0x59: {  	_ =	shalt  }
0x5a: {  	_ =	shalt  }
0x5b: {  	_ =	shalt  }
0x5c: {  	_ =	shalt  }
0x5d: {  	_ =	shalt  }
0x5e: {  	_ =	shalt  }
0x5f: {  	_ =	shalt  }
0x60: {  	_ =	shalt  }
0x61: {  	_ =	shalt  }
0x62: {  	_ =	shalt  }
0x63: {  	_ =	shalt  }
0x64: {  	_ =	shalt  }
0x65: {  	_ =	shalt  }
0x66: {  	_ =	shalt  }
0x67: {  	_ =	shalt  }
0x68: {  	_ =	shalt  }
0x69: {  	_ =	shalt  }
0x6a: {  	_ =	shalt  }
0x6b: {  	_ =	shalt  }
0x6c: {  	_ =	shalt  }
0x6d: {  	_ =	shalt  }
0x6e: {  	_ =	shalt  }
0x6f: {  	_ =	shalt  }
0x70: {  	_ =	shalt  }
0x71: {  	_ =	shalt  }
0x72: {  	_ =	shalt  }
0x73: {  	_ =	shalt  }
0x74: {  	_ =	shalt  }
0x75: {  	_ =	shalt  }
0x76: {  	_ =	shalt  }
0x77: {  	_ =	shalt  }
0x78: {  	_ =	shalt  }
0x79: {  	_ =	shalt  }
0x7a: {  	_ =	shalt  }
0x7b: {  	_ =	shalt  }
0x7c: {  	_ =	shalt  }
0x7d: {  	_ =	shalt  }
0x7e: {  	_ =	shalt  }
0x7f: {  	_ =	shalt  }
0x80: {  	_ =	shalt  }
0x81: {  	_ =	shalt  }
0x82: {  	_ =	shalt  }
0x83: {  	_ =	shalt  }
0x84: {  	_ =	shalt  }
0x85: {  	_ =	shalt  }
0x86: {  	_ =	shalt  }
0x87: {  	_ =	shalt  }
.Lfunc_end0:
.L_simem_size_0:
called_computation.1_lowered:
.L_overlay_start_0:
0x88: {  	s2 =	sld [smem:$0x3FD9]  }
0x89: {  	s3 =	sld [smem:$0x3FFE];
	_ =	sdelay $0x1  }
0x8a: {  	s1 =	srdreg.scid  }
0x8b: {  	s0 =	sand.u32 $0x1, s1  }
0x8c: {  	s17 =	sshll.u32 s0, $0xA;
	s2 =	sadd.s32 s3, s2  }
0x8d: {  	s2 =	sadd.s32 s2, s17  }
0x8e: {  	[smem:$0x3FC1] =	sst s2  }
0x8f: {  	_ = 	snop  }
0x90: {  	s2 =	sld [smem:$0x3FD0];
	(tm) =	ssettm $0x1  }
0x91: {  	s18 =	sld [smem:$0x3FFB];
	_ =	sdelay $0x3  }
0x92: {  	_ =	strace s18  }
0x93: {  	s3 =	sld [smem:$0x3FFC];
	_ =	sdelay $0x3  }
0x94: {  	_ =	strace s3  }
0x95: {  	s3 =	sld [smem:$0x3FFD];
	_ =	sdelay $0x3  }
0x96: {  	_ =	strace s3  }
0x97: {  	_ =	strace $0x8FFFFFFF  }
0x98: {  	s19 =	sld [smem:$0x3FDB];
	_ =	sdelay $0x1  }
0x99: {  	s4 =	simm.s32 $_scs_section_size  }
0x9a: {  	s5 =	simm.s32 $_size__tile_overlayer_lowered;
	s6 =	simm.s32 $_tile_overlayer_lowered  }
0x9b: {  	s22 =	simm.s32 $0x1BFF;
	s21 =	sshll.u32 s6, $0x1;
	s3 =	sadd.s32 s4, s19  }
0x9c: {  	s7 =	simm.s32 $0x0;
	s20 =	sshll.u32 s5, $0x1;
	s5 =	sadd.s32 s21, s3  }
0x9d: {  	[timem:s7], [sflag:s22] =	dma.local [hbm:s5], s20  }
0x9e: {  	_ =	swait.ge [sflag:s22], s20  }
0x9f: {  	s4 =	ssub.s32 $0x0, s20;
	[sflag:s22] =	ssyncset.done $0x0  }
0xa0: {  	[sflag:s22] =	ssyncadd.s32 s4;
	_ =	sdelay $0x1  }
0xa1: {  	s23 =	simm.s32 $0x1B8B  }
0xa2: {  	_ =	swait.ge [sflag:s23], $0x1  }
0xa3: {  	[sflag:s23] =	ssyncset.done $0x0  }
0xa4: {  	s25 =	simm.s32 $0x1B8E;
	s24 =	sld [smem:$0x3FFE];
	[sflag:s23] =	ssyncadd.s32 $0xFFFFFFFF  }
0xa5: {  	s26 =	simm.s32 $execute0_lowered;
	[smem:$0x3FD2] =	sst s25  }
0xa6: {  	s5 =	sshll.u32 s26, $0x1;
	_ =	strace $0x80000049;
	[dreg:$0x1] =	wrdreg $0xFFFFFFFF  }
0xa7: {  	s28 =	simm.s32 $_size_execute0_lowered;
	s3 =	sadd.s32 s3, s5;
	[dreg:$0x0] =	wrdreg $0x0  }
0xa8: {  	s5 =	sshll.u32 s28, $0x1;
	[dreg:$0x2] =	wrdreg s3  }
0xa9: {  	[dreg:$0x3] =	wrdreg s5  }
0xaa: {  	[dreg:$0x4] =	wrdreg $0xC0  }
0xab: {  	_ =	task [dreg:s7], $0x5FFFF  }
0xac: {  	[dreg:$0x1] =	wrdreg $0xFFFFFFFF  }
0xad: {  	[dreg:$0x0] =	wrdreg $0x60  }
0xae: {  	[dreg:$0x2] =	wrdreg s24  }
0xaf: {  	[dreg:$0x3] =	wrdreg s2  }
0xb0: {  	[dreg:$0x4] =	wrdreg $0xBE800  }
0xb1: {  	[dreg:$0x5] =	wrdreg $0x9  }
0xb2: {  	_ =	task.clear_ibuf [dreg:s7], $0x6FFFF;
	_ =	strace $0x90000049  }
0xb3: {  	s29 =	simm.s32 $0x9;
	_ =	strace $0x8000004B  }
0xb4: {  	_ =	swait.ge [sflag:s29], $0x1  }
0xb5: {  	[sflag:s29] =	ssyncadd.s32 $0xFFFFFFFF  }
0xb6: {  	_ =	strace $0x9000004B  }
0xb7: {  	_ =	sfence  }
0xb8: {  	s30 =	sld [smem:$0x0];
	_ =	sdelay $0x2  }
0xb9: {  	s31 =	sshll.u32 s1, $0xD;
	s1 =	sshrl.u32 s1, $0x2  }
0xba: {  	s3 =	sand.u32 $0x4000, s31;
	s1 =	sadd.s32 s1, s30  }
0xbb: {  	s0 =	sor.u32 s3, s0;
	s1 =	sshll.u32 s1, $0x11  }
0xbc: {  	s0 =	sor.u32 s1, s0  }
0xbd: {  	s0 =	sadd.s32 $0x8F2B, s0  }
0xbe: {  	[sflag:s0] =	ssyncadd.remote.s32 $0x1  }
0xbf: {  	_ =	sfence.sel $0xFFFF  }
0xc0: {  	[dreg:$0x0] =	wrdreg $0xFFFFFFFF;
	(pc) =	sbr.abs _section_cstart, $3  }
0xc1: {  	[dreg:$0x1] =	wrdreg $0xFFFFFFFF  }
0xc2: {  	_ =	task.clear_ibuf [dreg:s7], $0x2FFFF;
	_ =	strace $0x9FFFFFFF  }
0xc3: {  	(tm) =	ssettm $0x7FFFFFFF  }
tec
execute0_lowered:
.L_overlay_start_1:
0x0: {  	(tag) =	ssettag $0x1  }
0x1: {  	s0 =	rddreg [dreg:$0x0]  }
0x2: {  	s2 =	rddreg [dreg:$0x1]  }
0x3: {  	s3 =	rddreg [dreg:$0x2]  }
0x4: {  	s1 =	srdreg.scid;
	s7 =	stileid.u32  }
0x5: {  	s4 =	simm.s32 $0x0;
	s14 =	simm.s32 $0x9680;
	s15 =	simm.s32 $0x5  }
0x6: {  	s16 =	simm.s32 $0x10E00;
	s10 =	simm.s32 $0x7680;
	s18 =	simm.s32 $0x80  }
0x7: {  	s19 =	simm.s32 $0x7E80;
	s1 =	sand.u32 $0x1, s1;
	s5 =	smul.u32 $0x2800, s7  }
0x8: {  	[smem:$0x7FF] =	sst s4;
	s7 =	sshll.u32 s7, $0x1;
	s8 =	sadd.s32 $0x20000, s0  }
0x9: {  	s23 =	sadd.s32 $0x20600, s0;
	s6 =	smul.u32 $0x28000, s1;
	_ =	strace $0x8000004A  }
0xa: {  	s7 =	sor.u32 s1, s7;
	[dreg:$0x4] =	wrdreg s8;
	s1 =	ssub.s32 $0x2, s1  }
0xb: {  	s7 =	smul.u32 $0x4F0, s7;
	s24 =	sshrl.u32 s1, $0x1;
	s6 =	sadd.s32 s5, s6  }
0xc: {  	[dreg:$0x5] =	wrdreg s23;
	s1 =	ssub.s32 s1, s24;
	s6 =	sshrl.u32 s6, $0x3  }
0xd: {  	s31 =	smax.u32 s1, $0x1;
	s6 =	sadd.s32 s6, s0;
	s0 =	sadd.s32 s7, s0  }
0xe: {  	s20 =	simm.s32 $0x1;
	[dreg:$0xb] =	wrdreg s31;
	s25 =	sadd.s32 $0xC400, s0  }
0xf: {  	s21 =	simm.s32 $0x4F00;
	s26 =	sadd.s32 $0x16200, s0;
	[dreg:$0x6] =	wrdreg s25  }
0x10: {  	s22 =	simm.s32 $0x8680;
	s28 =	sadd.s32 $0x2600, s0;
	[dreg:$0x7] =	wrdreg s26  }
0x11: {  	s30 =	simm.s32 $0x0;
	s0 =	sadd.s32 $0x2AC00, s0;
	[dreg:$0x8] =	wrdreg s28  }
0x12: {  	v0 =	vimm.s32 $0x0;
	vm0 =	vcmask $0x300;
	s23 =	simm.s32 $0x2;
	s29 =	sadd.s32 $0x20C00, s6;
	[dreg:$0x9] =	wrdreg s0  }
0x13: {  	v0 =	vsel vm0, $0x3, v0;
	s24 =	simm.s32 $0x8E80;
	s7 =	sadd.s32 s5, s3;
	[dreg:$0xa] =	wrdreg s29  }
.LBB2_1:
0x14: {  	s0 =	rddreg [dreg:$0x5]  }
0x15: {  	[tilespmem:s14], [sflag:$0x5] =	stream.linear.gather [hbm4b:s0+s4], $0x2800, $0x38;
	[tilespmem:$0x13600] =	vst v63  }
0x16: {  	_ =	swait.ge [sflag:s15], $0x2800  }
0x17: {  	[sflag:s15] =	ssyncset.done $0x0  }
0x18: {  	[sflag:s15] =	ssyncadd.s32 $0xFFFFD800  }
0x19: {  	[spmem:s7] =	stream.linear.scatter [tilespmem:s14], [sflag:$0x5], $0x2800, $0x38;
	[tilespmem:$0x13600] =	vst v63  }
0x1a: {  	_ =	swait.ge [sflag:s15], $0x2800  }
0x1b: {  	[sflag:s15] =	ssyncset.done $0x0  }
0x1c: {  	[sflag:s15] =	ssyncadd.s32 $0xFFFFD800  }
0x1d: {  	[bflag:$0x0] =	sbarrier.arrive $0xFFFF  }
0x1e: {  	s17 =	rddreg [dreg:$0x6]  }
0x1f: {  	[tilespmem:s4], [sflag:$0x5] =	stream.linear.gather [hbm4b:s17+s4], $0x2780, $0x38;
	[tilespmem:$0x13600] =	vst v63  }
0x20: {  	_ =	swait.ge [sflag:s15], $0x2780  }
0x21: {  	[sflag:s15] =	ssyncset.done $0x0  }
0x22: {  	s31 =	simm.s32 $0x2780;
	s25 =	rddreg [dreg:$0x7];
	[sflag:s15] =	ssyncadd.s32 $0xFFFFD880  }
0x23: {  	[tilespmem:s31], [sflag:$0x5] =	stream.linear.gather [hbm4b:s25+s4], $0x2780, $0x38;
	[tilespmem:$0x13600] =	vst v63  }
0x24: {  	_ =	swait.ge [sflag:s15], $0x2780  }
0x25: {  	[sflag:s15] =	ssyncset.done $0x0  }
0x26: {  	s0 =	simm.s32 $0xE680;
	s1 =	rddreg [dreg:$0x8];
	[sflag:s15] =	ssyncadd.s32 $0xFFFFD880  }
0x27: {  	[tilespmem:s0], [sflag:$0x5] =	stream.linear.gather [hbm4b:s1+s4], $0x2780, $0x38;
	[tilespmem:$0x13600] =	vst v63  }
0x28: {  	_ =	swait.ge [sflag:s15], $0x2780  }
0x29: {  	[sflag:s15] =	ssyncset.done $0x0  }
0x2a: {  	s28 =	simm.s32 $0xE700;
	s26 =	rddreg [dreg:$0x4];
	[sflag:s15] =	ssyncadd.s32 $0xFFFFD880  }
0x2b: {  	[tilespmem:s16], [sflag:$0x5] =	stream.linear.gather [hbm4b:s26+s4], $0x2800, $0x38;
	[tilespmem:$0x13600] =	vst v63  }
0x2c: {  	s29 =	simm.s32 $0x4F80;
	s5 =	simm.s32 $0x4F00;
	_ =	swait.ge [sflag:s15], $0x2800  }
0x2d: {  	s6 =	simm.s32 $0x0;
	s9 =	simm.s32 $0x0;
	[sflag:s15] =	ssyncset.done $0x0  }
0x2e: {  	s17 =	simm.s32 $0x80;
	s1 =	simm.s32 $0x2800;
	[sflag:s15] =	ssyncadd.s32 $0xFFFFD800  }
0x2f: {  	[tilespmem:s10], [sflag:$0x1] =	stream.indirect.gather [hbm4b:s2+s18], $0x10, s31, s18, $0xb8;
	[tilespmem:$0x13600] =	vst v63  }
.LBB2_2:
0x30: {  	s8 =	sshllo.u32 s9, $0x1;
	v1 =	vmov s6  }
0x31: {  	v2 =	vmov s31;
	s8 =	sshll.u32 s8, $0x7  }
0x32: {  	s10 =	sadd.s32 $0x2780, s8  }
0x33: {  	[tilespmem:s19], [sflag:$0x2] =	stream.indirect.gather [hbm4b:s2+s18], $0x10, s10, s18, $0xb8;
	[tilespmem:$0x13600] =	vst v63  }
0x34: {  	s10 =	simm.s32 $0x0  }
0x35: {  	v4 =	vld.idx.msk [tilespmem:v1+s10+$0x0 ss:$0x1], $0xffff  }
0x36: {  	v3 =	vmov s0;
	v5 =	vld.idx.msk [tilespmem:v2+s10+$0x0 ss:$0x1], $0xffff;
	_ =	sdelay $0x4  }
0x37: {  	s11 =	simm.s32 $0x10;
	v6 =	vld.idx.msk [tilespmem:v3+s10+$0x0 ss:$0x1], $0xffff  }
0x38: {  	v7 =	vld.idx.msk [tilespmem:v1+s11+$0x0 ss:$0x1], $0xffff  }
0x39: {  	v8 =	vld.idx.msk [tilespmem:v4+s16+$0x0], $0xffff  }
0x3a: {  	v10 =	vld.idx.msk [tilespmem:v5+s16+$0x0], $0xffff  }
0x3b: {  	v4 =	vld.idx.msk [tilespmem:v2+s11+$0x0 ss:$0x1], $0xffff;
	_ =	sdelay $0x1  }
0x3c: {  	v9 =	vmov s5  }
0x3d: {  	v6 =	vmul.f32 v6, v8;
	_ =	sdelay $0x1  }
0x3e: {  	v5 =	vld.idx.msk [tilespmem:v3+s11+$0x0 ss:$0x1], $0xffff;
	v10 =	vmul.f32 v6, v10  }
0x3f: {  	s13 =	sshll.u32 s9, $0x1;
	s12 =	simm.s32 $0x20;
	s25 =	simm.s32 $0xC0;
	v6 =	vld.idx.msk [tilespmem:v7+s16+$0x0], $0xffff  }
.LBB2_3:
0x40: {  	p0 =	sne.s32 s25, $0x1C0;
	v7 =	vld.idx.msk [tilespmem:v1+s12+$0x0 ss:$0x1], $0xffff;
	[tilespmem:v9+s10+$0x0 ss:$0x1] =	vst.idx.msk $0xffff, v10;
	s10 =	smov.u32 s11;
	s11 =	smov.u32 s12  }
0x41: {  	v8 =	vld.idx.msk [tilespmem:v4+s16+$0x0], $0xffff  }
0x42: {  	v4 =	vld.idx.msk [tilespmem:v2+s11+$0x0 ss:$0x1], $0xffff;
	_ =	sdelay $0x1  }
.Ltmp0:
0x43: {  	(pc) =	sbr.rel @p0 .LBB2_3-.Ltmp0, $3  }
0x44: {  	v6 =	vmul.f32 v5, v6;
	_ =	sdelay $0x1  }
0x45: {  	v10 =	vmul.f32 v6, v8;
	v5 =	vld.idx.msk [tilespmem:v3+s11+$0x0 ss:$0x1], $0xffff  }
0x46: {  	s12 =	sshra.s32 s25, $0x2;
	s25 =	sadd.s32 $0x40, s25;
	v6 =	vld.idx.msk [tilespmem:v7+s16+$0x0], $0xffff  }
0x47: {  	_ =	sdelay $0x3  }
0x48: {  	v1 =	vld.idx.msk [tilespmem:v1+s12+$0x0 ss:$0x1], $0xffff  }
0x49: {  	s25 =	simm.s32 $0x0;
	s26 =	simm.s32 $0x1  }
0x4a: {  	v2 =	vld.idx.msk [tilespmem:v2+s12+$0x0 ss:$0x1], $0xffff;
	v13 =	vmov s25;
	s25 =	simm.s32 $0x2;
	v14 =	vmov s26;
	s26 =	simm.s32 $0x4  }
0x4b: {  	v15 =	vmov s25;
	v17 =	vmov s26;
	s25 =	simm.s32 $0x5;
	s26 =	simm.s32 $0x6;
	v13 =	vshrl.u32 v13, $0x3  }
0x4c: {  	v4 =	vld.idx.msk [tilespmem:v4+s16+$0x0], $0xffff;
	v14 =	vshrl.u32 v14, $0x3;
	v18 =	vmov s25;
	v19 =	vmov s26  }
0x4d: {  	s26 =	simm.s32 $0x8;
	v13 =	vshll.u32 v13, v0;
	v15 =	vshrl.u32 v15, $0x3;
	v17 =	vshrl.u32 v17, $0x3  }
0x4e: {  	s25 =	simm.s32 $0xC;
	v14 =	vshll.u32 v14, v0;
	v5 =	vmul.f32 v5, v6;
	v21 =	vmov s26  }
0x4f: {  	v3 =	vld.idx.msk [tilespmem:v3+s12+$0x0 ss:$0x1], $0xffff;
	s26 =	simm.s32 $0xA;
	v25 =	vmov s25;
	s25 =	simm.s32 $0xE;
	v18 =	vshrl.u32 v18, $0x3;
	v19 =	vshrl.u32 v19, $0x3  }
0x50: {  	v23 =	vmov s26;
	s26 =	simm.s32 $0xB;
	v27 =	vmov s25;
	v21 =	vshrl.u32 v21, $0x3;
	v1 =	vld.idx.msk [tilespmem:v1+s16+$0x0], $0xffff  }
0x51: {  	[tilespmem:v9+s10+$0x0 ss:$0x1] =	vst.idx.msk $0xffff, v10;
	s25 =	simm.s32 $0x13;
	v11 =	vmul.f32 v5, v4;
	v24 =	vmov s26;
	s26 =	simm.s32 $0xD;
	v10 =	vshrl.u32 v23, $0x3  }
0x52: {  	v28 =	vmov s25;
	s25 =	simm.s32 $0x16;
	v26 =	vmov s26;
	v23 =	vshrl.u32 v24, $0x3;
	v2 =	vld.idx.msk [tilespmem:v2+s16+$0x0], $0xffff  }
0x53: {  	v24 =	vshrl.u32 v25, $0x3;
	v10 =	vshll.u32 v10, v0;
	v31 =	vmov s25;
	s25 =	simm.s32 $0x19  }
0x54: {  	[tilespmem:v9+s11+$0x0 ss:$0x1] =	vst.idx.msk $0xffff, v11;
	v11 =	vshrl.u32 v26, $0x3;
	s11 =	simm.s32 $0x10;
	v34 =	vmov s25;
	v55 =	vshrl.u32 v31, $0x3  }
0x55: {  	s25 =	simm.s32 $0x1D;
	v11 =	vshll.u32 v11, v0;
	v25 =	vmov s11;
	v1 =	vmul.f32 v3, v1  }
0x56: {  	s13 =	sshll.u32 s13, $0x7;
	v38 =	vmov s25;
	v34 =	vshrl.u32 v34, $0x3;
	v25 =	vshrl.u32 v25, $0x3  }
0x57: {  	v38 =	vshrl.u32 v38, $0x3;
	v12 =	vmul.f32 v1, v2;
	v1 =	vmov s13  }
0x58: {  	v34 =	vshll.u32 v34, v0;
	v2 =	vor.u32 $0x1, v1;
	v3 =	vor.u32 $0x2, v1  }
0x59: {  	s13 =	simm.s32 $0x3;
	v4 =	vor.u32 $0x3, v1;
	v5 =	vor.u32 $0x4, v1;
	v13 =	vadd.s32 v1, v13;
	[tilespmem:v9+s12+$0x0 ss:$0x1] =	vst.idx.msk $0xffff, v12  }
0x5a: {  	v16 =	vmov s13;
	v13 =	vbroadcast v13, $0x0;
	v14 =	vadd.s32 v14, v2;
	_ =	swait.ge [sflag:s20], $0x800  }
0x5b: {  	p0 =	seq.s32 s9, $0x0;
	v6 =	vor.u32 $0x5, v1;
	v10 =	vadd.s32 v10, v3;
	v14 =	vbroadcast v14, $0x0;
	[sflag:s20] =	ssyncset.done $0x0  }
0x5c: {  	s10 =	simm.s32 @!p0 $0x3;
	s13 =	simm.s32 $0x7;
	v7 =	vor.u32 $0x6, v1;
	v11 =	vadd.s32 v11, v6;
	v10 =	vbroadcast v10, $0x0;
	[sflag:s20] =	ssyncadd.s32 $0xFFFFF800  }
0x5d: {  	v8 =	vor.u32 $0x7, v1;
	v20 =	vmov s13;
	v11 =	vbroadcast v11, $0x0;
	_ =	swait.ge @!p0 [sflag:s10], $0x800  }
0x5e: {  	s13 =	simm.s32 $0x9;
	v16 =	vshrl.u32 v16, $0x3;
	v9 =	vshrl.u32 v27, $0x3;
	v12 =	vshll.u32 v15, v0;
	[sflag:s10] =	ssyncset.done @!p0 $0x0  }
0x5f: {  	v22 =	vmov s13;
	v20 =	vshrl.u32 v20, $0x3;
	v15 =	vshll.u32 v16, v0;
	[sflag:s10] =	ssyncadd.s32 @!p0 $0xFFFFF800  }
0x60: {  	s12 =	simm.s32 $0x11;
	v16 =	vshll.u32 v17, v0;
	v17 =	vshll.u32 v18, v0;
	v12 =	vadd.s32 v12, v3;
	v13 =	vld.idx.msk [tilespmem:v13+s21+$0x0], $0xffff  }
0x61: {  	v18 =	vshll.u32 v19, v0;
	v9 =	vshll.u32 v9, v0;
	v26 =	vmov s12;
	v14 =	vld.idx.msk [tilespmem:v14+s21+$0x0], $0xffff  }
0x62: {  	v22 =	vshrl.u32 v22, $0x3;
	v12 =	vbroadcast v12, $0x0;
	v15 =	vadd.s32 v15, v4;
	v10 =	vld.idx.msk [tilespmem:v10+s21+$0x0], $0xffff  }
0x63: {  	v19 =	vshll.u32 v20, v0;
	v16 =	vadd.s32 v16, v5;
	v20 =	vshll.u32 v21, v0;
	s10 =	simm.s32 $0x7700;
	v39 =	vld.idx.msk [tilespmem:v11+s21+$0x0], $0xffff  }
0x64: {  	s12 =	simm.s32 $0x1B;
	v17 =	vadd.s32 v17, v6;
	v18 =	vadd.s32 v18, v7;
	v9 =	vadd.s32 v9, v7;
	v57 =	vld [tilespmem:s10+$0x70]  }
0x65: {  	v36 =	vmov s12;
	v15 =	vbroadcast v15, $0x0;
	v16 =	vbroadcast v16, $0x0;
	v41 =	vld [tilespmem:s10+$0xFFFFFF80]  }
0x66: {  	v21 =	vshll.u32 v22, v0;
	v17 =	vbroadcast v17, $0x0;
	v18 =	vbroadcast v18, $0x0;
	v42 =	vld [tilespmem:s10+$0xFFFFFF90]  }
0x67: {  	v19 =	vadd.s32 v19, v8;
	v22 =	vshll.u32 v23, v0;
	v20 =	vadd.s32 v1, v20;
	v43 =	vld [tilespmem:s10+$0xFFFFFFA0]  }
0x68: {  	v23 =	vshll.u32 v24, v0;
	v9 =	vbroadcast v9, $0x0;
	v36 =	vshrl.u32 v36, $0x3;
	v44 =	vld [tilespmem:s10+$0xFFFFFFB0]  }
0x69: {  	v19 =	vbroadcast v19, $0x0;
	v20 =	vbroadcast v20, $0x0;
	v21 =	vadd.s32 v21, v2;
	v45 =	vld [tilespmem:s10+$0xFFFFFFC0]  }
0x6a: {  	v36 =	vshll.u32 v36, v0;
	v11 =	vshll.u32 v25, v0;
	v25 =	vshrl.u32 v26, $0x3;
	v59 =	vld [tilespmem:s10+$0xFFFFFFD0]  }
0x6b: {  	s26 =	simm.s32 $0xF;
	v11 =	vadd.s32 v1, v11;
	v25 =	vshll.u32 v25, v0;
	v24 =	vld.idx.msk [tilespmem:v15+s21+$0x0], $0xffff;
	v15 =	vbroadcast v21, $0x0  }
0x6c: {  	v21 =	vld.idx.msk [tilespmem:v16+s21+$0x0], $0xffff;
	v16 =	vadd.s32 v22, v4;
	v22 =	vadd.s32 v23, v5;
	v23 =	vmov s26  }
0x6d: {  	v46 =	vld [tilespmem:s10+$0xFFFFFFE0];
	s26 =	simm.s32 $0x14;
	v11 =	vbroadcast v11, $0x0;
	v25 =	vadd.s32 v25, v2;
	v16 =	vbroadcast v16, $0x0  }
0x6e: {  	v12 =	vld.idx.msk [tilespmem:v12+s21+$0x0], $0xffff;
	v22 =	vbroadcast v22, $0x0;
	v23 =	vshrl.u32 v23, $0x3;
	v29 =	vmov s26;
	s26 =	simm.s32 $0x17  }
0x6f: {  	v17 =	vld.idx.msk [tilespmem:v17+s21+$0x0], $0xffff;
	v25 =	vbroadcast v25, $0x0;
	v23 =	vshll.u32 v23, v0;
	v32 =	vmov s26;
	s26 =	simm.s32 $0x1A  }
0x70: {  	v62 =	vld [tilespmem:s10+$0x40];
	v53 =	vshrl.u32 v29, $0x3;
	v23 =	vadd.s32 v23, v8;
	v35 =	vmov s26  }
0x71: {  	v18 =	vld.idx.msk [tilespmem:v18+s21+$0x0], $0xffff;
	s26 =	simm.s32 $0x1E;
	v56 =	vshrl.u32 v32, $0x3;
	v13 =	vmul.f32 v41, v13;
	v42 =	vmul.f32 v42, v14  }
0x72: {  	v40 =	vld.idx.msk [tilespmem:v9+s21+$0x0], $0xffff;
	v26 =	vmov s26;
	v35 =	vshrl.u32 v35, $0x3;
	v31 =	vshll.u32 v56, v0  }
0x73: {  	v19 =	vld.idx.msk [tilespmem:v19+s21+$0x0], $0xffff;
	v12 =	vmul.f32 v43, v12;
	v26 =	vshrl.u32 v26, $0x3;
	v24 =	vmul.f32 v44, v24  }
0x74: {  	s11 =	simm.s32 $0x8700;
	s13 =	simm.s32 $0x12;
	v35 =	vshll.u32 v35, v0;
	v17 =	vmul.f32 v59, v17;
	v27 =	vld.idx.msk [tilespmem:v15+s21+$0x0], $0xffff;
	v15 =	vbroadcast v23, $0x0  }
0x75: {  	v20 =	vld.idx.msk [tilespmem:v20+s21+$0x0], $0xffff;
	v23 =	vmov s13;
	s13 =	simm.s32 $0x15;
	v14 =	vshll.u32 v26, v0;
	[tilespmem:s11+$0xFFFFFFA0] =	vst v12;
	v12 =	vmul.f32 v45, v21  }
0x76: {  	[tilespmem:s11+$0xFFFFFF80] =	vst v13;
	v13 =	vld [tilespmem:s10+$0xFFFFFFF0];
	v30 =	vmov s13;
	s13 =	simm.s32 $0x18;
	v9 =	vshrl.u32 v23, $0x3;
	v23 =	vshrl.u32 v28, $0x3  }
0x77: {  	v33 =	vld.idx.msk [tilespmem:v16+s21+$0x0], $0xffff;
	v28 =	vshll.u32 v53, v0;
	v16 =	vmov s13;
	v54 =	vshrl.u32 v30, $0x3  }
0x78: {  	v26 =	vld [tilespmem:s10+$0x0];
	s13 =	simm.s32 $0x1C;
	v9 =	vshll.u32 v9, v0;
	v23 =	vshll.u32 v23, v0;
	v30 =	vshll.u32 v55, v0  }
0x79: {  	v21 =	vld [tilespmem:s10+$0x10];
	[tilespmem:s11+$0xFFFFFFC0] =	vst v12;
	v12 =	vmul.f32 v46, v18;
	v37 =	vmov s13;
	v16 =	vshrl.u32 v16, $0x3  }
0x7a: {  	[tilespmem:s11+$0xFFFFFFB0] =	vst v24;
	v24 =	vld [tilespmem:s10+$0x20];
	v29 =	vshll.u32 v54, v0;
	v9 =	vadd.s32 v9, v3;
	v18 =	vadd.s32 v30, v7  }
0x7b: {  	[tilespmem:s11+$0xFFFFFF90] =	vst v42;
	v22 =	vld.idx.msk [tilespmem:v22+s21+$0x0], $0xffff;
	v37 =	vshrl.u32 v37, $0x3;
	v58 =	vshll.u32 v16, v0;
	v60 =	vbroadcast v9, $0x0  }
0x7c: {  	[tilespmem:s11+$0xFFFFFFD0] =	vst v17;
	v9 =	vadd.s32 v23, v4;
	v23 =	vld [tilespmem:s10+$0x30];
	v13 =	vmul.f32 v13, v19;
	v16 =	vshll.u32 v37, v0  }
0x7d: {  	[tilespmem:s11+$0xFFFFFFE0] =	vst v12;
	v61 =	vbroadcast v9, $0x0;
	v9 =	vadd.s32 v28, v5;
	v12 =	vmul.f32 v26, v20;
	v15 =	vld.idx.msk [tilespmem:v15+s21+$0x0], $0xffff  }
0x7e: {  	v26 =	vld [tilespmem:s10+$0x50];
	v63 =	vbroadcast v9, $0x0;
	v9 =	vadd.s32 v29, v6;
	[tilespmem:s11+$0xFFFFFFF0] =	vst v13;
	v13 =	vmul.f32 v21, v27  }
0x7f: {  	v20 =	vadd.s32 v1, v58;
	v27 =	vld [tilespmem:s10+$0x60];
	v17 =	vbroadcast v9, $0x0;
	[tilespmem:s11+$0x0] =	vst v12;
	v12 =	vmul.f32 v24, v10  }
0x80: {  	v18 =	vbroadcast v18, $0x0;
	v9 =	vld.idx.msk [tilespmem:v11+s21+$0x0], $0xffff;
	v11 =	vadd.s32 v31, v8;
	v24 =	vmul.f32 v62, v22;
	[tilespmem:s11+$0x10] =	vst v13  }
0x81: {  	v21 =	vadd.s32 v34, v2;
	v10 =	vld.idx.msk [tilespmem:v25+s21+$0x0], $0xffff;
	v19 =	vbroadcast v11, $0x0;
	v13 =	vmul.f32 v23, v33;
	[tilespmem:s11+$0x20] =	vst v12  }
0x82: {  	v20 =	vbroadcast v20, $0x0;
	v22 =	vadd.s32 v35, v3;
	[tilespmem:s11+$0x40] =	vst v24;
	v11 =	vld.idx.msk [tilespmem:v60+s21+$0x0], $0xffff;
	v15 =	vmul.f32 v57, v15  }
0x83: {  	v21 =	vbroadcast v21, $0x0;
	v25 =	vadd.s32 v36, v4;
	v23 =	vmul.f32 v26, v39;
	v12 =	vld.idx.msk [tilespmem:v61+s21+$0x0], $0xffff;
	[tilespmem:s11+$0x30] =	vst v13  }
0x84: {  	s12 =	simm.s32 $0x20;
	s13 =	simm.s32 $0x1F;
	v22 =	vbroadcast v22, $0x0;
	v24 =	vmul.f32 v27, v40;
	v13 =	vld.idx.msk [tilespmem:v63+s21+$0x0], $0xffff;
	[tilespmem:s11+$0x70] =	vst v15;
	v15 =	vshll.u32 v38, v0  }
.LBB2_5:
0x85: {  	p1 =	slt.u32 s12, $0x70;
	v17 =	vld.idx.msk [tilespmem:v17+s21+$0x0], $0xffff;
	v25 =	vbroadcast v25, $0x0;
	v16 =	vadd.s32 v16, v5;
	v26 =	vmov s13;
	[tilespmem:s11+$0x50] =	vst v23  }
0x86: {  	v15 =	vadd.s32 v15, v6;
	v18 =	vld.idx.msk [tilespmem:v18+s21+$0x0], $0xffff;
	v16 =	vbroadcast v16, $0x0;
	v23 =	vshrl.u32 v26, $0x3;
	[tilespmem:s11+$0x60] =	vst v24  }
0x87: {  	v14 =	vadd.s32 v14, v7;
	v15 =	vbroadcast v15, $0x0;
	v19 =	vld.idx.msk [tilespmem:v19+s21+$0x0], $0xffff;
	v23 =	vshll.u32 v23, v0  }
0x88: {  	s13 =	sadd.s32 $0x1, s12;
	v24 =	vmov s12;
	v14 =	vbroadcast v14, $0x0;
	v20 =	vld.idx.msk [tilespmem:v20+s21+$0x0], $0xffff;
	v23 =	vadd.s32 v23, v8  }
0x89: {  	s25 =	sadd.s32 $0x3, s12;
	s26 =	sadd.s32 $0x4, s12;
	v26 =	vmov s13;
	s13 =	sadd.s32 $0x2, s12;
	v24 =	vshrl.u32 v24, $0x3;
	v21 =	vld.idx.msk [tilespmem:v21+s21+$0x0], $0xffff;
	v23 =	vbroadcast v23, $0x0  }
0x8a: {  	v28 =	vmov s25;
	v29 =	vmov s26;
	s25 =	sadd.s32 $0x6, s12;
	s26 =	sadd.s32 $0x7, s12;
	v27 =	vmov s13;
	s13 =	sadd.s32 $0x5, s12;
	v22 =	vld.idx.msk [tilespmem:v22+s21+$0x0], $0xffff  }
0x8b: {  	v31 =	vmov s25;
	v32 =	vmov s26;
	s25 =	sadd.s32 $0x9, s12;
	s26 =	sadd.s32 $0xA, s12;
	v30 =	vmov s13;
	s13 =	sadd.s32 $0x8, s12;
	v25 =	vld.idx.msk [tilespmem:v25+s21+$0x0], $0xffff  }
0x8c: {  	v34 =	vmov s25;
	v35 =	vmov s26;
	s25 =	sadd.s32 $0xC, s12;
	s26 =	sadd.s32 $0xD, s12;
	v33 =	vmov s13;
	s13 =	sadd.s32 $0xB, s12;
	v36 =	vld.idx.msk [tilespmem:v16+s21+$0x0], $0xffff  }
0x8d: {  	v37 =	vmov s25;
	v38 =	vmov s26;
	v16 =	vmov s13;
	s13 =	sadd.s32 $0xE, s12;
	v39 =	vld.idx.msk [tilespmem:v15+s21+$0x0], $0xffff  }
0x8e: {  	v15 =	vshll.u32 v24, v0;
	v24 =	vshrl.u32 v26, $0x3;
	v26 =	vmov s13;
	v40 =	vld.idx.msk [tilespmem:v14+s21+$0x0], $0xffff  }
0x8f: {  	s10 =	sadd.s32 $0x100, s10;
	v14 =	vshrl.u32 v27, $0x3;
	v27 =	vshrl.u32 v28, $0x3;
	v28 =	vshrl.u32 v29, $0x3;
	v23 =	vld.idx.msk [tilespmem:v23+s21+$0x0], $0xffff  }
0x90: {  	v29 =	vshrl.u32 v30, $0x3;
	v30 =	vshrl.u32 v31, $0x3;
	v31 =	vshrl.u32 v32, $0x3;
	v32 =	vld [tilespmem:s10+$0x70]  }
0x91: {  	v34 =	vshrl.u32 v34, $0x3;
	v35 =	vshrl.u32 v35, $0x3;
	v33 =	vshrl.u32 v33, $0x3;
	v41 =	vld [tilespmem:s10+$0xFFFFFF80]  }
0x92: {  	v37 =	vshrl.u32 v37, $0x3;
	v38 =	vshrl.u32 v38, $0x3;
	v16 =	vshrl.u32 v16, $0x3;
	v42 =	vld [tilespmem:s10+$0xFFFFFF90]  }
0x93: {  	v43 =	vadd.s32 v1, v15;
	v24 =	vshll.u32 v24, v0;
	v26 =	vshrl.u32 v26, $0x3;
	v15 =	vld [tilespmem:s10+$0xFFFFFFA0]  }
0x94: {  	v44 =	vshll.u32 v14, v0;
	v27 =	vshll.u32 v27, v0;
	v28 =	vshll.u32 v28, v0;
	v45 =	vld [tilespmem:s10+$0xFFFFFFB0]  }
0x95: {  	v29 =	vshll.u32 v29, v0;
	v30 =	vshll.u32 v30, v0;
	v46 =	vld [tilespmem:s10+$0xFFFFFFC0];
	v14 =	vmul.f32 v32, v23  }
0x96: {  	s11 =	sadd.s32 $0x100, s11;
	v23 =	vshll.u32 v31, v0;
	v31 =	vshll.u32 v33, v0;
	v9 =	vmul.f32 v41, v9;
	v32 =	vld [tilespmem:s10+$0xFFFFFFD0]  }
0x97: {  	v33 =	vshll.u32 v34, v0;
	v34 =	vshll.u32 v35, v0;
	v10 =	vmul.f32 v42, v10;
	v35 =	vld [tilespmem:s10+$0xFFFFFFE0];
	[tilespmem:s11+$0x70] =	vst v14  }
0x98: {  	v41 =	vshll.u32 v16, v0;
	v16 =	vshll.u32 v37, v0;
	[tilespmem:s11+$0xFFFFFF80] =	vst v9;
	v9 =	vmul.f32 v15, v11;
	v11 =	vld [tilespmem:s10+$0xFFFFFFF0]  }
0x99: {  	v14 =	vshll.u32 v26, v0;
	v15 =	vshll.u32 v38, v0;
	[tilespmem:s11+$0xFFFFFF90] =	vst v10;
	v10 =	vmul.f32 v45, v12;
	v12 =	vld [tilespmem:s10+$0x0]  }
0x9a: {  	v24 =	vadd.s32 v24, v2;
	v26 =	vbroadcast v43, $0x0;
	[tilespmem:s11+$0xFFFFFFA0] =	vst v9;
	v9 =	vmul.f32 v46, v13;
	v13 =	vld [tilespmem:s10+$0x10]  }
0x9b: {  	v24 =	vbroadcast v24, $0x0;
	v37 =	vadd.s32 v44, v3;
	[tilespmem:s11+$0xFFFFFFB0] =	vst v10;
	v10 =	vmul.f32 v32, v17;
	v32 =	vld [tilespmem:s10+$0x20]  }
0x9c: {  	v37 =	vbroadcast v37, $0x0;
	v17 =	vadd.s32 v27, v4;
	[tilespmem:s11+$0xFFFFFFC0] =	vst v9;
	v9 =	vmul.f32 v35, v18;
	v27 =	vld [tilespmem:s10+$0x30]  }
0x9d: {  	v35 =	vbroadcast v17, $0x0;
	v17 =	vadd.s32 v28, v5;
	[tilespmem:s11+$0xFFFFFFD0] =	vst v10;
	v10 =	vmul.f32 v11, v19;
	v28 =	vld [tilespmem:s10+$0x40]  }
0x9e: {  	v38 =	vbroadcast v17, $0x0;
	v11 =	vadd.s32 v29, v6;
	[tilespmem:s11+$0xFFFFFFE0] =	vst v9;
	v12 =	vmul.f32 v12, v20;
	v29 =	vld [tilespmem:s10+$0x50]  }
0x9f: {  	v17 =	vbroadcast v11, $0x0;
	v11 =	vadd.s32 v30, v7;
	[tilespmem:s11+$0xFFFFFFF0] =	vst v10;
	v13 =	vmul.f32 v13, v21;
	v30 =	vld [tilespmem:s10+$0x60]  }
.Ltmp1:
0xa0: {  	v18 =	vbroadcast v11, $0x0;
	v11 =	vadd.s32 v23, v8;
	v9 =	vld.idx.msk [tilespmem:v26+s21+$0x0], $0xffff;
	[tilespmem:s11+$0x0] =	vst v12;
	v12 =	vmul.f32 v32, v22;
	(pc) =	sbr.rel @p1 .LBB2_5-.Ltmp1, $4  }
0xa1: {  	v20 =	vadd.s32 v1, v31;
	v19 =	vbroadcast v11, $0x0;
	v10 =	vld.idx.msk [tilespmem:v24+s21+$0x0], $0xffff;
	[tilespmem:s11+$0x10] =	vst v13;
	v13 =	vmul.f32 v27, v25  }
0xa2: {  	v20 =	vbroadcast v20, $0x0;
	v21 =	vadd.s32 v33, v2;
	v11 =	vld.idx.msk [tilespmem:v37+s21+$0x0], $0xffff;
	[tilespmem:s11+$0x20] =	vst v12;
	v24 =	vmul.f32 v28, v36  }
0xa3: {  	v21 =	vbroadcast v21, $0x0;
	v22 =	vadd.s32 v34, v3;
	v12 =	vld.idx.msk [tilespmem:v35+s21+$0x0], $0xffff;
	[tilespmem:s11+$0x30] =	vst v13;
	v23 =	vmul.f32 v29, v39  }
0xa4: {  	s13 =	sadd.s32 $0xF, s12;
	s12 =	sadd.s32 $0x10, s12;
	v22 =	vbroadcast v22, $0x0;
	v25 =	vadd.s32 v41, v4;
	v13 =	vld.idx.msk [tilespmem:v38+s21+$0x0], $0xffff;
	[tilespmem:s11+$0x40] =	vst v24;
	v24 =	vmul.f32 v30, v40  }
0xa5: {  	_ =	sdelay $0x3  }
0xa6: {  	v1 =	vld.idx.msk [tilespmem:v17+s21+$0x0], $0xffff  }
0xa7: {  	v3 =	vadd.s32 v16, v5;
	v5 =	vld.idx.msk [tilespmem:v18+s21+$0x0], $0xffff  }
0xa8: {  	v4 =	vmov s13;
	v52 =	vld.idx.msk [tilespmem:v19+s21+$0x0], $0xffff  }
0xa9: {  	v53 =	vld.idx.msk [tilespmem:v20+s21+$0x0], $0xffff;
	v4 =	vshrl.u32 v4, $0x3  }
0xaa: {  	s10 =	sadd.s32 $0x100, s10;
	v54 =	vld.idx.msk [tilespmem:v22+s21+$0x0], $0xffff;
	v4 =	vshll.u32 v4, v0  }
0xab: {  	v55 =	vld [tilespmem:s10+$0x70];
	v4 =	vadd.s32 v4, v8  }
0xac: {  	v56 =	vld [tilespmem:s10+$0xFFFFFF80];
	v4 =	vbroadcast v4, $0x0  }
0xad: {  	v57 =	vld [tilespmem:s10+$0xFFFFFF90]  }
0xae: {  	v58 =	vld [tilespmem:s10+$0xFFFFFFA0]  }
0xaf: {  	v59 =	vld [tilespmem:s10+$0xFFFFFFB0]  }
0xb0: {  	v2 =	vbroadcast v25, $0x0;
	v60 =	vld [tilespmem:s10+$0xFFFFFFC0]  }
0xb1: {  	v6 =	vadd.s32 v15, v6;
	v3 =	vbroadcast v3, $0x0;
	v61 =	vld [tilespmem:s10+$0xFFFFFFD0]  }
0xb2: {  	v6 =	vbroadcast v6, $0x0;
	v4 =	vld.idx.msk [tilespmem:v4+s21+$0x0], $0xffff  }
0xb3: {  	v62 =	vld [tilespmem:s10+$0xFFFFFFE0]  }
0xb4: {  	v7 =	vadd.s32 v14, v7;
	v63 =	vld [tilespmem:s10+$0x10]  }
0xb5: {  	v7 =	vbroadcast v7, $0x0;
	v8 =	vld.idx.msk [tilespmem:v21+s21+$0x0], $0xffff  }
0xb6: {  	[tilespmem:s11+$0x50] =	vst v23;
	v2 =	vld.idx.msk [tilespmem:v2+s21+$0x0], $0xffff;
	v9 =	vmul.f32 v56, v9  }
0xb7: {  	s25 =	sadd.s32 $0x100, s11;
	[tilespmem:s11+$0x60] =	vst v24;
	v3 =	vld.idx.msk [tilespmem:v3+s21+$0x0], $0xffff;
	v4 =	vmul.f32 v55, v4  }
0xb8: {  	v10 =	vmul.f32 v57, v10;
	v6 =	vld.idx.msk [tilespmem:v6+s21+$0x0], $0xffff;
	[tilespmem:s25+$0xFFFFFF80] =	vst v9  }
0xb9: {  	v9 =	vld [tilespmem:s10+$0xFFFFFFF0];
	[tilespmem:s25+$0x70] =	vst v4;
	v4 =	vmul.f32 v58, v11  }
0xba: {  	[tilespmem:s25+$0xFFFFFF90] =	vst v10;
	v10 =	vmul.f32 v59, v12;
	v11 =	vld [tilespmem:s10+$0x0]  }
0xbb: {  	v7 =	vld.idx.msk [tilespmem:v7+s21+$0x0], $0xffff;
	[tilespmem:s25+$0xFFFFFFA0] =	vst v4;
	v4 =	vmul.f32 v60, v13  }
0xbc: {  	v1 =	vmul.f32 v61, v1;
	[tilespmem:s25+$0xFFFFFFB0] =	vst v10;
	v10 =	vld [tilespmem:s10+$0x20]  }
0xbd: {  	[tilespmem:s25+$0xFFFFFFC0] =	vst v4;
	v4 =	vmul.f32 v62, v5;
	v5 =	vld [tilespmem:s10+$0x30]  }
0xbe: {  	[tilespmem:s25+$0xFFFFFFD0] =	vst v1;
	v1 =	vmul.f32 v9, v52;
	v9 =	vld [tilespmem:s10+$0x40]  }
0xbf: {  	[tilespmem:s25+$0xFFFFFFE0] =	vst v4;
	v4 =	vmul.f32 v11, v53;
	v11 =	vld [tilespmem:s10+$0x50]  }
0xc0: {  	[tilespmem:s25+$0xFFFFFFF0] =	vst v1;
	v1 =	vmul.f32 v63, v8;
	v8 =	vld [tilespmem:s10+$0x60]  }
0xc1: {  	[tilespmem:s25+$0x0] =	vst v4;
	v4 =	vmul.f32 v10, v54  }
0xc2: {  	[tilespmem:s25+$0x10] =	vst v1;
	v1 =	vmul.f32 v5, v2  }
0xc3: {  	v2 =	vmul.f32 v9, v3;
	[tilespmem:s25+$0x20] =	vst v4  }
0xc4: {  	[tilespmem:s25+$0x30] =	vst v1;
	v1 =	vmul.f32 v11, v6  }
0xc5: {  	[tilespmem:s25+$0x40] =	vst v2;
	v2 =	vmul.f32 v8, v7  }
0xc6: {  	p1 =	seq.s32 s9, $0x26;
	s10 =	sshll.u32 s9, $0xA;
	[tilespmem:s25+$0x50] =	vst v1  }
0xc7: {  	s26 =	sshrl.u32 s10, $0x2;
	s10 =	sshrl.u32 @!p1 s10, $0x2;
	[tilespmem:s25+$0x60] =	vst v2;
	v1 =	vmov s17  }
0xc8: {  	v2 =	vmov s1;
	[spmem:s3] =	stream.indirect.scatter.add.f32 [tilespmem:s22], [sflag:$0x3], $0x10, s26, s18, $0xb8;
	[tilespmem:$0x13600] =	vst v63  }
0xc9: {  	s11 =	simm.s32 @!p1 $0x80;
	s12 =	simm.s32 @!p1 $0x7680;
	s10 =	sadd.s32 @!p1 $0x2880, s10  }
0xca: {  	[tilespmem:s12], [sflag:$0x1] =	stream.indirect.gather @!p1 [hbm4b:s2+s11], $0x10, s10, s11, $0xb8;
	[tilespmem:$0x13600] =	vst v63  }
0xcb: {  	s10 =	simm.s32 $0x0  }
0xcc: {  	v4 =	vld.idx.msk [tilespmem:v1+s10+$0x0 ss:$0x1], $0xffff  }
0xcd: {  	v3 =	vmov s28;
	v5 =	vld.idx.msk [tilespmem:v2+s10+$0x0 ss:$0x1], $0xffff;
	_ =	sdelay $0x4  }
0xce: {  	s11 =	simm.s32 $0x10;
	v6 =	vld.idx.msk [tilespmem:v3+s10+$0x0 ss:$0x1], $0xffff  }
0xcf: {  	v7 =	vld.idx.msk [tilespmem:v1+s11+$0x0 ss:$0x1], $0xffff  }
0xd0: {  	v8 =	vld.idx.msk [tilespmem:v4+s16+$0x0], $0xffff  }
0xd1: {  	v10 =	vld.idx.msk [tilespmem:v5+s16+$0x0], $0xffff  }
0xd2: {  	v4 =	vld.idx.msk [tilespmem:v2+s11+$0x0 ss:$0x1], $0xffff;
	_ =	sdelay $0x1  }
0xd3: {  	v9 =	vmov s29  }
0xd4: {  	v6 =	vmul.f32 v6, v8;
	_ =	sdelay $0x1  }
0xd5: {  	v5 =	vld.idx.msk [tilespmem:v3+s11+$0x0 ss:$0x1], $0xffff;
	v10 =	vmul.f32 v6, v10  }
0xd6: {  	s13 =	simm.s32 $0xC0;
	s9 =	sadd.s32 $0x1, s9;
	s12 =	simm.s32 $0x20;
	v6 =	vld.idx.msk [tilespmem:v7+s16+$0x0], $0xffff  }
.LBB2_7:
0xd7: {  	p1 =	sne.s32 s13, $0x1C0;
	v7 =	vld.idx.msk [tilespmem:v1+s12+$0x0 ss:$0x1], $0xffff;
	[tilespmem:v9+s10+$0x0 ss:$0x1] =	vst.idx.msk $0xffff, v10;
	s10 =	smov.u32 s11;
	s11 =	smov.u32 s12  }
0xd8: {  	v8 =	vld.idx.msk [tilespmem:v4+s16+$0x0], $0xffff  }
0xd9: {  	v4 =	vld.idx.msk [tilespmem:v2+s11+$0x0 ss:$0x1], $0xffff;
	_ =	sdelay $0x1  }
.Ltmp2:
0xda: {  	(pc) =	sbr.rel @p1 .LBB2_7-.Ltmp2, $3  }
0xdb: {  	v6 =	vmul.f32 v5, v6;
	_ =	sdelay $0x1  }
0xdc: {  	v10 =	vmul.f32 v6, v8;
	v5 =	vld.idx.msk [tilespmem:v3+s11+$0x0 ss:$0x1], $0xffff  }
0xdd: {  	s12 =	sshra.s32 s13, $0x2;
	s13 =	sadd.s32 $0x40, s13;
	v6 =	vld.idx.msk [tilespmem:v7+s16+$0x0], $0xffff  }
0xde: {  	_ =	sdelay $0x3  }
0xdf: {  	v1 =	vld.idx.msk [tilespmem:v1+s12+$0x0 ss:$0x1], $0xffff  }
0xe0: {  	s13 =	simm.s32 $0x0;
	s26 =	simm.s32 $0x1  }
0xe1: {  	v2 =	vld.idx.msk [tilespmem:v2+s12+$0x0 ss:$0x1], $0xffff;
	s25 =	simm.s32 $0x2;
	v13 =	vmov s13;
	v14 =	vmov s26;
	s13 =	simm.s32 $0x3;
	s26 =	simm.s32 $0x4  }
0xe2: {  	v15 =	vmov s25;
	s25 =	simm.s32 $0x5;
	v16 =	vmov s13;
	v17 =	vmov s26  }
0xe3: {  	s26 =	simm.s32 $0x6;
	v18 =	vmov s25;
	s13 =	simm.s32 $0x7;
	v13 =	vshrl.u32 v13, $0x3;
	v14 =	vshrl.u32 v14, $0x3  }
0xe4: {  	s25 =	simm.s32 $0xC;
	v15 =	vshrl.u32 v15, $0x3;
	v19 =	vmov s26;
	v20 =	vmov s13  }
0xe5: {  	v4 =	vld.idx.msk [tilespmem:v4+s16+$0x0], $0xffff;
	v25 =	vmov s25;
	v13 =	vshll.u32 v13, v0;
	v16 =	vshrl.u32 v16, $0x3  }
0xe6: {  	v3 =	vld.idx.msk [tilespmem:v3+s12+$0x0 ss:$0x1], $0xffff;
	s26 =	simm.s32 $0x8;
	s13 =	simm.s32 $0x9;
	v17 =	vshrl.u32 v17, $0x3;
	v18 =	vshrl.u32 v18, $0x3;
	v14 =	vshll.u32 v14, v0  }
0xe7: {  	s25 =	simm.s32 $0xE;
	v5 =	vmul.f32 v5, v6;
	v21 =	vmov s26;
	v22 =	vmov s13;
	v1 =	vld.idx.msk [tilespmem:v1+s16+$0x0], $0xffff  }
0xe8: {  	s26 =	simm.s32 $0xA;
	v27 =	vmov s25;
	v19 =	vshrl.u32 v19, $0x3;
	v20 =	vshrl.u32 v20, $0x3  }
0xe9: {  	s25 =	simm.s32 $0x13;
	v23 =	vmov s26;
	s26 =	simm.s32 $0xB;
	v21 =	vshrl.u32 v21, $0x3;
	v22 =	vshrl.u32 v22, $0x3;
	v2 =	vld.idx.msk [tilespmem:v2+s16+$0x0], $0xffff  }
0xea: {  	v28 =	vmov s25;
	s25 =	simm.s32 $0x16;
	v11 =	vmul.f32 v5, v4;
	v24 =	vmov s26;
	s26 =	simm.s32 $0xD  }
0xeb: {  	[tilespmem:v9+s10+$0x0 ss:$0x1] =	vst.idx.msk $0xffff, v10;
	v10 =	vshrl.u32 v23, $0x3;
	v31 =	vmov s25;
	v26 =	vmov s26  }
0xec: {  	s25 =	simm.s32 $0x19;
	v23 =	vshrl.u32 v24, $0x3;
	v24 =	vshrl.u32 v25, $0x3;
	v1 =	vmul.f32 v3, v1  }
0xed: {  	v10 =	vshll.u32 v10, v0;
	v34 =	vmov s25;
	s25 =	simm.s32 $0x1D;
	v55 =	vshrl.u32 v31, $0x3  }
0xee: {  	[tilespmem:v9+s11+$0x0 ss:$0x1] =	vst.idx.msk $0xffff, v11;
	v11 =	vshrl.u32 v26, $0x3;
	v38 =	vmov s25;
	v12 =	vmul.f32 v1, v2  }
0xef: {  	s11 =	simm.s32 $0x10;
	v34 =	vshrl.u32 v34, $0x3;
	v11 =	vshll.u32 v11, v0;
	v1 =	vmov s8  }
0xf0: {  	v25 =	vmov s11;
	v2 =	vor.u32 $0x1, v1;
	v13 =	vadd.s32 v1, v13;
	[tilespmem:v9+s12+$0x0 ss:$0x1] =	vst.idx.msk $0xffff, v12  }
0xf1: {  	v3 =	vor.u32 $0x2, v1;
	v13 =	vbroadcast v13, $0x0;
	v14 =	vadd.s32 v14, v2;
	_ =	swait.ge [sflag:s23], $0x800  }
0xf2: {  	v6 =	vor.u32 $0x5, v1;
	v10 =	vadd.s32 v10, v3;
	v14 =	vbroadcast v14, $0x0;
	[sflag:s23] =	ssyncset.done $0x0  }
0xf3: {  	s10 =	simm.s32 @!p0 $0x4;
	v38 =	vshrl.u32 v38, $0x3;
	v11 =	vadd.s32 v11, v6;
	v10 =	vbroadcast v10, $0x0;
	[sflag:s23] =	ssyncadd.s32 $0xFFFFF800  }
0xf4: {  	v34 =	vshll.u32 v34, v0;
	v25 =	vshrl.u32 v25, $0x3;
	v11 =	vbroadcast v11, $0x0;
	_ =	swait.ge @!p0 [sflag:s10], $0x800  }
0xf5: {  	v4 =	vor.u32 $0x3, v1;
	v5 =	vor.u32 $0x4, v1;
	v7 =	vor.u32 $0x6, v1;
	[sflag:s10] =	ssyncset.done @!p0 $0x0  }
0xf6: {  	v8 =	vor.u32 $0x7, v1;
	v9 =	vshrl.u32 v27, $0x3;
	v12 =	vshll.u32 v15, v0;
	[sflag:s10] =	ssyncadd.s32 @!p0 $0xFFFFF800  }
0xf7: {  	v15 =	vshll.u32 v16, v0;
	v16 =	vshll.u32 v17, v0;
	v17 =	vshll.u32 v18, v0;
	v13 =	vld.idx.msk [tilespmem:v13+s21+$0x0], $0xffff  }
0xf8: {  	v18 =	vshll.u32 v19, v0;
	v19 =	vshll.u32 v20, v0;
	v20 =	vshll.u32 v21, v0;
	v14 =	vld.idx.msk [tilespmem:v14+s21+$0x0], $0xffff  }
0xf9: {  	v21 =	vshll.u32 v22, v0;
	v22 =	vshll.u32 v23, v0;
	v23 =	vshll.u32 v24, v0;
	v10 =	vld.idx.msk [tilespmem:v10+s21+$0x0], $0xffff  }
0xfa: {  	v12 =	vadd.s32 v12, v3;
	v15 =	vadd.s32 v15, v4;
	v16 =	vadd.s32 v16, v5;
	s10 =	simm.s32 $0x7F00;
	v39 =	vld.idx.msk [tilespmem:v11+s21+$0x0], $0xffff  }
0xfb: {  	v17 =	vadd.s32 v17, v6;
	v18 =	vadd.s32 v18, v7;
	v15 =	vbroadcast v15, $0x0;
	v57 =	vld [tilespmem:s10+$0x70]  }
0xfc: {  	v19 =	vadd.s32 v19, v8;
	v20 =	vadd.s32 v1, v20;
	v16 =	vbroadcast v16, $0x0;
	v41 =	vld [tilespmem:s10+$0xFFFFFF80]  }
0xfd: {  	s12 =	simm.s32 $0x11;
	v21 =	vadd.s32 v21, v2;
	v9 =	vshll.u32 v9, v0;
	v12 =	vbroadcast v12, $0x0;
	v42 =	vld [tilespmem:s10+$0xFFFFFF90]  }
0xfe: {  	v26 =	vmov s12;
	s12 =	simm.s32 $0x1B;
	v17 =	vbroadcast v17, $0x0;
	v18 =	vbroadcast v18, $0x0;
	v43 =	vld [tilespmem:s10+$0xFFFFFFA0]  }
0xff: {  	v19 =	vbroadcast v19, $0x0;
	v9 =	vadd.s32 v9, v7;
	v36 =	vmov s12;
	v44 =	vld [tilespmem:s10+$0xFFFFFFB0]  }
0x100: {  	v20 =	vbroadcast v20, $0x0;
	v9 =	vbroadcast v9, $0x0;
	v36 =	vshrl.u32 v36, $0x3;
	v45 =	vld [tilespmem:s10+$0xFFFFFFC0]  }
0x101: {  	v36 =	vshll.u32 v36, v0;
	v11 =	vshll.u32 v25, v0;
	v25 =	vshrl.u32 v26, $0x3;
	v24 =	vld.idx.msk [tilespmem:v15+s21+$0x0], $0xffff  }
0x102: {  	s26 =	simm.s32 $0xF;
	v15 =	vbroadcast v21, $0x0;
	v21 =	vld.idx.msk [tilespmem:v16+s21+$0x0], $0xffff;
	v16 =	vadd.s32 v22, v4;
	v22 =	vadd.s32 v23, v5  }
0x103: {  	v59 =	vld [tilespmem:s10+$0xFFFFFFD0];
	v23 =	vmov s26;
	v11 =	vadd.s32 v1, v11;
	v25 =	vshll.u32 v25, v0  }
0x104: {  	v46 =	vld [tilespmem:s10+$0xFFFFFFE0];
	s26 =	simm.s32 $0x14;
	v16 =	vbroadcast v16, $0x0;
	v22 =	vbroadcast v22, $0x0;
	v23 =	vshrl.u32 v23, $0x3  }
0x105: {  	v12 =	vld.idx.msk [tilespmem:v12+s21+$0x0], $0xffff;
	v29 =	vmov s26;
	s26 =	simm.s32 $0x17;
	v11 =	vbroadcast v11, $0x0;
	v25 =	vadd.s32 v25, v2  }
0x106: {  	v62 =	vld [tilespmem:s10+$0x40];
	v23 =	vshll.u32 v23, v0;
	v32 =	vmov s26;
	s26 =	simm.s32 $0x1A;
	v53 =	vshrl.u32 v29, $0x3  }
0x107: {  	v17 =	vld.idx.msk [tilespmem:v17+s21+$0x0], $0xffff;
	v25 =	vbroadcast v25, $0x0;
	v23 =	vadd.s32 v23, v8;
	v35 =	vmov s26;
	s26 =	simm.s32 $0x1E  }
0x108: {  	v18 =	vld.idx.msk [tilespmem:v18+s21+$0x0], $0xffff;
	v56 =	vshrl.u32 v32, $0x3;
	v26 =	vmov s26;
	v35 =	vshrl.u32 v35, $0x3  }
0x109: {  	v19 =	vld.idx.msk [tilespmem:v19+s21+$0x0], $0xffff;
	v31 =	vshll.u32 v56, v0;
	v13 =	vmul.f32 v41, v13;
	v42 =	vmul.f32 v42, v14  }
0x10a: {  	s13 =	simm.s32 $0x12;
	v20 =	vld.idx.msk [tilespmem:v20+s21+$0x0], $0xffff;
	v26 =	vshrl.u32 v26, $0x3;
	v35 =	vshll.u32 v35, v0;
	v12 =	vmul.f32 v43, v12  }
0x10b: {  	v24 =	vmul.f32 v44, v24;
	v27 =	vld.idx.msk [tilespmem:v15+s21+$0x0], $0xffff;
	v15 =	vbroadcast v23, $0x0;
	v23 =	vmov s13;
	s13 =	simm.s32 $0x15  }
0x10c: {  	s11 =	simm.s32 $0x8F00;
	v40 =	vld.idx.msk [tilespmem:v9+s21+$0x0], $0xffff;
	v17 =	vmul.f32 v59, v17;
	v14 =	vshll.u32 v26, v0;
	v30 =	vmov s13  }
0x10d: {  	[tilespmem:s11+$0xFFFFFF80] =	vst v13;
	v13 =	vld [tilespmem:s10+$0xFFFFFFF0];
	s13 =	simm.s32 $0x18;
	v9 =	vshrl.u32 v23, $0x3;
	v23 =	vshrl.u32 v28, $0x3;
	v28 =	vshll.u32 v53, v0  }
0x10e: {  	v33 =	vld.idx.msk [tilespmem:v16+s21+$0x0], $0xffff;
	[tilespmem:s11+$0xFFFFFFA0] =	vst v12;
	v12 =	vmul.f32 v45, v21;
	v16 =	vmov s13;
	v54 =	vshrl.u32 v30, $0x3  }
0x10f: {  	v26 =	vld [tilespmem:s10+$0x0];
	s13 =	simm.s32 $0x1C;
	v9 =	vshll.u32 v9, v0;
	v23 =	vshll.u32 v23, v0;
	v30 =	vshll.u32 v55, v0  }
0x110: {  	v21 =	vld [tilespmem:s10+$0x10];
	[tilespmem:s11+$0xFFFFFFB0] =	vst v24;
	v37 =	vmov s13;
	v16 =	vshrl.u32 v16, $0x3;
	v29 =	vshll.u32 v54, v0  }
0x111: {  	v24 =	vld [tilespmem:s10+$0x20];
	v9 =	vadd.s32 v9, v3;
	[tilespmem:s11+$0xFFFFFFC0] =	vst v12;
	v12 =	vmul.f32 v46, v18;
	v18 =	vadd.s32 v30, v7  }
0x112: {  	[tilespmem:s11+$0xFFFFFF90] =	vst v42;
	v22 =	vld.idx.msk [tilespmem:v22+s21+$0x0], $0xffff;
	v37 =	vshrl.u32 v37, $0x3;
	v58 =	vshll.u32 v16, v0;
	v60 =	vbroadcast v9, $0x0  }
0x113: {  	[tilespmem:s11+$0xFFFFFFD0] =	vst v17;
	v9 =	vadd.s32 v23, v4;
	v23 =	vld [tilespmem:s10+$0x30];
	v16 =	vshll.u32 v37, v0;
	v13 =	vmul.f32 v13, v19  }
0x114: {  	v61 =	vbroadcast v9, $0x0;
	v9 =	vadd.s32 v28, v5;
	[tilespmem:s11+$0xFFFFFFE0] =	vst v12;
	v12 =	vmul.f32 v26, v20;
	v15 =	vld.idx.msk [tilespmem:v15+s21+$0x0], $0xffff  }
0x115: {  	v26 =	vld [tilespmem:s10+$0x50];
	v63 =	vbroadcast v9, $0x0;
	v9 =	vadd.s32 v29, v6;
	[tilespmem:s11+$0xFFFFFFF0] =	vst v13;
	v13 =	vmul.f32 v21, v27  }
0x116: {  	v20 =	vadd.s32 v1, v58;
	v17 =	vbroadcast v9, $0x0;
	v27 =	vld [tilespmem:s10+$0x60];
	[tilespmem:s11+$0x0] =	vst v12;
	v12 =	vmul.f32 v24, v10  }
0x117: {  	v18 =	vbroadcast v18, $0x0;
	v9 =	vld.idx.msk [tilespmem:v11+s21+$0x0], $0xffff;
	v11 =	vadd.s32 v31, v8;
	v24 =	vmul.f32 v62, v22;
	[tilespmem:s11+$0x10] =	vst v13  }
0x118: {  	v10 =	vld.idx.msk [tilespmem:v25+s21+$0x0], $0xffff;
	v21 =	vadd.s32 v34, v2;
	v19 =	vbroadcast v11, $0x0;
	v13 =	vmul.f32 v23, v33;
	[tilespmem:s11+$0x20] =	vst v12  }
0x119: {  	v20 =	vbroadcast v20, $0x0;
	v22 =	vadd.s32 v35, v3;
	[tilespmem:s11+$0x40] =	vst v24;
	v11 =	vld.idx.msk [tilespmem:v60+s21+$0x0], $0xffff;
	v15 =	vmul.f32 v57, v15  }
0x11a: {  	v25 =	vadd.s32 v36, v4;
	v21 =	vbroadcast v21, $0x0;
	v23 =	vmul.f32 v26, v39;
	v12 =	vld.idx.msk [tilespmem:v61+s21+$0x0], $0xffff;
	[tilespmem:s11+$0x30] =	vst v13  }
0x11b: {  	s12 =	simm.s32 $0x20;
	s13 =	simm.s32 $0x1F;
	v22 =	vbroadcast v22, $0x0;
	v13 =	vld.idx.msk [tilespmem:v63+s21+$0x0], $0xffff;
	v24 =	vmul.f32 v27, v40;
	[tilespmem:s11+$0x70] =	vst v15;
	v15 =	vshll.u32 v38, v0  }
.LBB2_9:
0x11c: {  	p0 =	slt.u32 s12, $0x70;
	v17 =	vld.idx.msk [tilespmem:v17+s21+$0x0], $0xffff;
	v25 =	vbroadcast v25, $0x0;
	v16 =	vadd.s32 v16, v5;
	v26 =	vmov s13;
	[tilespmem:s11+$0x50] =	vst v23  }
0x11d: {  	v15 =	vadd.s32 v15, v6;
	v18 =	vld.idx.msk [tilespmem:v18+s21+$0x0], $0xffff;
	v16 =	vbroadcast v16, $0x0;
	v23 =	vshrl.u32 v26, $0x3;
	[tilespmem:s11+$0x60] =	vst v24  }
0x11e: {  	v14 =	vadd.s32 v14, v7;
	v15 =	vbroadcast v15, $0x0;
	v19 =	vld.idx.msk [tilespmem:v19+s21+$0x0], $0xffff;
	v23 =	vshll.u32 v23, v0  }
0x11f: {  	s13 =	sadd.s32 $0x1, s12;
	v24 =	vmov s12;
	v14 =	vbroadcast v14, $0x0;
	v20 =	vld.idx.msk [tilespmem:v20+s21+$0x0], $0xffff;
	v23 =	vadd.s32 v23, v8  }
0x120: {  	s25 =	sadd.s32 $0x3, s12;
	s26 =	sadd.s32 $0x4, s12;
	v26 =	vmov s13;
	s13 =	sadd.s32 $0x2, s12;
	v24 =	vshrl.u32 v24, $0x3;
	v21 =	vld.idx.msk [tilespmem:v21+s21+$0x0], $0xffff;
	v23 =	vbroadcast v23, $0x0  }
0x121: {  	v28 =	vmov s25;
	v29 =	vmov s26;
	s25 =	sadd.s32 $0x6, s12;
	s26 =	sadd.s32 $0x7, s12;
	v27 =	vmov s13;
	s13 =	sadd.s32 $0x5, s12;
	v22 =	vld.idx.msk [tilespmem:v22+s21+$0x0], $0xffff  }
0x122: {  	v31 =	vmov s25;
	v32 =	vmov s26;
	s25 =	sadd.s32 $0x9, s12;
	s26 =	sadd.s32 $0xA, s12;
	v30 =	vmov s13;
	s13 =	sadd.s32 $0x8, s12;
	v25 =	vld.idx.msk [tilespmem:v25+s21+$0x0], $0xffff  }
0x123: {  	v34 =	vmov s25;
	v35 =	vmov s26;
	s25 =	sadd.s32 $0xC, s12;
	s26 =	sadd.s32 $0xD, s12;
	v33 =	vmov s13;
	s13 =	sadd.s32 $0xB, s12;
	v36 =	vld.idx.msk [tilespmem:v16+s21+$0x0], $0xffff  }
0x124: {  	v37 =	vmov s25;
	v38 =	vmov s26;
	v16 =	vmov s13;
	s13 =	sadd.s32 $0xE, s12;
	v39 =	vld.idx.msk [tilespmem:v15+s21+$0x0], $0xffff  }
0x125: {  	v15 =	vshll.u32 v24, v0;
	v24 =	vshrl.u32 v26, $0x3;
	v26 =	vmov s13;
	v40 =	vld.idx.msk [tilespmem:v14+s21+$0x0], $0xffff  }
0x126: {  	s10 =	sadd.s32 $0x100, s10;
	v14 =	vshrl.u32 v27, $0x3;
	v27 =	vshrl.u32 v28, $0x3;
	v28 =	vshrl.u32 v29, $0x3;
	v23 =	vld.idx.msk [tilespmem:v23+s21+$0x0], $0xffff  }
0x127: {  	v29 =	vshrl.u32 v30, $0x3;
	v30 =	vshrl.u32 v31, $0x3;
	v31 =	vshrl.u32 v32, $0x3;
	v32 =	vld [tilespmem:s10+$0x70]  }
0x128: {  	v34 =	vshrl.u32 v34, $0x3;
	v35 =	vshrl.u32 v35, $0x3;
	v33 =	vshrl.u32 v33, $0x3;
	v41 =	vld [tilespmem:s10+$0xFFFFFF80]  }
0x129: {  	v37 =	vshrl.u32 v37, $0x3;
	v38 =	vshrl.u32 v38, $0x3;
	v16 =	vshrl.u32 v16, $0x3;
	v42 =	vld [tilespmem:s10+$0xFFFFFF90]  }
0x12a: {  	v43 =	vadd.s32 v1, v15;
	v24 =	vshll.u32 v24, v0;
	v26 =	vshrl.u32 v26, $0x3;
	v15 =	vld [tilespmem:s10+$0xFFFFFFA0]  }
0x12b: {  	v44 =	vshll.u32 v14, v0;
	v27 =	vshll.u32 v27, v0;
	v28 =	vshll.u32 v28, v0;
	v45 =	vld [tilespmem:s10+$0xFFFFFFB0]  }
0x12c: {  	v29 =	vshll.u32 v29, v0;
	v30 =	vshll.u32 v30, v0;
	v46 =	vld [tilespmem:s10+$0xFFFFFFC0];
	v14 =	vmul.f32 v32, v23  }
0x12d: {  	s11 =	sadd.s32 $0x100, s11;
	v23 =	vshll.u32 v31, v0;
	v31 =	vshll.u32 v33, v0;
	v9 =	vmul.f32 v41, v9;
	v32 =	vld [tilespmem:s10+$0xFFFFFFD0]  }
0x12e: {  	v33 =	vshll.u32 v34, v0;
	v34 =	vshll.u32 v35, v0;
	v10 =	vmul.f32 v42, v10;
	v35 =	vld [tilespmem:s10+$0xFFFFFFE0];
	[tilespmem:s11+$0x70] =	vst v14  }
0x12f: {  	v41 =	vshll.u32 v16, v0;
	v16 =	vshll.u32 v37, v0;
	[tilespmem:s11+$0xFFFFFF80] =	vst v9;
	v9 =	vmul.f32 v15, v11;
	v11 =	vld [tilespmem:s10+$0xFFFFFFF0]  }
0x130: {  	v14 =	vshll.u32 v26, v0;
	v15 =	vshll.u32 v38, v0;
	[tilespmem:s11+$0xFFFFFF90] =	vst v10;
	v10 =	vmul.f32 v45, v12;
	v12 =	vld [tilespmem:s10+$0x0]  }
0x131: {  	v24 =	vadd.s32 v24, v2;
	v26 =	vbroadcast v43, $0x0;
	[tilespmem:s11+$0xFFFFFFA0] =	vst v9;
	v9 =	vmul.f32 v46, v13;
	v13 =	vld [tilespmem:s10+$0x10]  }
0x132: {  	v24 =	vbroadcast v24, $0x0;
	v37 =	vadd.s32 v44, v3;
	[tilespmem:s11+$0xFFFFFFB0] =	vst v10;
	v10 =	vmul.f32 v32, v17;
	v32 =	vld [tilespmem:s10+$0x20]  }
0x133: {  	v37 =	vbroadcast v37, $0x0;
	v17 =	vadd.s32 v27, v4;
	[tilespmem:s11+$0xFFFFFFC0] =	vst v9;
	v9 =	vmul.f32 v35, v18;
	v27 =	vld [tilespmem:s10+$0x30]  }
0x134: {  	v35 =	vbroadcast v17, $0x0;
	v17 =	vadd.s32 v28, v5;
	[tilespmem:s11+$0xFFFFFFD0] =	vst v10;
	v10 =	vmul.f32 v11, v19;
	v28 =	vld [tilespmem:s10+$0x40]  }
0x135: {  	v38 =	vbroadcast v17, $0x0;
	v11 =	vadd.s32 v29, v6;
	[tilespmem:s11+$0xFFFFFFE0] =	vst v9;
	v12 =	vmul.f32 v12, v20;
	v29 =	vld [tilespmem:s10+$0x50]  }
0x136: {  	v17 =	vbroadcast v11, $0x0;
	v11 =	vadd.s32 v30, v7;
	[tilespmem:s11+$0xFFFFFFF0] =	vst v10;
	v13 =	vmul.f32 v13, v21;
	v30 =	vld [tilespmem:s10+$0x60]  }
.Ltmp3:
0x137: {  	v18 =	vbroadcast v11, $0x0;
	v11 =	vadd.s32 v23, v8;
	v9 =	vld.idx.msk [tilespmem:v26+s21+$0x0], $0xffff;
	[tilespmem:s11+$0x0] =	vst v12;
	v12 =	vmul.f32 v32, v22;
	(pc) =	sbr.rel @p0 .LBB2_9-.Ltmp3, $4  }
0x138: {  	v20 =	vadd.s32 v1, v31;
	v19 =	vbroadcast v11, $0x0;
	v10 =	vld.idx.msk [tilespmem:v24+s21+$0x0], $0xffff;
	[tilespmem:s11+$0x10] =	vst v13;
	v13 =	vmul.f32 v27, v25  }
0x139: {  	v20 =	vbroadcast v20, $0x0;
	v21 =	vadd.s32 v33, v2;
	v11 =	vld.idx.msk [tilespmem:v37+s21+$0x0], $0xffff;
	[tilespmem:s11+$0x20] =	vst v12;
	v24 =	vmul.f32 v28, v36  }
0x13a: {  	v21 =	vbroadcast v21, $0x0;
	v22 =	vadd.s32 v34, v3;
	v12 =	vld.idx.msk [tilespmem:v35+s21+$0x0], $0xffff;
	[tilespmem:s11+$0x30] =	vst v13;
	v23 =	vmul.f32 v29, v39  }
0x13b: {  	s13 =	sadd.s32 $0xF, s12;
	s12 =	sadd.s32 $0x10, s12;
	v22 =	vbroadcast v22, $0x0;
	v25 =	vadd.s32 v41, v4;
	v13 =	vld.idx.msk [tilespmem:v38+s21+$0x0], $0xffff;
	[tilespmem:s11+$0x40] =	vst v24;
	v24 =	vmul.f32 v30, v40  }
0x13c: {  	_ =	sdelay $0x3  }
0x13d: {  	v1 =	vld.idx.msk [tilespmem:v17+s21+$0x0], $0xffff  }
0x13e: {  	v37 =	vld.idx.msk [tilespmem:v18+s21+$0x0], $0xffff  }
0x13f: {  	v38 =	vld.idx.msk [tilespmem:v19+s21+$0x0], $0xffff  }
0x140: {  	v39 =	vld.idx.msk [tilespmem:v20+s21+$0x0], $0xffff  }
0x141: {  	v40 =	vld.idx.msk [tilespmem:v21+s21+$0x0], $0xffff  }
0x142: {  	s10 =	sadd.s32 $0x100, s10;
	v41 =	vld.idx.msk [tilespmem:v22+s21+$0x0], $0xffff  }
0x143: {  	v42 =	vld [tilespmem:s10+$0x70]  }
0x144: {  	v43 =	vld [tilespmem:s10+$0xFFFFFF80]  }
0x145: {  	v44 =	vld [tilespmem:s10+$0xFFFFFF90]  }
0x146: {  	v45 =	vld [tilespmem:s10+$0xFFFFFFA0]  }
0x147: {  	v46 =	vld [tilespmem:s10+$0xFFFFFFB0]  }
0x148: {  	v47 =	vld [tilespmem:s10+$0xFFFFFFC0]  }
0x149: {  	v48 =	vld [tilespmem:s10+$0xFFFFFFD0]  }
0x14a: {  	v49 =	vld [tilespmem:s10+$0xFFFFFFE0]  }
0x14b: {  	v51 =	vld [tilespmem:s10+$0xFFFFFFF0]  }
0x14c: {  	v2 =	vbroadcast v25, $0x0;
	v3 =	vadd.s32 v16, v5;
	v4 =	vmov s13;
	v53 =	vld [tilespmem:s10+$0x0]  }
0x14d: {  	v6 =	vadd.s32 v15, v6;
	v7 =	vadd.s32 v14, v7;
	[tilespmem:s11+$0x50] =	vst v23;
	v55 =	vld [tilespmem:s10+$0x10];
	v9 =	vmul.f32 v43, v9  }
0x14e: {  	s26 =	sadd.s32 $0x100, s11;
	v3 =	vbroadcast v3, $0x0;
	v4 =	vshrl.u32 v4, $0x3;
	[tilespmem:s11+$0x60] =	vst v24;
	v56 =	vld [tilespmem:s10+$0x20];
	v10 =	vmul.f32 v44, v10  }
0x14f: {  	v6 =	vbroadcast v6, $0x0;
	v58 =	vld [tilespmem:s10+$0x30];
	v4 =	vshll.u32 v4, v0;
	v50 =	vmul.f32 v45, v11;
	[tilespmem:s26+$0xFFFFFF80] =	vst v9  }
0x150: {  	v7 =	vbroadcast v7, $0x0;
	v59 =	vld [tilespmem:s10+$0x40];
	v4 =	vadd.s32 v4, v8;
	v52 =	vmul.f32 v46, v12;
	[tilespmem:s26+$0xFFFFFF90] =	vst v10  }
0x151: {  	v61 =	vld [tilespmem:s10+$0x50];
	v4 =	vbroadcast v4, $0x0;
	v54 =	vmul.f32 v47, v13;
	[tilespmem:s26+$0xFFFFFFA0] =	vst v50  }
0x152: {  	v62 =	vld [tilespmem:s10+$0x60];
	v1 =	vmul.f32 v48, v1;
	[tilespmem:s26+$0xFFFFFFB0] =	vst v52  }
0x153: {  	v2 =	vld.idx.msk [tilespmem:v2+s21+$0x0], $0xffff;
	v57 =	vmul.f32 v49, v37;
	[tilespmem:s26+$0xFFFFFFC0] =	vst v54  }
0x154: {  	v3 =	vld.idx.msk [tilespmem:v3+s21+$0x0], $0xffff;
	[tilespmem:s26+$0xFFFFFFD0] =	vst v1;
	v1 =	vmul.f32 v51, v38  }
0x155: {  	v60 =	vmul.f32 v53, v39;
	v6 =	vld.idx.msk [tilespmem:v6+s21+$0x0], $0xffff;
	[tilespmem:s26+$0xFFFFFFE0] =	vst v57  }
0x156: {  	v7 =	vld.idx.msk [tilespmem:v7+s21+$0x0], $0xffff;
	[tilespmem:s26+$0xFFFFFFF0] =	vst v1;
	v1 =	vmul.f32 v55, v40  }
0x157: {  	v63 =	vmul.f32 v56, v41;
	[tilespmem:s26+$0x0] =	vst v60;
	v4 =	vld.idx.msk [tilespmem:v4+s21+$0x0], $0xffff  }
0x158: {  	[tilespmem:s26+$0x10] =	vst v1;
	v1 =	vmul.f32 v58, v2  }
0x159: {  	[tilespmem:s26+$0x20] =	vst v63;
	v2 =	vmul.f32 v59, v3  }
0x15a: {  	p0 =	sne.s32 s9, $0x27;
	[tilespmem:s26+$0x30] =	vst v1;
	v1 =	vmul.f32 v61, v6  }
.Ltmp4:
0x15b: {  	[tilespmem:s26+$0x40] =	vst v2;
	v2 =	vmul.f32 v62, v7;
	(pc) =	sbr.rel @p0 .LBB2_2-.Ltmp4, $4  }
0x15c: {  	s6 =	sadd.s32 $0x100, s6;
	s31 =	sadd.s32 $0x100, s31;
	v4 =	vmul.f32 v42, v4;
	[tilespmem:s26+$0x50] =	vst v1  }
0x15d: {  	s0 =	sadd.s32 $0x100, s0;
	s5 =	sadd.s32 $0x100, s5;
	s17 =	sadd.s32 $0x100, s17;
	[tilespmem:s26+$0x60] =	vst v2  }
0x15e: {  	s1 =	sadd.s32 $0x100, s1;
	s28 =	sadd.s32 $0x100, s28;
	s29 =	sadd.s32 $0x100, s29;
	[tilespmem:s26+$0x70] =	vst v4  }
0x15f: {  	[spmem:s3] =	stream.indirect.scatter.add.f32 [tilespmem:s24], [sflag:$0x4], $0x10, s8, s18, $0xb8;
	[tilespmem:$0x13600] =	vst v63  }
0x160: {  	s0 =	simm.s32 $0x3  }
0x161: {  	_ =	swait.ge [sflag:s0], $0x800  }
0x162: {  	[sflag:s0] =	ssyncset.done $0x0  }
0x163: {  	s29 =	simm.s32 $0x4;
	[sflag:s0] =	ssyncadd.s32 $0xFFFFF800  }
0x164: {  	_ =	swait.ge [sflag:s29], $0x800  }
0x165: {  	[sflag:s29] =	ssyncset.done $0x0  }
0x166: {  	s10 =	simm.s32 $0x7680;
	s31 =	simm.s32 $0x4E80;
	[sflag:s29] =	ssyncadd.s32 $0xFFFFF800  }
0x167: {  	[tilespmem:s10], [sflag:$0x1] =	stream.indirect.gather [hbm4b:s2+s18], $0x10, s31, s18, $0xb8;
	[tilespmem:$0x13600] =	vst v63  }
0x168: {  	_ =	swait.ge [sflag:s20], $0x800  }
0x169: {  	[sflag:s20] =	ssyncset.done $0x0  }
0x16a: {  	s0 =	simm.s32 $0x0;
	[sflag:s20] =	ssyncadd.s32 $0xFFFFF800  }
0x16b: {  	v1 =	vld [tilespmem:s0+$0x2700];
	_ =	sdelay $0x1  }
0x16c: {  	v2 =	vld [tilespmem:s0+$0x4E80];
	_ =	sdelay $0x3  }
0x16d: {  	s1 =	simm.s32 $0x10;
	v4 =	vld [tilespmem:s0+$0x10D80]  }
0x16e: {  	v5 =	vld [tilespmem:s1+$0x2700]  }
0x16f: {  	v1 =	vld.idx.msk [tilespmem:v1+s16+$0x0], $0xffff  }
0x170: {  	v3 =	vld [tilespmem:s1+$0x4E80]  }
0x171: {  	v6 =	vld.idx.msk [tilespmem:v2+s16+$0x0], $0xffff;
	_ =	sdelay $0x2  }
0x172: {  	v1 =	vmul.f32 v4, v1;
	_ =	sdelay $0x1  }
0x173: {  	v2 =	vld [tilespmem:s1+$0x10D80];
	v1 =	vmul.f32 v1, v6  }
0x174: {  	s6 =	simm.s32 $0x0;
	s5 =	simm.s32 $0x20;
	s8 =	simm.s32 $0xC0;
	v4 =	vld.idx.msk [tilespmem:v5+s16+$0x0], $0xffff  }
.LBB2_12:
0x175: {  	p0 =	sne.s32 s8, $0x1C0;
	v5 =	vld [tilespmem:s5+$0x2700];
	[tilespmem:s0+$0x7600] =	vst v1;
	s0 =	smov.u32 s1;
	s1 =	smov.u32 s5  }
0x176: {  	v1 =	vld.idx.msk [tilespmem:v3+s16+$0x0], $0xffff  }
0x177: {  	v3 =	vld [tilespmem:s1+$0x4E80];
	_ =	sdelay $0x1  }
.Ltmp5:
0x178: {  	(pc) =	sbr.rel @p0 .LBB2_12-.Ltmp5, $3  }
0x179: {  	v4 =	vmul.f32 v2, v4;
	_ =	sdelay $0x1  }
0x17a: {  	v1 =	vmul.f32 v4, v1;
	v2 =	vld [tilespmem:s1+$0x10D80]  }
0x17b: {  	s5 =	sshra.s32 s8, $0x2;
	s8 =	sadd.s32 $0x40, s8;
	v4 =	vld.idx.msk [tilespmem:v5+s16+$0x0], $0xffff  }
0x17c: {  	s8 =	simm.s32 $0x1;
	s9 =	simm.s32 $0x2  }
0x17d: {  	v8 =	vmov s6;
	s28 =	simm.s32 $0x4;
	s31 =	simm.s32 $0x6;
	s11 =	simm.s32 $0x8;
	v9 =	vmov s8;
	v10 =	vmov s9  }
0x17e: {  	v5 =	vld [tilespmem:s5+$0x2700];
	s13 =	simm.s32 $0xA;
	s17 =	simm.s32 $0xB;
	v11 =	vmov s28;
	v12 =	vmov s31;
	v13 =	vmov s11  }
0x17f: {  	s25 =	simm.s32 $0xC;
	s6 =	simm.s32 $0x13;
	v14 =	vmov s13;
	v8 =	vshrl.u32 v8, $0x3;
	v15 =	vmov s17  }
0x180: {  	v6 =	vld [tilespmem:s5+$0x4E80];
	v16 =	vmov s25;
	s28 =	simm.s32 $0xE;
	v20 =	vmov s6;
	v8 =	vshll.u32 v8, v0  }
0x181: {  	v9 =	vshrl.u32 v9, $0x3;
	v18 =	vmov s28;
	v10 =	vshrl.u32 v10, $0x3  }
0x182: {  	v11 =	vshrl.u32 v11, $0x3;
	v12 =	vshrl.u32 v12, $0x3;
	v13 =	vshrl.u32 v13, $0x3  }
0x183: {  	s8 =	simm.s32 $0x14;
	s11 =	simm.s32 $0x16;
	s17 =	simm.s32 $0x19;
	v14 =	vshrl.u32 v14, $0x3;
	v15 =	vshrl.u32 v15, $0x3;
	v16 =	vshrl.u32 v16, $0x3  }
0x184: {  	v3 =	vld.idx.msk [tilespmem:v3+s16+$0x0], $0xffff;
	s25 =	simm.s32 $0x1A;
	v21 =	vmov s8;
	v23 =	vmov s11;
	v26 =	vmov s17  }
0x185: {  	v7 =	vld [tilespmem:s5+$0x10D80];
	v27 =	vmov s25;
	v8 =	vadd.s32 $0x2700, v8;
	v9 =	vshll.u32 v9, v0  }
0x186: {  	s26 =	simm.s32 $0x3;
	v18 =	vshrl.u32 v18, $0x3;
	v10 =	vshll.u32 v10, v0;
	v11 =	vshll.u32 v11, v0;
	v5 =	vld.idx.msk [tilespmem:v5+s16+$0x0], $0xffff  }
0x187: {  	v2 =	vmul.f32 v2, v4;
	v4 =	vmov s26;
	v8 =	vbroadcast v8, $0x0  }
0x188: {  	s9 =	simm.s32 $0x7;
	v9 =	vadd.s32 $0x2701, v9;
	v10 =	vadd.s32 $0x2702, v10;
	v4 =	vshrl.u32 v4, $0x3;
	v6 =	vld.idx.msk [tilespmem:v6+s16+$0x0], $0xffff  }
0x189: {  	v9 =	vbroadcast v9, $0x0;
	v2 =	vmul.f32 v2, v3;
	v3 =	vmov s9  }
0x18a: {  	v10 =	vbroadcast v10, $0x0;
	v4 =	vshll.u32 v4, v0;
	v3 =	vshrl.u32 v3, $0x3  }
0x18b: {  	[tilespmem:s0+$0x7600] =	vst v1;
	v4 =	vadd.s32 $0x2703, v4;
	v1 =	vshll.u32 v3, v0;
	v5 =	vmul.f32 v7, v5  }
0x18c: {  	s29 =	simm.s32 $0x5;
	v3 =	vbroadcast v4, $0x0;
	v4 =	vadd.s32 $0x2704, v11;
	[tilespmem:s1+$0x7600] =	vst v2;
	v2 =	vshll.u32 v13, v0  }
0x18d: {  	v4 =	vbroadcast v4, $0x0;
	v7 =	vmov s29;
	v5 =	vmul.f32 v5, v6  }
0x18e: {  	s12 =	simm.s32 $0x9;
	v1 =	vadd.s32 $0x2707, v1;
	v2 =	vadd.s32 $0x2700, v2;
	v7 =	vshrl.u32 v7, $0x3  }
0x18f: {  	v1 =	vbroadcast v1, $0x0;
	v6 =	vmov s12;
	v7 =	vshll.u32 v7, v0;
	[tilespmem:s5+$0x7600] =	vst v5  }
0x190: {  	v2 =	vbroadcast v2, $0x0;
	v6 =	vshrl.u32 v6, $0x3;
	v7 =	vadd.s32 $0x2705, v7;
	v8 =	vld.idx.msk [tilespmem:v8+s21+$0x0], $0xffff  }
0x191: {  	s28 =	simm.s32 $0x1C;
	v12 =	vshll.u32 v12, v0;
	v5 =	vshll.u32 v6, v0;
	v6 =	vbroadcast v7, $0x0;
	v9 =	vld.idx.msk [tilespmem:v9+s21+$0x0], $0xffff  }
0x192: {  	v29 =	vmov s28;
	v54 =	vshrl.u32 v21, $0x3;
	v56 =	vshrl.u32 v23, $0x3;
	v10 =	vld.idx.msk [tilespmem:v10+s21+$0x0], $0xffff  }
0x193: {  	v26 =	vshrl.u32 v26, $0x3;
	v27 =	vshrl.u32 v27, $0x3;
	s26 =	simm.s32 $0xD;
	v29 =	vshrl.u32 v29, $0x3;
	v3 =	vld.idx.msk [tilespmem:v3+s21+$0x0], $0xffff  }
0x194: {  	v26 =	vshll.u32 v26, v0;
	v27 =	vshll.u32 v27, v0;
	v17 =	vmov s26;
	v4 =	vld.idx.msk [tilespmem:v4+s21+$0x0], $0xffff  }
0x195: {  	v17 =	vshrl.u32 v17, $0x3;
	s9 =	simm.s32 $0x15;
	v7 =	vadd.s32 $0x2706, v12;
	v12 =	vshll.u32 v15, v0;
	v1 =	vld.idx.msk [tilespmem:v1+s21+$0x0], $0xffff  }
0x196: {  	v22 =	vmov s9;
	v13 =	vshll.u32 v16, v0;
	s29 =	simm.s32 $0xF;
	v12 =	vadd.s32 $0x2703, v12;
	v2 =	vld.idx.msk [tilespmem:v2+s21+$0x0], $0xffff  }
0x197: {  	s0 =	simm.s32 $0x7700;
	v16 =	vld.idx.msk [tilespmem:v6+s21+$0x0], $0xffff;
	v6 =	vbroadcast v12, $0x0;
	v12 =	vadd.s32 $0x2704, v13;
	v13 =	vmov s29  }
0x198: {  	v11 =	vshll.u32 v14, v0;
	v7 =	vbroadcast v7, $0x0;
	v34 =	vld [tilespmem:s0+$0xFFFFFF90];
	v13 =	vshrl.u32 v13, $0x3  }
0x199: {  	v14 =	vshll.u32 v17, v0;
	v55 =	vshrl.u32 v22, $0x3;
	v35 =	vld [tilespmem:s0+$0xFFFFFFA0];
	v13 =	vshll.u32 v13, v0  }
0x19a: {  	v22 =	vshll.u32 v56, v0;
	v11 =	vadd.s32 $0x2702, v11;
	v36 =	vld [tilespmem:s0+$0xFFFFFFB0];
	v13 =	vadd.s32 $0x2707, v13  }
0x19b: {  	s1 =	simm.s32 $0x11;
	v21 =	vshll.u32 v55, v0;
	v11 =	vbroadcast v11, $0x0;
	s12 =	simm.s32 $0x17;
	v37 =	vld [tilespmem:s0+$0xFFFFFFC0];
	v13 =	vbroadcast v13, $0x0  }
0x19c: {  	v24 =	vmov s12;
	v15 =	vshll.u32 v18, v0;
	v18 =	vmov s1;
	s5 =	simm.s32 $0x12;
	v60 =	vld [tilespmem:s0+$0xFFFFFFD0]  }
0x19d: {  	v57 =	vshrl.u32 v24, $0x3;
	v5 =	vadd.s32 $0x2701, v5;
	v19 =	vmov s5;
	v61 =	vld [tilespmem:s0+$0xFFFFFFE0]  }
0x19e: {  	v9 =	vmul.f32 v34, v9;
	v17 =	vld.idx.msk [tilespmem:v7+s21+$0x0], $0xffff;
	v7 =	vbroadcast v12, $0x0;
	v12 =	vadd.s32 $0x2705, v14  }
0x19f: {  	s1 =	simm.s32 $0x8700;
	v58 =	vld [tilespmem:s0+$0x70];
	v5 =	vbroadcast v5, $0x0;
	v14 =	vadd.s32 $0x2706, v15;
	v12 =	vbroadcast v12, $0x0  }
0x1a0: {  	s31 =	simm.s32 $0x10;
	v23 =	vshll.u32 v57, v0;
	v3 =	vmul.f32 v36, v3;
	v14 =	vbroadcast v14, $0x0;
	[tilespmem:s1+$0xFFFFFF90] =	vst v9;
	v9 =	vld [tilespmem:s0+$0x0]  }
0x1a1: {  	s29 =	simm.s32 $0x1D;
	v10 =	vmul.f32 v35, v10;
	v4 =	vmul.f32 v37, v4;
	v15 =	vmov s31;
	v13 =	vld.idx.msk [tilespmem:v13+s21+$0x0], $0xffff  }
0x1a2: {  	s13 =	simm.s32 $0x18;
	v33 =	vld [tilespmem:s0+$0xFFFFFF80];
	v30 =	vmov s29;
	v15 =	vshrl.u32 v15, $0x3;
	[tilespmem:s1+$0xFFFFFFB0] =	vst v3;
	v3 =	vmul.f32 v60, v16  }
0x1a3: {  	s26 =	simm.s32 $0x1B;
	v30 =	vshrl.u32 v30, $0x3;
	[tilespmem:s1+$0xFFFFFFC0] =	vst v4;
	v25 =	vld.idx.msk [tilespmem:v6+s21+$0x0], $0xffff;
	v6 =	vmov s13;
	v4 =	vmul.f32 v61, v17  }
0x1a4: {  	v28 =	vld.idx.msk [tilespmem:v7+s21+$0x0], $0xffff;
	v7 =	vmov s26;
	v6 =	vshrl.u32 v6, $0x3;
	[tilespmem:s1+$0xFFFFFFD0] =	vst v3;
	v3 =	vadd.s32 $0x2705, v21  }
0x1a5: {  	s31 =	simm.s32 $0x1E;
	v2 =	vmul.f32 v9, v2;
	v31 =	vld.idx.msk [tilespmem:v12+s21+$0x0], $0xffff;
	v12 =	vshll.u32 v15, v0;
	v15 =	vshrl.u32 v18, $0x3  }
0x1a6: {  	v18 =	vmov s31;
	v32 =	vld.idx.msk [tilespmem:v14+s21+$0x0], $0xffff;
	v14 =	vshrl.u32 v19, $0x3;
	v13 =	vmul.f32 v58, v13  }
0x1a7: {  	v5 =	vld.idx.msk [tilespmem:v5+s21+$0x0], $0xffff;
	v19 =	vshrl.u32 v20, $0x3;
	v7 =	vshrl.u32 v7, $0x3;
	v20 =	vshll.u32 v54, v0  }
0x1a8: {  	v59 =	vshll.u32 v6, v0;
	v6 =	vmul.f32 v33, v8;
	v15 =	vshll.u32 v15, v0;
	[tilespmem:s1+$0x70] =	vst v13;
	v13 =	vld [tilespmem:s0+$0xFFFFFFF0]  }
0x1a9: {  	[tilespmem:s1+$0xFFFFFFA0] =	vst v10;
	v10 =	vld [tilespmem:s0+$0x10];
	v9 =	vbroadcast v3, $0x0;
	v12 =	vadd.s32 $0x2700, v12;
	v15 =	vadd.s32 $0x2701, v15  }
0x1aa: {  	v11 =	vld.idx.msk [tilespmem:v11+s21+$0x0], $0xffff;
	v18 =	vshrl.u32 v18, $0x3;
	v14 =	vshll.u32 v14, v0;
	v15 =	vbroadcast v15, $0x0  }
0x1ab: {  	v16 =	vld [tilespmem:s0+$0x20];
	v19 =	vshll.u32 v19, v0;
	v12 =	vbroadcast v12, $0x0;
	v14 =	vadd.s32 $0x2702, v14  }
0x1ac: {  	v17 =	vld [tilespmem:s0+$0x30];
	[tilespmem:s1+$0xFFFFFF80] =	vst v6;
	v6 =	vshll.u32 v18, v0;
	v18 =	vadd.s32 $0x2703, v19;
	v14 =	vbroadcast v14, $0x0  }
0x1ad: {  	v19 =	vadd.s32 $0x2704, v20;
	v18 =	vbroadcast v18, $0x0;
	v1 =	vmul.f32 v13, v1;
	v13 =	vld [tilespmem:s0+$0x40]  }
0x1ae: {  	v62 =	vld [tilespmem:s0+$0x50];
	v8 =	vshll.u32 v29, v0;
	[tilespmem:s1+$0xFFFFFFE0] =	vst v4;
	v4 =	vmul.f32 v10, v5;
	v19 =	vbroadcast v19, $0x0  }
0x1af: {  	v63 =	vld [tilespmem:s0+$0x60];
	v3 =	vadd.s32 $0x2706, v22;
	v38 =	vshll.u32 v7, v0;
	v7 =	vshll.u32 v30, v0;
	[tilespmem:s1+$0x0] =	vst v2  }
0x1b0: {  	v10 =	vbroadcast v3, $0x0;
	v3 =	vadd.s32 $0x2707, v23;
	v5 =	vmul.f32 v16, v11;
	[tilespmem:s1+$0x10] =	vst v4;
	v2 =	vld.idx.msk [tilespmem:v15+s21+$0x0], $0xffff  }
0x1b1: {  	v11 =	vbroadcast v3, $0x0;
	v15 =	vmul.f32 v17, v25;
	[tilespmem:s1+$0xFFFFFFF0] =	vst v1;
	v1 =	vld.idx.msk [tilespmem:v12+s21+$0x0], $0xffff;
	v12 =	vadd.s32 $0x2700, v59  }
0x1b2: {  	[tilespmem:s1+$0x20] =	vst v5;
	v3 =	vld.idx.msk [tilespmem:v14+s21+$0x0], $0xffff;
	v14 =	vadd.s32 $0x2701, v26;
	v12 =	vbroadcast v12, $0x0;
	v16 =	vmul.f32 v13, v28  }
0x1b3: {  	v4 =	vld.idx.msk [tilespmem:v18+s21+$0x0], $0xffff;
	[tilespmem:s1+$0x30] =	vst v15;
	v15 =	vmul.f32 v62, v31;
	v13 =	vbroadcast v14, $0x0;
	v14 =	vadd.s32 $0x2702, v27  }
0x1b4: {  	s6 =	simm.s32 $0x1F;
	s5 =	simm.s32 $0x20;
	v5 =	vld.idx.msk [tilespmem:v19+s21+$0x0], $0xffff;
	v17 =	vadd.s32 $0x2703, v38;
	v14 =	vbroadcast v14, $0x0;
	[tilespmem:s1+$0x40] =	vst v16;
	v16 =	vmul.f32 v63, v32  }
.LBB2_14:
0x1b5: {  	p0 =	slt.u32 s5, $0x70;
	v9 =	vld.idx.msk [tilespmem:v9+s21+$0x0], $0xffff;
	v17 =	vbroadcast v17, $0x0;
	v8 =	vadd.s32 $0x2704, v8;
	v18 =	vmov s6;
	[tilespmem:s1+$0x50] =	vst v15  }
0x1b6: {  	v7 =	vadd.s32 $0x2705, v7;
	v10 =	vld.idx.msk [tilespmem:v10+s21+$0x0], $0xffff;
	v8 =	vbroadcast v8, $0x0;
	v15 =	vshrl.u32 v18, $0x3;
	[tilespmem:s1+$0x60] =	vst v16  }
0x1b7: {  	v6 =	vadd.s32 $0x2706, v6;
	v7 =	vbroadcast v7, $0x0;
	v11 =	vld.idx.msk [tilespmem:v11+s21+$0x0], $0xffff;
	v15 =	vshll.u32 v15, v0  }
0x1b8: {  	s6 =	sadd.s32 $0x1, s5;
	v16 =	vmov s5;
	v6 =	vbroadcast v6, $0x0;
	v12 =	vld.idx.msk [tilespmem:v12+s21+$0x0], $0xffff;
	v15 =	vadd.s32 $0x2707, v15  }
0x1b9: {  	s8 =	sadd.s32 $0x3, s5;
	s9 =	sadd.s32 $0x4, s5;
	v18 =	vmov s6;
	s6 =	sadd.s32 $0x2, s5;
	v16 =	vshrl.u32 v16, $0x3;
	v13 =	vld.idx.msk [tilespmem:v13+s21+$0x0], $0xffff;
	v15 =	vbroadcast v15, $0x0  }
0x1ba: {  	v20 =	vmov s8;
	v21 =	vmov s9;
	s8 =	sadd.s32 $0x6, s5;
	s9 =	sadd.s32 $0x7, s5;
	v19 =	vmov s6;
	s6 =	sadd.s32 $0x5, s5;
	v14 =	vld.idx.msk [tilespmem:v14+s21+$0x0], $0xffff  }
0x1bb: {  	v23 =	vmov s8;
	v24 =	vmov s9;
	s8 =	sadd.s32 $0x9, s5;
	s9 =	sadd.s32 $0xA, s5;
	v22 =	vmov s6;
	s6 =	sadd.s32 $0x8, s5;
	v17 =	vld.idx.msk [tilespmem:v17+s21+$0x0], $0xffff  }
0x1bc: {  	v26 =	vmov s8;
	v27 =	vmov s9;
	s8 =	sadd.s32 $0xC, s5;
	s9 =	sadd.s32 $0xD, s5;
	v25 =	vmov s6;
	s6 =	sadd.s32 $0xB, s5;
	v28 =	vld.idx.msk [tilespmem:v8+s21+$0x0], $0xffff  }
0x1bd: {  	v29 =	vmov s8;
	v30 =	vmov s9;
	v8 =	vmov s6;
	s6 =	sadd.s32 $0xE, s5;
	v31 =	vld.idx.msk [tilespmem:v7+s21+$0x0], $0xffff  }
0x1be: {  	v7 =	vshll.u32 v16, v0;
	v16 =	vshrl.u32 v18, $0x3;
	v18 =	vmov s6;
	v32 =	vld.idx.msk [tilespmem:v6+s21+$0x0], $0xffff  }
0x1bf: {  	s0 =	sadd.s32 $0x100, s0;
	v6 =	vshrl.u32 v19, $0x3;
	v19 =	vshrl.u32 v20, $0x3;
	v20 =	vshrl.u32 v21, $0x3;
	v15 =	vld.idx.msk [tilespmem:v15+s21+$0x0], $0xffff  }
0x1c0: {  	v21 =	vshrl.u32 v22, $0x3;
	v22 =	vshrl.u32 v23, $0x3;
	v23 =	vshrl.u32 v24, $0x3;
	v24 =	vld [tilespmem:s0+$0x70]  }
0x1c1: {  	v26 =	vshrl.u32 v26, $0x3;
	v27 =	vshrl.u32 v27, $0x3;
	v25 =	vshrl.u32 v25, $0x3;
	v33 =	vld [tilespmem:s0+$0xFFFFFF80]  }
0x1c2: {  	v29 =	vshrl.u32 v29, $0x3;
	v30 =	vshrl.u32 v30, $0x3;
	v8 =	vshrl.u32 v8, $0x3;
	v34 =	vld [tilespmem:s0+$0xFFFFFF90]  }
0x1c3: {  	v35 =	vadd.s32 $0x2700, v7;
	v16 =	vshll.u32 v16, v0;
	v18 =	vshrl.u32 v18, $0x3;
	v7 =	vld [tilespmem:s0+$0xFFFFFFA0]  }
0x1c4: {  	v36 =	vshll.u32 v6, v0;
	v19 =	vshll.u32 v19, v0;
	v20 =	vshll.u32 v20, v0;
	v37 =	vld [tilespmem:s0+$0xFFFFFFB0]  }
0x1c5: {  	v21 =	vshll.u32 v21, v0;
	v22 =	vshll.u32 v22, v0;
	v38 =	vld [tilespmem:s0+$0xFFFFFFC0];
	v6 =	vmul.f32 v24, v15  }
0x1c6: {  	s1 =	sadd.s32 $0x100, s1;
	v15 =	vshll.u32 v23, v0;
	v23 =	vshll.u32 v25, v0;
	v1 =	vmul.f32 v33, v1;
	v24 =	vld [tilespmem:s0+$0xFFFFFFD0]  }
0x1c7: {  	v25 =	vshll.u32 v26, v0;
	v26 =	vshll.u32 v27, v0;
	v2 =	vmul.f32 v34, v2;
	v27 =	vld [tilespmem:s0+$0xFFFFFFE0];
	[tilespmem:s1+$0x70] =	vst v6  }
0x1c8: {  	v33 =	vshll.u32 v8, v0;
	v8 =	vshll.u32 v29, v0;
	[tilespmem:s1+$0xFFFFFF80] =	vst v1;
	v1 =	vmul.f32 v7, v3;
	v3 =	vld [tilespmem:s0+$0xFFFFFFF0]  }
0x1c9: {  	v6 =	vshll.u32 v18, v0;
	v7 =	vshll.u32 v30, v0;
	[tilespmem:s1+$0xFFFFFF90] =	vst v2;
	v2 =	vmul.f32 v37, v4;
	v4 =	vld [tilespmem:s0+$0x0]  }
0x1ca: {  	v16 =	vadd.s32 $0x2701, v16;
	v18 =	vbroadcast v35, $0x0;
	[tilespmem:s1+$0xFFFFFFA0] =	vst v1;
	v1 =	vmul.f32 v38, v5;
	v5 =	vld [tilespmem:s0+$0x10]  }
0x1cb: {  	v16 =	vbroadcast v16, $0x0;
	v29 =	vadd.s32 $0x2702, v36;
	[tilespmem:s1+$0xFFFFFFB0] =	vst v2;
	v2 =	vmul.f32 v24, v9;
	v24 =	vld [tilespmem:s0+$0x20]  }
0x1cc: {  	v29 =	vbroadcast v29, $0x0;
	v9 =	vadd.s32 $0x2703, v19;
	[tilespmem:s1+$0xFFFFFFC0] =	vst v1;
	v1 =	vmul.f32 v27, v10;
	v19 =	vld [tilespmem:s0+$0x30]  }
0x1cd: {  	v27 =	vbroadcast v9, $0x0;
	v9 =	vadd.s32 $0x2704, v20;
	[tilespmem:s1+$0xFFFFFFD0] =	vst v2;
	v2 =	vmul.f32 v3, v11;
	v20 =	vld [tilespmem:s0+$0x40]  }
0x1ce: {  	v30 =	vbroadcast v9, $0x0;
	v3 =	vadd.s32 $0x2705, v21;
	[tilespmem:s1+$0xFFFFFFE0] =	vst v1;
	v4 =	vmul.f32 v4, v12;
	v21 =	vld [tilespmem:s0+$0x50]  }
0x1cf: {  	v9 =	vbroadcast v3, $0x0;
	v3 =	vadd.s32 $0x2706, v22;
	[tilespmem:s1+$0xFFFFFFF0] =	vst v2;
	v5 =	vmul.f32 v5, v13;
	v22 =	vld [tilespmem:s0+$0x60]  }
.Ltmp6:
0x1d0: {  	v10 =	vbroadcast v3, $0x0;
	v3 =	vadd.s32 $0x2707, v15;
	v1 =	vld.idx.msk [tilespmem:v18+s21+$0x0], $0xffff;
	[tilespmem:s1+$0x0] =	vst v4;
	v4 =	vmul.f32 v24, v14;
	(pc) =	sbr.rel @p0 .LBB2_14-.Ltmp6, $4  }
0x1d1: {  	v12 =	vadd.s32 $0x2700, v23;
	v11 =	vbroadcast v3, $0x0;
	v2 =	vld.idx.msk [tilespmem:v16+s21+$0x0], $0xffff;
	[tilespmem:s1+$0x10] =	vst v5;
	v5 =	vmul.f32 v19, v17  }
0x1d2: {  	v12 =	vbroadcast v12, $0x0;
	v13 =	vadd.s32 $0x2701, v25;
	v3 =	vld.idx.msk [tilespmem:v29+s21+$0x0], $0xffff;
	[tilespmem:s1+$0x20] =	vst v4;
	v16 =	vmul.f32 v20, v28  }
0x1d3: {  	v13 =	vbroadcast v13, $0x0;
	v14 =	vadd.s32 $0x2702, v26;
	v4 =	vld.idx.msk [tilespmem:v27+s21+$0x0], $0xffff;
	[tilespmem:s1+$0x30] =	vst v5;
	v15 =	vmul.f32 v21, v31  }
0x1d4: {  	s6 =	sadd.s32 $0xF, s5;
	s5 =	sadd.s32 $0x10, s5;
	v14 =	vbroadcast v14, $0x0;
	v17 =	vadd.s32 $0x2703, v33;
	v5 =	vld.idx.msk [tilespmem:v30+s21+$0x0], $0xffff;
	[tilespmem:s1+$0x40] =	vst v16;
	v16 =	vmul.f32 v22, v32  }
0x1d5: {  	_ =	sdelay $0x3  }
0x1d6: {  	v9 =	vld.idx.msk [tilespmem:v9+s21+$0x0], $0xffff  }
0x1d7: {  	v10 =	vld.idx.msk [tilespmem:v10+s21+$0x0], $0xffff  }
0x1d8: {  	v11 =	vld.idx.msk [tilespmem:v11+s21+$0x0], $0xffff  }
0x1d9: {  	v12 =	vld.idx.msk [tilespmem:v12+s21+$0x0], $0xffff  }
0x1da: {  	v13 =	vld.idx.msk [tilespmem:v13+s21+$0x0], $0xffff  }
0x1db: {  	s0 =	sadd.s32 $0x100, s0;
	v14 =	vld.idx.msk [tilespmem:v14+s21+$0x0], $0xffff  }
0x1dc: {  	v19 =	vld [tilespmem:s0+$0x70]  }
0x1dd: {  	v20 =	vld [tilespmem:s0+$0xFFFFFF80]  }
0x1de: {  	v21 =	vld [tilespmem:s0+$0xFFFFFF90]  }
0x1df: {  	v22 =	vld [tilespmem:s0+$0xFFFFFFA0]  }
0x1e0: {  	v18 =	vmov s6;
	v23 =	vld [tilespmem:s0+$0xFFFFFFB0]  }
0x1e1: {  	v18 =	vshrl.u32 v18, $0x3;
	v55 =	vld [tilespmem:s0+$0xFFFFFFC0]  }
0x1e2: {  	v56 =	vld [tilespmem:s0+$0xFFFFFFD0];
	v18 =	vshll.u32 v18, v0  }
0x1e3: {  	v57 =	vld [tilespmem:s0+$0xFFFFFFE0];
	v18 =	vadd.s32 $0x2707, v18  }
0x1e4: {  	v58 =	vld [tilespmem:s0+$0x0];
	v18 =	vbroadcast v18, $0x0  }
0x1e5: {  	v59 =	vld [tilespmem:s0+$0x10]  }
0x1e6: {  	v17 =	vbroadcast v17, $0x0;
	v8 =	vadd.s32 $0x2704, v8;
	[tilespmem:s1+$0x50] =	vst v15;
	v60 =	vld [tilespmem:s0+$0x20];
	v1 =	vmul.f32 v20, v1  }
0x1e7: {  	s25 =	sadd.s32 $0x100, s1;
	v8 =	vbroadcast v8, $0x0;
	[tilespmem:s1+$0x60] =	vst v16;
	v61 =	vld [tilespmem:s0+$0x30];
	v2 =	vmul.f32 v21, v2  }
0x1e8: {  	v7 =	vadd.s32 $0x2705, v7;
	[tilespmem:s25+$0xFFFFFF80] =	vst v1;
	v1 =	vmul.f32 v22, v3;
	v3 =	vld [tilespmem:s0+$0xFFFFFFF0]  }
0x1e9: {  	v6 =	vadd.s32 $0x2706, v6;
	v7 =	vbroadcast v7, $0x0;
	v62 =	vld [tilespmem:s0+$0x50];
	[tilespmem:s25+$0xFFFFFF90] =	vst v2;
	v2 =	vmul.f32 v23, v4  }
0x1ea: {  	v6 =	vbroadcast v6, $0x0;
	v18 =	vld.idx.msk [tilespmem:v18+s21+$0x0], $0xffff;
	[tilespmem:s25+$0xFFFFFFA0] =	vst v1;
	v1 =	vmul.f32 v55, v5  }
0x1eb: {  	v63 =	vld [tilespmem:s0+$0x60];
	[tilespmem:s25+$0xFFFFFFB0] =	vst v2;
	v2 =	vmul.f32 v56, v9  }
0x1ec: {  	v17 =	vld.idx.msk [tilespmem:v17+s21+$0x0], $0xffff;
	[tilespmem:s25+$0xFFFFFFC0] =	vst v1;
	v1 =	vmul.f32 v57, v10  }
0x1ed: {  	v8 =	vld.idx.msk [tilespmem:v8+s21+$0x0], $0xffff;
	[tilespmem:s25+$0xFFFFFFD0] =	vst v2;
	v2 =	vmul.f32 v3, v11  }
0x1ee: {  	v3 =	vld [tilespmem:s0+$0x40];
	[tilespmem:s25+$0xFFFFFFE0] =	vst v1;
	v1 =	vmul.f32 v58, v12  }
0x1ef: {  	v7 =	vld.idx.msk [tilespmem:v7+s21+$0x0], $0xffff;
	v54 =	vmul.f32 v19, v18;
	[tilespmem:s25+$0xFFFFFFF0] =	vst v2  }
0x1f0: {  	v6 =	vld.idx.msk [tilespmem:v6+s21+$0x0], $0xffff;
	v2 =	vmul.f32 v59, v13;
	[tilespmem:s25+$0x0] =	vst v1  }
0x1f1: {  	v1 =	vmul.f32 v60, v14;
	[tilespmem:s25+$0x70] =	vst v54  }
0x1f2: {  	[tilespmem:s25+$0x10] =	vst v2;
	v2 =	vmul.f32 v61, v17  }
0x1f3: {  	[tilespmem:s25+$0x20] =	vst v1;
	v1 =	vmul.f32 v3, v8  }
0x1f4: {  	[tilespmem:s25+$0x30] =	vst v2;
	v2 =	vmul.f32 v62, v7  }
0x1f5: {  	[tilespmem:s25+$0x40] =	vst v1;
	v1 =	vmul.f32 v63, v6  }
0x1f6: {  	[tilespmem:s25+$0x50] =	vst v2  }
0x1f7: {  	s26 =	simm.s32 $0x2700;
	[tilespmem:s25+$0x60] =	vst v1  }
0x1f8: {  	[spmem:s3] =	stream.indirect.scatter.add.f32 [tilespmem:s22], [sflag:$0x5], $0x10, s26, s18, $0xb8;
	[tilespmem:$0x13600] =	vst v63  }
0x1f9: {  	_ =	swait.ge [sflag:s15], $0x800  }
0x1fa: {  	[sflag:s15] =	ssyncset.done $0x0  }
0x1fb: {  	s28 =	rddreg [dreg:$0x9];
	[sflag:s15] =	ssyncadd.s32 $0xFFFFF800  }
0x1fc: {  	[hbm4b:s28+s4] =	stream.linear.scatter [tilespmem:s21], [sflag:$0x5], $0x2780, $0x38;
	[tilespmem:$0x13600] =	vst v63  }
0x1fd: {  	_ =	swait.ge [sflag:s15], $0x2780  }
0x1fe: {  	[sflag:s15] =	ssyncset.done $0x0  }
0x1ff: {  	[sflag:s15] =	ssyncadd.s32 $0xFFFFD880  }
0x200: {  	[bflag:$0x0] =	sbarrier.arrive $0xFFFF  }
0x201: {  	[tilespmem:s14], [sflag:$0x5] =	stream.linear.gather [spmem:s7], $0x2800, $0x38;
	[tilespmem:$0x13600] =	vst v63  }
0x202: {  	_ =	swait.ge [sflag:s15], $0x2800  }
0x203: {  	[sflag:s15] =	ssyncset.done $0x0  }
0x204: {  	s29 =	rddreg [dreg:$0xa];
	[sflag:s15] =	ssyncadd.s32 $0xFFFFD800  }
0x205: {  	[hbm4b:s29+s4] =	stream.linear.scatter [tilespmem:s14], [sflag:$0x5], $0x2800, $0x38;
	[tilespmem:$0x13600] =	vst v63  }
0x206: {  	_ =	swait.ge [sflag:s15], $0x2800  }
0x207: {  	s30 =	sadd.s32 $0x1, s30;
	s31 =	rddreg [dreg:$0xb]  }
0x208: {  	p0 =	sne.s32 s30, s31  }
.Ltmp7:
0x209: {  	_ = 	snop;
	(pc) =	sbr.rel @p0 .LBB2_1-.Ltmp7, $3  }
0x20a: {  	_ =	sdelay $0x1  }
0x20b: {  	[sflag:s15] =	ssyncset.done $0x0  }
0x20c: {  	[sflag:s15] =	ssyncadd.s32 $0xFFFFD800  }
0x20d: {  	_ =	sfence.sel $0x180000  }
0x20e: {  	[bflag:$0x0] =	sbarrier.arrive $0xFFFF  }
0x20f: {  	_ =	strace $0x9000004A  }
0x210: {  	s0 =	stileid.u32;
	[bflag:$0x2] =	sbarrier.arrive $0xFFFF  }
0x211: {  	p0 =	sne.s32 s0, $0x0;
	s0 =	rddreg [dreg:$0x3]  }
0x212: {  	s0 =	sadd.s32 @!p0 $0x100000, s0  }
0x213: {  	[sflag:s0] =	ssyncadd.tile.s32 @!p0 $0x1;
	_ =	shalt  }
.Lfunc_end2:
_tile_overlayer_lowered:
.L_overlay_start_2:
0x214: {  	(tag) =	ssettag $0x2  }
0x215: {  	s0 =	rddreg [dreg:$0x0];
	s2 =	stileid.u32  }
0x216: {  	s1 =	rddreg [dreg:$0x1];
	p0 =	sne.s32 s2, $0x0  }
0x217: {  	s3 =	rddreg [dreg:$0x2];
	[bflag:$0x3] =	sbarrier.arrive $0xFFFF;
	s2 =	simm.s32 @!p0 $0x1C05  }
0x218: {  	[timem:s3], [sflag:s2] =	dma.local @!p0 [hbm:s0], s1  }
0x219: {  	s0 =	simm.s32 @!p0 $0x5  }
0x21a: {  	_ =	swait.ge @!p0 [sflag:s0], s1  }
0x21b: {  	s1 =	ssub.s32 @!p0 $0x0, s1;
	[sflag:s0] =	ssyncset.done @!p0 $0x0  }
0x21c: {  	[sflag:s0] =	ssyncadd.s32 @!p0 s1  }
0x21d: {  	[bflag:$0x3] =	sbarrier.arrive $0xFFFF  }
0x21e: {  	_ =	shalt  }

// kernel: kernel.15.cloned.1.call-start
scs
__scs_entry_jumppad:
0x0: {  	(pc) =	sbr.rel $0x88, $3  }
0x1: {  	(tag) =	ssettag $0x0;
	lr =	simm.s32 $0x1  }
0x2: {  	[smem:$0x3F9A] =	sst lr;
	_ =	strace $0xD0000000  }
0x3: {  	_ = 	snop  }
0x4: {  	_ = 	snop  }
0x5: {  	_ = 	snop  }
0x6: {  	_ = 	snop  }
0x7: {  	_ = 	snop  }
__scs_overlays_trampoline_lowered:
0x8: {  	[smem:$0x3FA9] =	sst s0  }
0x9: {  	[smem:$0x3FAA] =	sst s1  }
0xa: {  	[smem:$0x3FAB] =	sst s2  }
0xb: {  	[smem:$0x3FAC] =	sst s3  }
0xc: {  	[smem:$0x3FAD] =	sst s4  }
0xd: {  	[smem:$0x3FAE] =	sst s5  }
0xe: {  	[smem:$0x3FAF] =	sst s6  }
0xf: {  	[smem:$0x3FB0] =	sst s7  }
0x10: {  	[smem:$0x3FB1] =	sst s8  }
0x11: {  	[smem:$0x3FB2] =	sst s9;
	s0 =	simm.s32 @!p0 $0x0  }
0x12: {  	s1 =	sld [smem:$0x3F98];
	s0 =	simm.s32 @p0 $0x1  }
0x13: {  	[smem:$0x3FB3] =	sst s0;
	s0 =	simm.s32 @!p1 $0x0  }
0x14: {  	s2 =	sld [smem:$0x3F97];
	s0 =	simm.s32 @p1 $0x1  }
0x15: {  	[smem:$0x3FB4] =	sst s0;
	s0 =	simm.s32 @!p2 $0x0  }
0x16: {  	s3 =	sld [smem:$0x3FDB];
	s0 =	simm.s32 @p2 $0x1  }
0x17: {  	s4 =	simm.s32 $0x1BF5;
	[smem:$0x3FB6] =	sst s0  }
0x18: {  	s0 =	sld [smem:$0x3F99];
	_ =	swait.ge [sflag:s4], $0x0  }
0x19: {  	s7 =	sld [smem:$0x3F9A]  }
0x1a: {  	s8 =	sadd.s32 $0xFFFFE003, lr  }
0x1b: {  	s9 =	sadd.s32 $0xFFFFFEF7, lr;
	s5 =	simm.s32 $0xFFFFFFFF;
	p2 =	slt.u32 s8, $0xFFFFF086  }
0x1c: {  	p1 =	slt.u32 s9, $0xF7A;
	s5 =	simm.s32 @!p2 $0x0  }
0x1d: {  	s5 =	simm.s32 @p1 $0x1;
	p0 =	seq.s32 s7, s2  }
0x1e: {  	s7 =	smul.u32 @!p0 $0xF7A, s2;
	p2 =	seq.s32 @!p0 s5, $0x0  }
0x1f: {  	s9 =	smul.u32 $0xF7A, s1;
	s8 =	simm.s32 @!p0 $0x1BF5;
	p2 =	por !p2, p0  }
0x20: {  	[sflag:s8] =	ssyncset.s32 @!p0 $0xFFFFF086;
	s6 =	sadd.s32 @!p0 s3, s7;
	s7 =	simm.s32 @!p0 $0x108  }
0x21: {  	s3 =	sadd.s32 s3, s9;
	s6 =	sadd.s32 @!p0 $0x88, s6;
	s7 =	simm.s32 @p2 $0x1082  }
0x22: {  	[simem:s7], [sflag:s8] =	dma.local @!p0 [hbm:s6], $0xF7A  }
0x23: {  	s9 =	sor.u32 $0xD0000000, s2;
	s6 =	simm.s32 $0x108;
	_ =	swait.ge @!p0 [sflag:s8], $0x0  }
0x24: {  	s3 =	sadd.s32 $0x88, s3;
	s6 =	simm.s32 @!p1 $0x1082;
	[sflag:s4] =	ssyncset.s32 $0xFFFFF086  }
0x25: {  	[simem:s6], [sflag:s4] =	dma.local [hbm:s3], $0xF7A  }
0x26: {  	[smem:$0x3F9A] =	sst s1;
	(tag) =	ssettag s2;
	_ =	strace s9  }
0x27: {  	s1 =	sld [smem:$0x3FAA]  }
0x28: {  	s2 =	sld [smem:$0x3FAB]  }
0x29: {  	s4 =	sld [smem:$0x3FAD]  }
0x2a: {  	p0 =	seq.s32 s5, $0x0;
	s5 =	sld [smem:$0x3FAE]  }
0x2b: {  	s6 =	sld [smem:$0x3FAF]  }
0x2c: {  	s7 =	sld [smem:$0x3FB0]  }
0x2d: {  	s3 =	simm.s32 $0x108;
	s8 =	sld [smem:$0x3FB1]  }
0x2e: {  	s3 =	simm.s32 @!p0 $0x1082;
	s9 =	sld [smem:$0x3FB2]  }
0x2f: {  	lr =	sadd.s32 s0, s3;
	s0 =	sld [smem:$0x3FA9]  }
0x30: {  	s3 =	sld [smem:$0x3FAC]  }
0x31: {  	[smem:$0x3FB5] =	sst s10  }
0x32: {  	s10 =	sld [smem:$0x3FB3];
	_ =	sdelay $0x3  }
0x33: {  	p0 =	seq.s32 s10, $0x1;
	s10 =	sld [smem:$0x3FB5];
	_ =	sdelay $0x3  }
0x34: {  	[smem:$0x3FB5] =	sst s10  }
0x35: {  	s10 =	sld [smem:$0x3FB4];
	_ =	sdelay $0x3  }
0x36: {  	p1 =	seq.s32 s10, $0x1;
	s10 =	sld [smem:$0x3FB5];
	_ =	sdelay $0x3  }
0x37: {  	[smem:$0x3FB5] =	sst s10  }
0x38: {  	s10 =	sld [smem:$0x3FB6]  }
0x39: {  	_ = 	snop;
	(pc) =	sbr.ind lr, $3  }
0x3a: {  	_ = 	snop  }
0x3b: {  	_ = 	snop  }
0x3c: {  	p2 =	seq.s32 s10, $0x1;
	s10 =	sld [smem:$0x3FB5]  }
0x3d: {  	_ =	shalt  }
0x3e: {  	_ =	shalt  }
0x3f: {  	_ =	shalt  }
0x40: {  	_ =	shalt  }
0x41: {  	_ =	shalt  }
0x42: {  	_ =	shalt  }
0x43: {  	_ =	shalt  }
0x44: {  	_ =	shalt  }
0x45: {  	_ =	shalt  }
0x46: {  	_ =	shalt  }
0x47: {  	_ =	shalt  }
0x48: {  	_ =	shalt  }
0x49: {  	_ =	shalt  }
0x4a: {  	_ =	shalt  }
0x4b: {  	_ =	shalt  }
0x4c: {  	_ =	shalt  }
0x4d: {  	_ =	shalt  }
0x4e: {  	_ =	shalt  }
0x4f: {  	_ =	shalt  }
0x50: {  	_ =	shalt  }
0x51: {  	_ =	shalt  }
0x52: {  	_ =	shalt  }
0x53: {  	_ =	shalt  }
0x54: {  	_ =	shalt  }
0x55: {  	_ =	shalt  }
0x56: {  	_ =	shalt  }
0x57: {  	_ =	shalt  }
0x58: {  	_ =	shalt  }
0x59: {  	_ =	shalt  }
0x5a: {  	_ =	shalt  }
0x5b: {  	_ =	shalt  }
0x5c: {  	_ =	shalt  }
0x5d: {  	_ =	shalt  }
0x5e: {  	_ =	shalt  }
0x5f: {  	_ =	shalt  }
0x60: {  	_ =	shalt  }
0x61: {  	_ =	shalt  }
0x62: {  	_ =	shalt  }
0x63: {  	_ =	shalt  }
0x64: {  	_ =	shalt  }
0x65: {  	_ =	shalt  }
0x66: {  	_ =	shalt  }
0x67: {  	_ =	shalt  }
0x68: {  	_ =	shalt  }
0x69: {  	_ =	shalt  }
0x6a: {  	_ =	shalt  }
0x6b: {  	_ =	shalt  }
0x6c: {  	_ =	shalt  }
0x6d: {  	_ =	shalt  }
0x6e: {  	_ =	shalt  }
0x6f: {  	_ =	shalt  }
0x70: {  	_ =	shalt  }
0x71: {  	_ =	shalt  }
0x72: {  	_ =	shalt  }
0x73: {  	_ =	shalt  }
0x74: {  	_ =	shalt  }
0x75: {  	_ =	shalt  }
0x76: {  	_ =	shalt  }
0x77: {  	_ =	shalt  }
0x78: {  	_ =	shalt  }
0x79: {  	_ =	shalt  }
0x7a: {  	_ =	shalt  }
0x7b: {  	_ =	shalt  }
0x7c: {  	_ =	shalt  }
0x7d: {  	_ =	shalt  }
0x7e: {  	_ =	shalt  }
0x7f: {  	_ =	shalt  }
0x80: {  	_ =	shalt  }
0x81: {  	_ =	shalt  }
0x82: {  	_ =	shalt  }
0x83: {  	_ =	shalt  }
0x84: {  	_ =	shalt  }
0x85: {  	_ =	shalt  }
0x86: {  	_ =	shalt  }
0x87: {  	_ =	shalt  }
.Lfunc_end0:
.L_simem_size_0:
called_computation.2_lowered:
.L_overlay_start_0:
0x88: {  	s2 =	sld [smem:$0x3FD9]  }
0x89: {  	s3 =	sld [smem:$0x3FFE];
	_ =	sdelay $0x1  }
0x8a: {  	s1 =	srdreg.scid  }
0x8b: {  	s0 =	sand.u32 $0x1, s1  }
0x8c: {  	s17 =	sshll.u32 s0, $0xA;
	s2 =	sadd.s32 s3, s2  }
0x8d: {  	s2 =	sadd.s32 s2, s17  }
0x8e: {  	[smem:$0x3FC1] =	sst s2  }
0x8f: {  	_ = 	snop  }
0x90: {  	s2 =	sld [smem:$0x3FD0];
	(tm) =	ssettm $0x1  }
0x91: {  	s18 =	sld [smem:$0x3FFB];
	_ =	sdelay $0x3  }
0x92: {  	_ =	strace s18  }
0x93: {  	s3 =	sld [smem:$0x3FFC];
	_ =	sdelay $0x3  }
0x94: {  	_ =	strace s3  }
0x95: {  	s3 =	sld [smem:$0x3FFD];
	_ =	sdelay $0x3  }
0x96: {  	_ =	strace s3  }
0x97: {  	_ =	strace $0x8FFFFFFF  }
0x98: {  	s19 =	sld [smem:$0x3FDB];
	_ =	sdelay $0x1  }
0x99: {  	s4 =	simm.s32 $_scs_section_size  }
0x9a: {  	s5 =	simm.s32 $_size__tile_overlayer_lowered;
	s6 =	simm.s32 $_tile_overlayer_lowered  }
0x9b: {  	s22 =	simm.s32 $0x1BFF;
	s21 =	sshll.u32 s6, $0x1;
	s3 =	sadd.s32 s4, s19  }
0x9c: {  	s7 =	simm.s32 $0x0;
	s20 =	sshll.u32 s5, $0x1;
	s5 =	sadd.s32 s21, s3  }
0x9d: {  	[timem:s7], [sflag:s22] =	dma.local [hbm:s5], s20  }
0x9e: {  	_ =	swait.ge [sflag:s22], s20  }
0x9f: {  	s4 =	ssub.s32 $0x0, s20;
	[sflag:s22] =	ssyncset.done $0x0  }
0xa0: {  	[sflag:s22] =	ssyncadd.s32 s4;
	_ =	sdelay $0x1  }
0xa1: {  	s23 =	simm.s32 $0x1B8B  }
0xa2: {  	_ =	swait.ge [sflag:s23], $0x1  }
0xa3: {  	[sflag:s23] =	ssyncset.done $0x0  }
0xa4: {  	s25 =	simm.s32 $0x1B8E;
	s24 =	sld [smem:$0x3FFE];
	[sflag:s23] =	ssyncadd.s32 $0xFFFFFFFF  }
0xa5: {  	s26 =	simm.s32 $execute0_lowered;
	[smem:$0x3FD2] =	sst s25  }
0xa6: {  	s5 =	sshll.u32 s26, $0x1;
	_ =	strace $0x8000004C;
	[dreg:$0x1] =	wrdreg $0xFFFFFFFF  }
0xa7: {  	s28 =	simm.s32 $_size_execute0_lowered;
	s3 =	sadd.s32 s3, s5;
	[dreg:$0x0] =	wrdreg $0x0  }
0xa8: {  	s5 =	sshll.u32 s28, $0x1;
	[dreg:$0x2] =	wrdreg s3  }
0xa9: {  	[dreg:$0x3] =	wrdreg s5  }
0xaa: {  	[dreg:$0x4] =	wrdreg $0xC0  }
0xab: {  	_ =	task [dreg:s7], $0x5FFFF  }
0xac: {  	[dreg:$0x1] =	wrdreg $0xFFFFFFFF  }
0xad: {  	[dreg:$0x0] =	wrdreg $0x60  }
0xae: {  	[dreg:$0x2] =	wrdreg s24  }
0xaf: {  	[dreg:$0x3] =	wrdreg s2  }
0xb0: {  	[dreg:$0x4] =	wrdreg $0xBE800  }
0xb1: {  	[dreg:$0x5] =	wrdreg $0x9  }
0xb2: {  	_ =	task.clear_ibuf [dreg:s7], $0x6FFFF;
	_ =	strace $0x9000004C  }
0xb3: {  	s29 =	simm.s32 $0x9;
	_ =	strace $0x8000004E  }
0xb4: {  	_ =	swait.ge [sflag:s29], $0x1  }
0xb5: {  	[sflag:s29] =	ssyncadd.s32 $0xFFFFFFFF  }
0xb6: {  	_ =	strace $0x9000004E  }
0xb7: {  	_ =	sfence  }
0xb8: {  	s30 =	sld [smem:$0x0];
	_ =	sdelay $0x2  }
0xb9: {  	s31 =	sshll.u32 s1, $0xD;
	s1 =	sshrl.u32 s1, $0x2  }
0xba: {  	s3 =	sand.u32 $0x4000, s31;
	s1 =	sadd.s32 s1, s30  }
0xbb: {  	s0 =	sor.u32 s3, s0;
	s1 =	sshll.u32 s1, $0x11  }
0xbc: {  	s0 =	sor.u32 s1, s0  }
0xbd: {  	s0 =	sadd.s32 $0x8F2B, s0  }
0xbe: {  	[sflag:s0] =	ssyncadd.remote.s32 $0x1  }
0xbf: {  	_ =	sfence.sel $0xFFFF  }
0xc0: {  	[dreg:$0x0] =	wrdreg $0xFFFFFFFF;
	(pc) =	sbr.abs _section_cstart, $3  }
0xc1: {  	[dreg:$0x1] =	wrdreg $0xFFFFFFFF  }
0xc2: {  	_ =	task.clear_ibuf [dreg:s7], $0x2FFFF;
	_ =	strace $0x9FFFFFFF  }
0xc3: {  	(tm) =	ssettm $0x7FFFFFFF  }
tec
execute0_lowered:
.L_overlay_start_1:
0x0: {  	(tag) =	ssettag $0x1  }
0x1: {  	s0 =	srdreg.scid;
	s1 =	rddreg [dreg:$0x0]  }
0x2: {  	s6 =	stileid.u32;
	s2 =	rddreg [dreg:$0x1];
	s12 =	simm.s32 $0x9680  }
0x3: {  	s13 =	simm.s32 $0x5;
	s15 =	simm.s32 $0x4F00;
	s16 =	simm.s32 $0x80  }
0x4: {  	s17 =	simm.s32 $0x7680;
	s18 =	simm.s32 $0x7E80;
	s19 =	simm.s32 $0x1  }
0x5: {  	s20 =	simm.s32 $0x8680;
	s21 =	simm.s32 $0x2;
	s22 =	simm.s32 $0x4  }
0x6: {  	s23 =	simm.s32 $0x8E80;
	s24 =	simm.s32 $0x3;
	s28 =	simm.s32 $0x0  }
0x7: {  	s0 =	sand.u32 $0x1, s0;
	s3 =	sshll.u32 s6, $0x1;
	s6 =	smul.u32 $0x2800, s6  }
0x8: {  	s4 =	sor.u32 s0, s3;
	s3 =	rddreg [dreg:$0x2];
	s7 =	smul.u32 $0x28000, s0  }
0x9: {  	s0 =	ssub.s32 $0x2, s0;
	s5 =	smul.u32 $0x4F0, s4;
	s4 =	simm.s32 $0x0  }
0xa: {  	s8 =	sshrl.u32 s0, $0x1;
	[smem:$0x7FF] =	sst s4;
	s7 =	sadd.s32 s6, s7  }
0xb: {  	s0 =	ssub.s32 s0, s8;
	s6 =	sadd.s32 s6, s3;
	_ =	strace $0x8000004D  }
0xc: {  	s9 =	sadd.s32 s5, s1;
	s5 =	sadd.s32 $0x20600, s1;
	s7 =	sshrl.u32 s7, $0x3  }
0xd: {  	v0 =	vimm.s32 $0x0;
	vm0 =	vcmask $0x300;
	s11 =	smax.u32 s0, $0x1;
	s1 =	sadd.s32 s7, s1;
	s7 =	sadd.s32 $0xC400, s9  }
0xe: {  	v0 =	vsel vm0, $0x3, v0;
	s8 =	sadd.s32 $0x16200, s9;
	s9 =	sadd.s32 $0x2AC00, s9;
	s10 =	sadd.s32 $0x20C00, s1  }
.LBB2_1:
0xf: {  	[tilespmem:s12], [sflag:$0x5] =	stream.linear.gather [hbm4b:s5+s4], $0x2800, $0x38;
	[tilespmem:$0xE680] =	vst v63  }
0x10: {  	_ =	swait.ge [sflag:s13], $0x2800  }
0x11: {  	[sflag:s13] =	ssyncset.done $0x0  }
0x12: {  	[sflag:s13] =	ssyncadd.s32 $0xFFFFD800  }
0x13: {  	[spmem:s6] =	stream.linear.scatter [tilespmem:s12], [sflag:$0x5], $0x2800, $0x38;
	[tilespmem:$0xE680] =	vst v63  }
0x14: {  	_ =	swait.ge [sflag:s13], $0x2800  }
0x15: {  	[sflag:s13] =	ssyncset.done $0x0  }
0x16: {  	[sflag:s13] =	ssyncadd.s32 $0xFFFFD800  }
0x17: {  	[bflag:$0x0] =	sbarrier.arrive $0xFFFF  }
0x18: {  	[tilespmem:s4], [sflag:$0x5] =	stream.linear.gather [hbm4b:s7+s4], $0x2780, $0x38;
	[tilespmem:$0xE680] =	vst v63  }
0x19: {  	_ =	swait.ge [sflag:s13], $0x2780  }
0x1a: {  	[sflag:s13] =	ssyncset.done $0x0  }
0x1b: {  	s0 =	simm.s32 $0x2780;
	[sflag:s13] =	ssyncadd.s32 $0xFFFFD880  }
0x1c: {  	[tilespmem:s0], [sflag:$0x5] =	stream.linear.gather [hbm4b:s8+s4], $0x2780, $0x38;
	[tilespmem:$0xE680] =	vst v63  }
0x1d: {  	_ =	swait.ge [sflag:s13], $0x2780  }
0x1e: {  	[sflag:s13] =	ssyncset.done $0x0  }
0x1f: {  	[sflag:s13] =	ssyncadd.s32 $0xFFFFD880  }
0x20: {  	[tilespmem:s15], [sflag:$0x5] =	stream.linear.gather [hbm4b:s9+s4], $0x2780, $0x38;
	[tilespmem:$0xE680] =	vst v63  }
0x21: {  	_ =	swait.ge [sflag:s13], $0x2780  }
0x22: {  	[sflag:s13] =	ssyncset.done $0x0  }
0x23: {  	s29 =	simm.s32 $0x0;
	[sflag:s13] =	ssyncadd.s32 $0xFFFFD880  }
0x24: {  	[tilespmem:s17], [sflag:$0x1] =	stream.indirect.gather [hbm4b:s2+s16], $0x10, s0, s16, $0xb8;
	[tilespmem:$0xE680] =	vst v63  }
.LBB2_2:
0x25: {  	s0 =	sshll.u32 s29, $0x1;
	s1 =	simm.s32 $0x0  }
0x26: {  	s14 =	simm.s32 $0x1;
	s25 =	simm.s32 $0x3;
	s26 =	simm.s32 $0x4;
	v9 =	vmov s1  }
0x27: {  	s0 =	sshll.u32 s0, $0x7;
	s1 =	simm.s32 $0x2;
	v10 =	vmov s14;
	v12 =	vmov s25;
	v13 =	vmov s26  }
0x28: {  	s25 =	simm.s32 $0x5;
	s14 =	simm.s32 $0x6;
	s26 =	simm.s32 $0x7;
	v4 =	vmov s0;
	v9 =	vshrl.u32 v9, $0x3;
	v11 =	vmov s1  }
0x29: {  	v14 =	vmov s25;
	v15 =	vmov s14;
	v16 =	vmov s26  }
0x2a: {  	v10 =	vshrl.u32 v10, $0x3;
	v12 =	vshrl.u32 v12, $0x3;
	v13 =	vshrl.u32 v13, $0x3  }
0x2b: {  	v5 =	vor.u32 $0x1, v4;
	v7 =	vor.u32 $0x2, v4;
	v8 =	vor.u32 $0x3, v4  }
0x2c: {  	s25 =	simm.s32 $0x8;
	s14 =	simm.s32 $0x9;
	v6 =	vor.u32 $0x4, v4;
	v3 =	vor.u32 $0x5, v4;
	v2 =	vor.u32 $0x6, v4  }
0x2d: {  	s26 =	simm.s32 $0xA;
	v1 =	vor.u32 $0x7, v4;
	v17 =	vmov s25;
	v18 =	vmov s14  }
0x2e: {  	v19 =	vmov s26;
	v9 =	vshll.u32 v9, v0;
	v11 =	vshrl.u32 v11, $0x3  }
0x2f: {  	s25 =	simm.s32 $0xB;
	v14 =	vshrl.u32 v14, $0x3;
	v15 =	vshrl.u32 v15, $0x3;
	v16 =	vshrl.u32 v16, $0x3  }
0x30: {  	s14 =	simm.s32 $0xC;
	s26 =	simm.s32 $0xD;
	v10 =	vshll.u32 v10, v0;
	v12 =	vshll.u32 v12, v0;
	v20 =	vmov s25;
	s25 =	sshllo.u32 s29, $0x1  }
0x31: {  	v13 =	vshll.u32 v13, v0;
	v21 =	vmov s14;
	v22 =	vmov s26;
	s30 =	sshll.u32 s25, $0x7  }
0x32: {  	v17 =	vshrl.u32 v17, $0x3;
	v18 =	vshrl.u32 v18, $0x3;
	v19 =	vshrl.u32 v19, $0x3;
	s0 =	sadd.s32 $0x2780, s30  }
0x33: {  	v9 =	vadd.s32 v4, v9;
	v11 =	vshll.u32 v11, v0;
	v10 =	vadd.s32 v10, v5;
	[tilespmem:s18], [sflag:$0x2] =	stream.indirect.gather [hbm4b:s2+s16], $0x10, s0, s16, $0xb8;
	[tilespmem:$0xE680] =	vst v63  }
0x34: {  	v14 =	vshll.u32 v14, v0;
	v15 =	vshll.u32 v15, v0;
	v9 =	vbroadcast v9, $0x0;
	_ =	swait.ge [sflag:s19], $0x800  }
0x35: {  	p0 =	seq.s32 s29, $0x0;
	v12 =	vadd.s32 v12, v8;
	v10 =	vbroadcast v10, $0x0;
	v11 =	vadd.s32 v11, v7;
	[sflag:s19] =	ssyncset.done $0x0  }
0x36: {  	s14 =	simm.s32 $0xE;
	v16 =	vshll.u32 v16, v0;
	v13 =	vadd.s32 v13, v6;
	v11 =	vbroadcast v11, $0x0;
	s0 =	simm.s32 @!p0 $0x3;
	[sflag:s19] =	ssyncadd.s32 $0xFFFFF800  }
0x37: {  	v23 =	vmov s14;
	v20 =	vshrl.u32 v20, $0x3;
	v12 =	vbroadcast v12, $0x0;
	_ =	swait.ge @!p0 [sflag:s0], $0x800  }
0x38: {  	v21 =	vshrl.u32 v21, $0x3;
	v13 =	vbroadcast v13, $0x0;
	v14 =	vadd.s32 v14, v3;
	[sflag:s0] =	ssyncset.done @!p0 $0x0  }
0x39: {  	v17 =	vshll.u32 v17, v0;
	v15 =	vadd.s32 v15, v2;
	v14 =	vbroadcast v14, $0x0;
	[sflag:s0] =	ssyncadd.s32 @!p0 $0xFFFFF800  }
0x3a: {  	v18 =	vshll.u32 v18, v0;
	v15 =	vbroadcast v15, $0x0;
	v17 =	vadd.s32 v4, v17;
	v9 =	vld.idx.msk [tilespmem:v9+s15+$0x0], $0xffff  }
0x3b: {  	v19 =	vshll.u32 v19, v0;
	v18 =	vadd.s32 v18, v5;
	v17 =	vbroadcast v17, $0x0;
	v10 =	vld.idx.msk [tilespmem:v10+s15+$0x0], $0xffff  }
0x3c: {  	v22 =	vshrl.u32 v22, $0x3;
	v19 =	vadd.s32 v19, v7;
	v18 =	vbroadcast v18, $0x0;
	v11 =	vld.idx.msk [tilespmem:v11+s15+$0x0], $0xffff  }
0x3d: {  	v16 =	vadd.s32 v16, v1;
	v23 =	vshrl.u32 v23, $0x3;
	v19 =	vbroadcast v19, $0x0;
	v12 =	vld.idx.msk [tilespmem:v12+s15+$0x0], $0xffff  }
0x3e: {  	s14 =	simm.s32 $0x11;
	s25 =	simm.s32 $0x12;
	v20 =	vshll.u32 v20, v0;
	v16 =	vbroadcast v16, $0x0;
	v21 =	vshll.u32 v21, v0;
	v13 =	vld.idx.msk [tilespmem:v13+s15+$0x0], $0xffff  }
0x3f: {  	v22 =	vshll.u32 v22, v0;
	v26 =	vmov s14;
	s14 =	simm.s32 $0x14;
	v27 =	vmov s25;
	v24 =	vld.idx.msk [tilespmem:v14+s15+$0x0], $0xffff  }
0x40: {  	s25 =	simm.s32 $0x15;
	v23 =	vshll.u32 v23, v0;
	v20 =	vadd.s32 v20, v8;
	v29 =	vmov s14;
	s14 =	simm.s32 $0x17;
	v25 =	vld.idx.msk [tilespmem:v15+s15+$0x0], $0xffff  }
0x41: {  	v30 =	vmov s25;
	v32 =	vmov s14;
	s14 =	simm.s32 $0x1A;
	v53 =	vshrl.u32 v29, $0x3;
	v17 =	vld.idx.msk [tilespmem:v17+s15+$0x0], $0xffff  }
0x42: {  	v54 =	vshrl.u32 v30, $0x3;
	v35 =	vmov s14;
	s14 =	simm.s32 $0x1D;
	v56 =	vshrl.u32 v32, $0x3;
	v18 =	vld.idx.msk [tilespmem:v18+s15+$0x0], $0xffff  }
0x43: {  	s31 =	simm.s32 $0x7700;
	v29 =	vshll.u32 v54, v0;
	v38 =	vmov s14;
	v35 =	vshrl.u32 v35, $0x3;
	v19 =	vld.idx.msk [tilespmem:v19+s15+$0x0], $0xffff  }
0x44: {  	s26 =	simm.s32 $0xF;
	v38 =	vshrl.u32 v38, $0x3;
	v14 =	vbroadcast v20, $0x0;
	v20 =	vadd.s32 v21, v6;
	v57 =	vld [tilespmem:s31+$0x70]  }
0x45: {  	v35 =	vshll.u32 v35, v0;
	v21 =	vmov s26;
	s26 =	simm.s32 $0x13;
	v41 =	vld [tilespmem:s31+$0xFFFFFF80];
	v15 =	vbroadcast v20, $0x0  }
0x46: {  	v42 =	vld [tilespmem:s31+$0xFFFFFF90];
	v20 =	vadd.s32 v22, v3;
	v21 =	vshrl.u32 v21, $0x3;
	v28 =	vmov s26  }
0x47: {  	s1 =	simm.s32 $0x10;
	v22 =	vld.idx.msk [tilespmem:v16+s15+$0x0], $0xffff;
	s26 =	simm.s32 $0x16;
	v16 =	vbroadcast v20, $0x0;
	v20 =	vadd.s32 v23, v2;
	v21 =	vshll.u32 v21, v0  }
0x48: {  	v44 =	vld [tilespmem:s31+$0xFFFFFFA0];
	v23 =	vmov s1;
	v31 =	vmov s26;
	s26 =	simm.s32 $0x19;
	v20 =	vbroadcast v20, $0x0  }
0x49: {  	v45 =	vld [tilespmem:s31+$0xFFFFFFB0];
	v21 =	vadd.s32 v21, v1;
	v23 =	vshrl.u32 v23, $0x3;
	v34 =	vmov s26;
	s26 =	simm.s32 $0x1C  }
0x4a: {  	v46 =	vld [tilespmem:s31+$0xFFFFFFC0];
	v55 =	vshrl.u32 v31, $0x3;
	v21 =	vbroadcast v21, $0x0;
	v37 =	vmov s26  }
0x4b: {  	s25 =	simm.s32 $0x18;
	v59 =	vld [tilespmem:s31+$0xFFFFFFD0];
	v34 =	vshrl.u32 v34, $0x3;
	v30 =	vshll.u32 v55, v0;
	v9 =	vmul.f32 v41, v9  }
0x4c: {  	s1 =	simm.s32 $0x8700;
	v37 =	vshrl.u32 v37, $0x3;
	v10 =	vmul.f32 v42, v10;
	v33 =	vld.idx.msk [tilespmem:v14+s15+$0x0], $0xffff;
	v14 =	vmov s25;
	s25 =	simm.s32 $0x1B  }
0x4d: {  	v34 =	vshll.u32 v34, v0;
	v36 =	vld.idx.msk [tilespmem:v15+s15+$0x0], $0xffff;
	v15 =	vmov s25;
	[tilespmem:s1+$0xFFFFFF80] =	vst v9;
	v9 =	vmul.f32 v44, v11  }
0x4e: {  	s26 =	simm.s32 $0x1E;
	v14 =	vshrl.u32 v14, $0x3;
	[tilespmem:s1+$0xFFFFFF90] =	vst v10;
	v10 =	vmul.f32 v45, v12;
	v39 =	vld.idx.msk [tilespmem:v16+s15+$0x0], $0xffff;
	v16 =	vshll.u32 v23, v0  }
0x4f: {  	v60 =	vld [tilespmem:s31+$0xFFFFFFE0];
	v23 =	vshrl.u32 v26, $0x3;
	v26 =	vmov s26;
	v15 =	vshrl.u32 v15, $0x3  }
0x50: {  	v58 =	vshll.u32 v14, v0;
	v40 =	vld.idx.msk [tilespmem:v20+s15+$0x0], $0xffff;
	v20 =	vshrl.u32 v27, $0x3;
	v27 =	vshrl.u32 v28, $0x3  }
0x51: {  	v11 =	vld [tilespmem:s31+$0xFFFFFFF0];
	v43 =	vadd.s32 v4, v16;
	v23 =	vshll.u32 v23, v0;
	v26 =	vshrl.u32 v26, $0x3  }
0x52: {  	v12 =	vld [tilespmem:s31+$0x0];
	v28 =	vshll.u32 v53, v0;
	v61 =	vshll.u32 v15, v0;
	v15 =	vshll.u32 v38, v0;
	[tilespmem:s1+$0xFFFFFFA0] =	vst v9  }
0x53: {  	v9 =	vmul.f32 v46, v13;
	v13 =	vld [tilespmem:s31+$0x10];
	[tilespmem:s1+$0xFFFFFFB0] =	vst v10;
	v10 =	vmul.f32 v59, v24;
	v20 =	vshll.u32 v20, v0  }
0x54: {  	v24 =	vld [tilespmem:s31+$0x20];
	v27 =	vshll.u32 v27, v0;
	v14 =	vshll.u32 v26, v0;
	v23 =	vadd.s32 v23, v5  }
0x55: {  	v21 =	vld.idx.msk [tilespmem:v21+s15+$0x0], $0xffff;
	v26 =	vbroadcast v43, $0x0;
	v28 =	vadd.s32 v28, v6;
	v23 =	vbroadcast v23, $0x0  }
0x56: {  	v20 =	vadd.s32 v20, v7;
	[tilespmem:s1+$0xFFFFFFC0] =	vst v9;
	v9 =	vmul.f32 v60, v25;
	v28 =	vbroadcast v28, $0x0  }
0x57: {  	v27 =	vadd.s32 v27, v8;
	v25 =	vld [tilespmem:s31+$0x30];
	[tilespmem:s1+$0xFFFFFFD0] =	vst v10;
	v20 =	vbroadcast v20, $0x0;
	v10 =	vmul.f32 v11, v22  }
0x58: {  	v27 =	vbroadcast v27, $0x0;
	v22 =	vld [tilespmem:s31+$0x40];
	v11 =	vadd.s32 v29, v3;
	v12 =	vmul.f32 v12, v17;
	[tilespmem:s1+$0xFFFFFFE0] =	vst v9  }
0x59: {  	v62 =	vld [tilespmem:s31+$0x50];
	v17 =	vbroadcast v11, $0x0;
	v11 =	vadd.s32 v30, v2;
	[tilespmem:s1+$0xFFFFFFF0] =	vst v10;
	v13 =	vmul.f32 v13, v18  }
0x5a: {  	v63 =	vld [tilespmem:s31+$0x60];
	[tilespmem:s1+$0x0] =	vst v12;
	v12 =	vmul.f32 v24, v19;
	v16 =	vmul.f32 v57, v21;
	v21 =	vshll.u32 v56, v0  }
0x5b: {  	v18 =	vbroadcast v11, $0x0;
	v9 =	vld.idx.msk [tilespmem:v26+s15+$0x0], $0xffff;
	v11 =	vadd.s32 v21, v1;
	v21 =	vadd.s32 v4, v58;
	[tilespmem:s1+$0x10] =	vst v13  }
0x5c: {  	v13 =	vmul.f32 v25, v33;
	[tilespmem:s1+$0x20] =	vst v12;
	v25 =	vadd.s32 v61, v8;
	v10 =	vld.idx.msk [tilespmem:v23+s15+$0x0], $0xffff;
	v19 =	vbroadcast v11, $0x0  }
0x5d: {  	[tilespmem:s1+$0x70] =	vst v16;
	v24 =	vmul.f32 v22, v36;
	v11 =	vld.idx.msk [tilespmem:v20+s15+$0x0], $0xffff;
	v20 =	vbroadcast v21, $0x0;
	v21 =	vadd.s32 v34, v5  }
0x5e: {  	v22 =	vadd.s32 v35, v7;
	v23 =	vmul.f32 v62, v39;
	v12 =	vld.idx.msk [tilespmem:v27+s15+$0x0], $0xffff;
	[tilespmem:s1+$0x30] =	vst v13;
	v21 =	vbroadcast v21, $0x0  }
0x5f: {  	s0 =	simm.s32 $0x20;
	s25 =	simm.s32 $0x1F;
	v16 =	vshll.u32 v37, v0;
	v13 =	vld.idx.msk [tilespmem:v28+s15+$0x0], $0xffff;
	v22 =	vbroadcast v22, $0x0;
	[tilespmem:s1+$0x40] =	vst v24;
	v24 =	vmul.f32 v63, v40  }
.LBB2_3:
0x60: {  	p1 =	slt.u32 s0, $0x70;
	v17 =	vld.idx.msk [tilespmem:v17+s15+$0x0], $0xffff;
	v25 =	vbroadcast v25, $0x0;
	v16 =	vadd.s32 v16, v6;
	v26 =	vmov s25;
	[tilespmem:s1+$0x50] =	vst v23  }
0x61: {  	v15 =	vadd.s32 v15, v3;
	v18 =	vld.idx.msk [tilespmem:v18+s15+$0x0], $0xffff;
	v16 =	vbroadcast v16, $0x0;
	v23 =	vshrl.u32 v26, $0x3;
	[tilespmem:s1+$0x60] =	vst v24  }
0x62: {  	v14 =	vadd.s32 v14, v2;
	v15 =	vbroadcast v15, $0x0;
	v19 =	vld.idx.msk [tilespmem:v19+s15+$0x0], $0xffff;
	v23 =	vshll.u32 v23, v0  }
0x63: {  	s25 =	sadd.s32 $0x1, s0;
	v24 =	vmov s0;
	v14 =	vbroadcast v14, $0x0;
	v20 =	vld.idx.msk [tilespmem:v20+s15+$0x0], $0xffff;
	v23 =	vadd.s32 v23, v1  }
0x64: {  	s26 =	sadd.s32 $0x3, s0;
	s14 =	sadd.s32 $0x4, s0;
	v26 =	vmov s25;
	s25 =	sadd.s32 $0x2, s0;
	v24 =	vshrl.u32 v24, $0x3;
	v21 =	vld.idx.msk [tilespmem:v21+s15+$0x0], $0xffff;
	v23 =	vbroadcast v23, $0x0  }
0x65: {  	v28 =	vmov s26;
	v29 =	vmov s14;
	s14 =	sadd.s32 $0x5, s0;
	s26 =	sadd.s32 $0x7, s0;
	v27 =	vmov s25;
	s25 =	sadd.s32 $0x6, s0;
	v22 =	vld.idx.msk [tilespmem:v22+s15+$0x0], $0xffff  }
0x66: {  	v30 =	vmov s14;
	v32 =	vmov s26;
	s14 =	sadd.s32 $0x8, s0;
	s26 =	sadd.s32 $0xA, s0;
	v31 =	vmov s25;
	s25 =	sadd.s32 $0x9, s0;
	v25 =	vld.idx.msk [tilespmem:v25+s15+$0x0], $0xffff  }
0x67: {  	v33 =	vmov s14;
	v35 =	vmov s26;
	s14 =	sadd.s32 $0xB, s0;
	s26 =	sadd.s32 $0xD, s0;
	v34 =	vmov s25;
	s25 =	sadd.s32 $0xC, s0;
	v36 =	vld.idx.msk [tilespmem:v16+s15+$0x0], $0xffff  }
0x68: {  	v38 =	vmov s26;
	v37 =	vmov s25;
	v16 =	vmov s14;
	s14 =	sadd.s32 $0xE, s0;
	v39 =	vld.idx.msk [tilespmem:v15+s15+$0x0], $0xffff  }
0x69: {  	v15 =	vshll.u32 v24, v0;
	v24 =	vshrl.u32 v26, $0x3;
	v26 =	vmov s14;
	v40 =	vld.idx.msk [tilespmem:v14+s15+$0x0], $0xffff  }
0x6a: {  	s31 =	sadd.s32 $0x100, s31;
	v14 =	vshrl.u32 v27, $0x3;
	v27 =	vshrl.u32 v28, $0x3;
	v28 =	vshrl.u32 v29, $0x3;
	v23 =	vld.idx.msk [tilespmem:v23+s15+$0x0], $0xffff  }
0x6b: {  	v29 =	vshrl.u32 v30, $0x3;
	v30 =	vshrl.u32 v31, $0x3;
	v31 =	vshrl.u32 v32, $0x3;
	v32 =	vld [tilespmem:s31+$0x70]  }
0x6c: {  	v33 =	vshrl.u32 v33, $0x3;
	v35 =	vshrl.u32 v35, $0x3;
	v34 =	vshrl.u32 v34, $0x3;
	v41 =	vld [tilespmem:s31+$0xFFFFFF80]  }
0x6d: {  	v38 =	vshrl.u32 v38, $0x3;
	v37 =	vshrl.u32 v37, $0x3;
	v16 =	vshrl.u32 v16, $0x3;
	v42 =	vld [tilespmem:s31+$0xFFFFFF90]  }
0x6e: {  	v43 =	vadd.s32 v4, v15;
	v24 =	vshll.u32 v24, v0;
	v26 =	vshrl.u32 v26, $0x3;
	v15 =	vld [tilespmem:s31+$0xFFFFFFA0]  }
0x6f: {  	v44 =	vshll.u32 v14, v0;
	v27 =	vshll.u32 v27, v0;
	v28 =	vshll.u32 v28, v0;
	v45 =	vld [tilespmem:s31+$0xFFFFFFB0]  }
0x70: {  	v29 =	vshll.u32 v29, v0;
	v30 =	vshll.u32 v30, v0;
	v46 =	vld [tilespmem:s31+$0xFFFFFFC0];
	v14 =	vmul.f32 v32, v23  }
0x71: {  	s1 =	sadd.s32 $0x100, s1;
	v23 =	vshll.u32 v31, v0;
	v31 =	vshll.u32 v33, v0;
	v9 =	vmul.f32 v41, v9;
	v32 =	vld [tilespmem:s31+$0xFFFFFFD0]  }
0x72: {  	v33 =	vshll.u32 v34, v0;
	v34 =	vshll.u32 v35, v0;
	v10 =	vmul.f32 v42, v10;
	v35 =	vld [tilespmem:s31+$0xFFFFFFE0];
	[tilespmem:s1+$0x70] =	vst v14  }
0x73: {  	v41 =	vshll.u32 v16, v0;
	v16 =	vshll.u32 v37, v0;
	[tilespmem:s1+$0xFFFFFF80] =	vst v9;
	v9 =	vmul.f32 v15, v11;
	v11 =	vld [tilespmem:s31+$0xFFFFFFF0]  }
0x74: {  	v14 =	vshll.u32 v26, v0;
	v15 =	vshll.u32 v38, v0;
	[tilespmem:s1+$0xFFFFFF90] =	vst v10;
	v10 =	vmul.f32 v45, v12;
	v12 =	vld [tilespmem:s31+$0x0]  }
0x75: {  	v24 =	vadd.s32 v24, v5;
	v26 =	vbroadcast v43, $0x0;
	[tilespmem:s1+$0xFFFFFFA0] =	vst v9;
	v9 =	vmul.f32 v46, v13;
	v13 =	vld [tilespmem:s31+$0x10]  }
0x76: {  	v24 =	vbroadcast v24, $0x0;
	v37 =	vadd.s32 v44, v7;
	[tilespmem:s1+$0xFFFFFFB0] =	vst v10;
	v10 =	vmul.f32 v32, v17;
	v32 =	vld [tilespmem:s31+$0x20]  }
0x77: {  	v37 =	vbroadcast v37, $0x0;
	v17 =	vadd.s32 v27, v8;
	[tilespmem:s1+$0xFFFFFFC0] =	vst v9;
	v9 =	vmul.f32 v35, v18;
	v27 =	vld [tilespmem:s31+$0x30]  }
0x78: {  	v35 =	vbroadcast v17, $0x0;
	v17 =	vadd.s32 v28, v6;
	[tilespmem:s1+$0xFFFFFFD0] =	vst v10;
	v10 =	vmul.f32 v11, v19;
	v28 =	vld [tilespmem:s31+$0x40]  }
0x79: {  	v38 =	vbroadcast v17, $0x0;
	v11 =	vadd.s32 v29, v3;
	[tilespmem:s1+$0xFFFFFFE0] =	vst v9;
	v12 =	vmul.f32 v12, v20;
	v29 =	vld [tilespmem:s31+$0x50]  }
0x7a: {  	v17 =	vbroadcast v11, $0x0;
	v11 =	vadd.s32 v30, v2;
	[tilespmem:s1+$0xFFFFFFF0] =	vst v10;
	v13 =	vmul.f32 v13, v21;
	v30 =	vld [tilespmem:s31+$0x60]  }
.Ltmp0:
0x7b: {  	v18 =	vbroadcast v11, $0x0;
	v11 =	vadd.s32 v23, v1;
	v9 =	vld.idx.msk [tilespmem:v26+s15+$0x0], $0xffff;
	[tilespmem:s1+$0x0] =	vst v12;
	v12 =	vmul.f32 v32, v22;
	(pc) =	sbr.rel @p1 .LBB2_3-.Ltmp0, $4  }
0x7c: {  	v20 =	vadd.s32 v4, v31;
	v19 =	vbroadcast v11, $0x0;
	v10 =	vld.idx.msk [tilespmem:v24+s15+$0x0], $0xffff;
	[tilespmem:s1+$0x10] =	vst v13;
	v13 =	vmul.f32 v27, v25  }
0x7d: {  	v20 =	vbroadcast v20, $0x0;
	v21 =	vadd.s32 v33, v5;
	v11 =	vld.idx.msk [tilespmem:v37+s15+$0x0], $0xffff;
	[tilespmem:s1+$0x20] =	vst v12;
	v24 =	vmul.f32 v28, v36  }
0x7e: {  	v21 =	vbroadcast v21, $0x0;
	v22 =	vadd.s32 v34, v7;
	v12 =	vld.idx.msk [tilespmem:v35+s15+$0x0], $0xffff;
	[tilespmem:s1+$0x30] =	vst v13;
	v23 =	vmul.f32 v29, v39  }
0x7f: {  	s25 =	sadd.s32 $0xF, s0;
	s0 =	sadd.s32 $0x10, s0;
	v22 =	vbroadcast v22, $0x0;
	v25 =	vadd.s32 v41, v8;
	v13 =	vld.idx.msk [tilespmem:v38+s15+$0x0], $0xffff;
	[tilespmem:s1+$0x40] =	vst v24;
	v24 =	vmul.f32 v30, v40  }
0x80: {  	_ =	sdelay $0x3  }
0x81: {  	v4 =	vld.idx.msk [tilespmem:v17+s15+$0x0], $0xffff  }
0x82: {  	v8 =	vld.idx.msk [tilespmem:v18+s15+$0x0], $0xffff  }
0x83: {  	v7 =	vmov s25;
	v40 =	vld.idx.msk [tilespmem:v19+s15+$0x0], $0xffff  }
0x84: {  	v41 =	vld.idx.msk [tilespmem:v20+s15+$0x0], $0xffff;
	v7 =	vshrl.u32 v7, $0x3  }
0x85: {  	v42 =	vld.idx.msk [tilespmem:v21+s15+$0x0], $0xffff;
	v7 =	vshll.u32 v7, v0  }
0x86: {  	s0 =	sadd.s32 $0x100, s31;
	v43 =	vld.idx.msk [tilespmem:v22+s15+$0x0], $0xffff;
	v1 =	vadd.s32 v7, v1  }
0x87: {  	v44 =	vld [tilespmem:s0+$0x70];
	v1 =	vbroadcast v1, $0x0  }
0x88: {  	v45 =	vld [tilespmem:s0+$0xFFFFFF80]  }
0x89: {  	v46 =	vld [tilespmem:s0+$0xFFFFFF90]  }
0x8a: {  	v47 =	vld [tilespmem:s0+$0xFFFFFFA0]  }
0x8b: {  	v48 =	vld [tilespmem:s0+$0xFFFFFFB0]  }
0x8c: {  	v49 =	vld [tilespmem:s0+$0xFFFFFFC0]  }
0x8d: {  	v1 =	vld.idx.msk [tilespmem:v1+s15+$0x0], $0xffff  }
0x8e: {  	v50 =	vld [tilespmem:s0+$0xFFFFFFD0]  }
0x8f: {  	v51 =	vld [tilespmem:s0+$0xFFFFFFE0]  }
0x90: {  	v52 =	vld [tilespmem:s0+$0xFFFFFFF0]  }
0x91: {  	[tilespmem:s1+$0x50] =	vst v23;
	v54 =	vld [tilespmem:s0+$0x0];
	v9 =	vmul.f32 v45, v9  }
0x92: {  	v5 =	vbroadcast v25, $0x0;
	v6 =	vadd.s32 v16, v6;
	s26 =	sadd.s32 $0x100, s1;
	[tilespmem:s1+$0x60] =	vst v24;
	v55 =	vld [tilespmem:s0+$0x10];
	v1 =	vmul.f32 v44, v1  }
0x93: {  	v3 =	vadd.s32 v15, v3;
	v6 =	vbroadcast v6, $0x0;
	v56 =	vld [tilespmem:s0+$0x20];
	v10 =	vmul.f32 v46, v10;
	[tilespmem:s26+$0xFFFFFF80] =	vst v9  }
0x94: {  	v2 =	vadd.s32 v14, v2;
	v3 =	vbroadcast v3, $0x0;
	v57 =	vld [tilespmem:s0+$0x30];
	[tilespmem:s26+$0x70] =	vst v1;
	v1 =	vmul.f32 v47, v11  }
0x95: {  	v2 =	vbroadcast v2, $0x0;
	v59 =	vld [tilespmem:s0+$0x40];
	v53 =	vmul.f32 v48, v12;
	[tilespmem:s26+$0xFFFFFF90] =	vst v10  }
0x96: {  	v60 =	vld [tilespmem:s0+$0x50];
	[tilespmem:s26+$0xFFFFFFA0] =	vst v1;
	v1 =	vmul.f32 v49, v13  }
0x97: {  	v62 =	vld [tilespmem:s0+$0x60];
	v4 =	vmul.f32 v50, v4;
	[tilespmem:s26+$0xFFFFFFB0] =	vst v53  }
0x98: {  	v5 =	vld.idx.msk [tilespmem:v5+s15+$0x0], $0xffff;
	[tilespmem:s26+$0xFFFFFFC0] =	vst v1;
	v1 =	vmul.f32 v51, v8  }
0x99: {  	v58 =	vmul.f32 v52, v40;
	v6 =	vld.idx.msk [tilespmem:v6+s15+$0x0], $0xffff;
	[tilespmem:s26+$0xFFFFFFD0] =	vst v4  }
0x9a: {  	v3 =	vld.idx.msk [tilespmem:v3+s15+$0x0], $0xffff;
	[tilespmem:s26+$0xFFFFFFE0] =	vst v1;
	v1 =	vmul.f32 v54, v41  }
0x9b: {  	v61 =	vmul.f32 v55, v42;
	v2 =	vld.idx.msk [tilespmem:v2+s15+$0x0], $0xffff;
	[tilespmem:s26+$0xFFFFFFF0] =	vst v58  }
0x9c: {  	[tilespmem:s26+$0x0] =	vst v1;
	v1 =	vmul.f32 v56, v43  }
0x9d: {  	[tilespmem:s26+$0x10] =	vst v61;
	v63 =	vmul.f32 v57, v5  }
0x9e: {  	p1 =	sne.s32 s29, $0x26;
	[tilespmem:s26+$0x20] =	vst v1;
	v1 =	vmul.f32 v59, v6  }
.Ltmp1:
0x9f: {  	v3 =	vmul.f32 v60, v3;
	[tilespmem:s26+$0x30] =	vst v63;
	(pc) =	sbr.rel @p1 .LBB2_6-.Ltmp1, $4  }
0xa0: {  	[tilespmem:s26+$0x40] =	vst v1;
	v1 =	vmul.f32 v62, v2  }
0xa1: {  	s31 =	sshll.u32 s29, $0xA;
	[tilespmem:s26+$0x50] =	vst v3  }
0xa2: {  	s0 =	sshrl.u32 s31, $0x2;
	[tilespmem:s26+$0x60] =	vst v1  }
0xa3: {  	[spmem:s3] =	stream.indirect.scatter.add.f32 [tilespmem:s20], [sflag:$0x3], $0x10, s0, s16, $0xb8;
	[tilespmem:$0xE680] =	vst v63  }
.Ltmp2:
0xa4: {  	(pc) =	sbr.rel .LBB2_7-.Ltmp2, $4  }
0xa5: {  	_ = 	snop  }
0xa6: {  	_ =	swait.ge [sflag:s21], $0x800  }
0xa7: {  	[sflag:s21] =	ssyncset.done $0x0  }
0xa8: {  	[sflag:s21] =	ssyncadd.s32 $0xFFFFF800  }
.LBB2_6:
.Ltmp3:
0xa9: {  	s0 =	sadd.s32 $0x2880, s0;
	(pc) =	sbr.rel @p0 .LBB2_8-.Ltmp3, $4  }
0xaa: {  	[tilespmem:s17], [sflag:$0x1] =	stream.indirect.gather [hbm4b:s2+s16], $0x10, s0, s16, $0xb8;
	[tilespmem:$0xE680] =	vst v63  }
0xab: {  	_ =	swait.ge [sflag:s21], $0x800  }
0xac: {  	[sflag:s21] =	ssyncset.done $0x0  }
0xad: {  	[sflag:s21] =	ssyncadd.s32 $0xFFFFF800  }
.LBB2_7:
0xae: {  	_ =	swait.ge [sflag:s22], $0x800  }
0xaf: {  	[sflag:s22] =	ssyncset.done $0x0  }
0xb0: {  	[sflag:s22] =	ssyncadd.s32 $0xFFFFF800  }
.LBB2_8:
0xb1: {  	v4 =	vmov s30  }
0xb2: {  	s0 =	simm.s32 $0x0;
	v5 =	vor.u32 $0x1, v4;
	v7 =	vor.u32 $0x2, v4;
	v8 =	vor.u32 $0x3, v4  }
0xb3: {  	s25 =	simm.s32 $0x1;
	v6 =	vor.u32 $0x4, v4;
	v3 =	vor.u32 $0x5, v4;
	v9 =	vmov s0  }
0xb4: {  	s1 =	simm.s32 $0x2;
	s14 =	simm.s32 $0x3;
	s26 =	simm.s32 $0x4;
	v2 =	vor.u32 $0x6, v4;
	v1 =	vor.u32 $0x7, v4;
	v10 =	vmov s25  }
0xb5: {  	v11 =	vmov s1;
	v12 =	vmov s14;
	s14 =	simm.s32 $0x5;
	s25 =	simm.s32 $0x6;
	v13 =	vmov s26  }
0xb6: {  	s26 =	simm.s32 $0x7;
	v9 =	vshrl.u32 v9, $0x3;
	v14 =	vmov s14;
	v15 =	vmov s25  }
0xb7: {  	s1 =	simm.s32 $0x11;
	v16 =	vmov s26;
	v10 =	vshrl.u32 v10, $0x3;
	v11 =	vshrl.u32 v11, $0x3  }
0xb8: {  	s14 =	simm.s32 $0x8;
	s25 =	simm.s32 $0x9;
	s26 =	simm.s32 $0xA;
	v12 =	vshrl.u32 v12, $0x3;
	v13 =	vshrl.u32 v13, $0x3;
	v26 =	vmov s1  }
0xb9: {  	v17 =	vmov s14;
	v18 =	vmov s25;
	v19 =	vmov s26  }
0xba: {  	v9 =	vshll.u32 v9, v0;
	v14 =	vshrl.u32 v14, $0x3;
	v15 =	vshrl.u32 v15, $0x3  }
0xbb: {  	s14 =	simm.s32 $0xB;
	v16 =	vshrl.u32 v16, $0x3;
	v10 =	vshll.u32 v10, v0;
	v11 =	vshll.u32 v11, v0  }
0xbc: {  	s25 =	simm.s32 $0xC;
	s26 =	simm.s32 $0xD;
	v12 =	vshll.u32 v12, v0;
	v13 =	vshll.u32 v13, v0;
	v20 =	vmov s14  }
0xbd: {  	v21 =	vmov s25;
	v22 =	vmov s26;
	v17 =	vshrl.u32 v17, $0x3  }
0xbe: {  	v18 =	vshrl.u32 v18, $0x3;
	v19 =	vshrl.u32 v19, $0x3;
	v9 =	vadd.s32 v4, v9  }
0xbf: {  	v10 =	vadd.s32 v10, v5;
	v14 =	vshll.u32 v14, v0;
	v11 =	vadd.s32 v11, v7  }
0xc0: {  	s14 =	simm.s32 $0xE;
	v15 =	vshll.u32 v15, v0;
	v12 =	vadd.s32 v12, v8;
	v16 =	vshll.u32 v16, v0  }
0xc1: {  	v13 =	vadd.s32 v13, v6;
	v23 =	vmov s14;
	v20 =	vshrl.u32 v20, $0x3  }
0xc2: {  	v21 =	vshrl.u32 v21, $0x3;
	v9 =	vbroadcast v9, $0x0;
	v10 =	vbroadcast v10, $0x0  }
0xc3: {  	v22 =	vshrl.u32 v22, $0x3;
	v11 =	vbroadcast v11, $0x0;
	v12 =	vbroadcast v12, $0x0  }
0xc4: {  	s31 =	simm.s32 $0x7F00;
	v17 =	vshll.u32 v17, v0;
	v13 =	vbroadcast v13, $0x0;
	v14 =	vadd.s32 v14, v3  }
0xc5: {  	v57 =	vld [tilespmem:s31+$0x70];
	v18 =	vshll.u32 v18, v0;
	v15 =	vadd.s32 v15, v2;
	v19 =	vshll.u32 v19, v0  }
0xc6: {  	v41 =	vld [tilespmem:s31+$0xFFFFFF80];
	v16 =	vadd.s32 v16, v1;
	v23 =	vshrl.u32 v23, $0x3;
	v14 =	vbroadcast v14, $0x0  }
0xc7: {  	v42 =	vld [tilespmem:s31+$0xFFFFFF90];
	v15 =	vbroadcast v15, $0x0;
	v20 =	vshll.u32 v20, v0;
	v16 =	vbroadcast v16, $0x0  }
0xc8: {  	v44 =	vld [tilespmem:s31+$0xFFFFFFA0];
	s14 =	simm.s32 $0x12;
	v17 =	vadd.s32 v4, v17;
	v21 =	vshll.u32 v21, v0;
	v18 =	vadd.s32 v18, v5  }
0xc9: {  	v45 =	vld [tilespmem:s31+$0xFFFFFFB0];
	v22 =	vshll.u32 v22, v0;
	v19 =	vadd.s32 v19, v7;
	v27 =	vmov s14  }
0xca: {  	v46 =	vld [tilespmem:s31+$0xFFFFFFC0];
	s14 =	simm.s32 $0x15;
	v17 =	vbroadcast v17, $0x0;
	v18 =	vbroadcast v18, $0x0;
	v23 =	vshll.u32 v23, v0  }
0xcb: {  	v59 =	vld [tilespmem:s31+$0xFFFFFFD0];
	v19 =	vbroadcast v19, $0x0;
	v20 =	vadd.s32 v20, v8;
	v30 =	vmov s14  }
0xcc: {  	s25 =	simm.s32 $0xF;
	v54 =	vshrl.u32 v30, $0x3;
	v24 =	vld.idx.msk [tilespmem:v14+s15+$0x0], $0xffff;
	v14 =	vbroadcast v20, $0x0;
	v20 =	vadd.s32 v21, v6  }
0xcd: {  	v21 =	vmov s25;
	v25 =	vld.idx.msk [tilespmem:v15+s15+$0x0], $0xffff;
	s25 =	simm.s32 $0x13;
	v15 =	vbroadcast v20, $0x0;
	v20 =	vadd.s32 v22, v3  }
0xce: {  	s26 =	simm.s32 $0x10;
	v21 =	vshrl.u32 v21, $0x3;
	v22 =	vld.idx.msk [tilespmem:v16+s15+$0x0], $0xffff;
	v28 =	vmov s25;
	v16 =	vbroadcast v20, $0x0  }
0xcf: {  	v9 =	vld.idx.msk [tilespmem:v9+s15+$0x0], $0xffff;
	s25 =	simm.s32 $0x16;
	v20 =	vadd.s32 v23, v2;
	v21 =	vshll.u32 v21, v0;
	v23 =	vmov s26  }
0xd0: {  	v10 =	vld.idx.msk [tilespmem:v10+s15+$0x0], $0xffff;
	s26 =	simm.s32 $0x14;
	v31 =	vmov s25;
	s25 =	simm.s32 $0x19;
	v20 =	vbroadcast v20, $0x0;
	v21 =	vadd.s32 v21, v1  }
0xd1: {  	v60 =	vld [tilespmem:s31+$0xFFFFFFE0];
	v23 =	vshrl.u32 v23, $0x3;
	v29 =	vmov s26;
	s26 =	simm.s32 $0x17;
	v34 =	vmov s25  }
0xd2: {  	v11 =	vld.idx.msk [tilespmem:v11+s15+$0x0], $0xffff;
	s25 =	simm.s32 $0x1D;
	v55 =	vshrl.u32 v31, $0x3;
	v21 =	vbroadcast v21, $0x0;
	v32 =	vmov s26  }
0xd3: {  	v12 =	vld.idx.msk [tilespmem:v12+s15+$0x0], $0xffff;
	v38 =	vmov s25;
	v53 =	vshrl.u32 v29, $0x3;
	v34 =	vshrl.u32 v34, $0x3  }
0xd4: {  	v13 =	vld.idx.msk [tilespmem:v13+s15+$0x0], $0xffff;
	s26 =	simm.s32 $0x1A;
	v29 =	vshll.u32 v54, v0;
	v30 =	vshll.u32 v55, v0;
	v9 =	vmul.f32 v41, v9  }
0xd5: {  	s14 =	simm.s32 $0x18;
	v17 =	vld.idx.msk [tilespmem:v17+s15+$0x0], $0xffff;
	v10 =	vmul.f32 v42, v10;
	v35 =	vmov s26;
	v56 =	vshrl.u32 v32, $0x3  }
0xd6: {  	s1 =	simm.s32 $0x1B;
	v38 =	vshrl.u32 v38, $0x3;
	v34 =	vshll.u32 v34, v0;
	v33 =	vld.idx.msk [tilespmem:v14+s15+$0x0], $0xffff;
	v14 =	vmov s14;
	s14 =	simm.s32 $0x1C  }
0xd7: {  	v35 =	vshrl.u32 v35, $0x3;
	v36 =	vld.idx.msk [tilespmem:v15+s15+$0x0], $0xffff;
	v15 =	vmov s1;
	v37 =	vmov s14  }
0xd8: {  	s26 =	simm.s32 $0x1E;
	v14 =	vshrl.u32 v14, $0x3;
	v35 =	vshll.u32 v35, v0;
	v39 =	vld.idx.msk [tilespmem:v16+s15+$0x0], $0xffff;
	v16 =	vshll.u32 v23, v0  }
0xd9: {  	v18 =	vld.idx.msk [tilespmem:v18+s15+$0x0], $0xffff;
	s1 =	simm.s32 $0x8F00;
	v23 =	vshrl.u32 v26, $0x3;
	v26 =	vmov s26;
	v15 =	vshrl.u32 v15, $0x3  }
0xda: {  	v19 =	vld.idx.msk [tilespmem:v19+s15+$0x0], $0xffff;
	v37 =	vshrl.u32 v37, $0x3;
	v58 =	vshll.u32 v14, v0;
	[tilespmem:s1+$0xFFFFFF80] =	vst v9;
	v9 =	vmul.f32 v44, v11  }
0xdb: {  	[tilespmem:s1+$0xFFFFFF90] =	vst v10;
	v10 =	vmul.f32 v45, v12;
	v40 =	vld.idx.msk [tilespmem:v20+s15+$0x0], $0xffff;
	v20 =	vshrl.u32 v27, $0x3;
	v27 =	vshrl.u32 v28, $0x3  }
0xdc: {  	v11 =	vld [tilespmem:s31+$0xFFFFFFF0];
	v43 =	vadd.s32 v4, v16;
	v23 =	vshll.u32 v23, v0;
	v26 =	vshrl.u32 v26, $0x3  }
0xdd: {  	v12 =	vld [tilespmem:s31+$0x0];
	v28 =	vshll.u32 v53, v0;
	v61 =	vshll.u32 v15, v0;
	v15 =	vshll.u32 v38, v0  }
0xde: {  	v21 =	vld.idx.msk [tilespmem:v21+s15+$0x0], $0xffff;
	v20 =	vshll.u32 v20, v0;
	v27 =	vshll.u32 v27, v0;
	v14 =	vshll.u32 v26, v0  }
0xdf: {  	v26 =	vbroadcast v43, $0x0;
	v23 =	vadd.s32 v23, v5;
	[tilespmem:s1+$0xFFFFFFA0] =	vst v9;
	v9 =	vmul.f32 v46, v13;
	v13 =	vld [tilespmem:s31+$0x10]  }
0xe0: {  	[tilespmem:s1+$0xFFFFFFB0] =	vst v10;
	v10 =	vmul.f32 v59, v24;
	v24 =	vld [tilespmem:s31+$0x20];
	v28 =	vadd.s32 v28, v6;
	v23 =	vbroadcast v23, $0x0  }
0xe1: {  	v20 =	vadd.s32 v20, v7;
	v28 =	vbroadcast v28, $0x0;
	[tilespmem:s1+$0xFFFFFFC0] =	vst v9;
	v9 =	vmul.f32 v60, v25  }
0xe2: {  	v27 =	vadd.s32 v27, v8;
	v20 =	vbroadcast v20, $0x0;
	v25 =	vld [tilespmem:s31+$0x30];
	[tilespmem:s1+$0xFFFFFFD0] =	vst v10;
	v10 =	vmul.f32 v11, v22  }
0xe3: {  	v27 =	vbroadcast v27, $0x0;
	v22 =	vld [tilespmem:s31+$0x40];
	v11 =	vadd.s32 v29, v3;
	v12 =	vmul.f32 v12, v17;
	[tilespmem:s1+$0xFFFFFFE0] =	vst v9  }
0xe4: {  	v62 =	vld [tilespmem:s31+$0x50];
	v17 =	vbroadcast v11, $0x0;
	v11 =	vadd.s32 v30, v2;
	v16 =	vmul.f32 v57, v21;
	[tilespmem:s1+$0xFFFFFFF0] =	vst v10  }
0xe5: {  	v63 =	vld [tilespmem:s31+$0x60];
	v21 =	vshll.u32 v56, v0;
	v13 =	vmul.f32 v13, v18;
	[tilespmem:s1+$0x0] =	vst v12;
	v12 =	vmul.f32 v24, v19  }
0xe6: {  	v18 =	vbroadcast v11, $0x0;
	v9 =	vld.idx.msk [tilespmem:v26+s15+$0x0], $0xffff;
	v11 =	vadd.s32 v21, v1;
	v21 =	vadd.s32 v4, v58;
	[tilespmem:s1+$0x70] =	vst v16  }
0xe7: {  	v16 =	vshll.u32 v37, v0;
	v10 =	vld.idx.msk [tilespmem:v23+s15+$0x0], $0xffff;
	v19 =	vbroadcast v11, $0x0;
	[tilespmem:s1+$0x10] =	vst v13;
	v13 =	vmul.f32 v25, v33  }
0xe8: {  	[tilespmem:s1+$0x20] =	vst v12;
	v11 =	vld.idx.msk [tilespmem:v20+s15+$0x0], $0xffff;
	v20 =	vbroadcast v21, $0x0;
	v21 =	vadd.s32 v34, v5;
	v24 =	vmul.f32 v22, v36  }
0xe9: {  	v23 =	vmul.f32 v62, v39;
	v12 =	vld.idx.msk [tilespmem:v27+s15+$0x0], $0xffff;
	v22 =	vadd.s32 v35, v7;
	v21 =	vbroadcast v21, $0x0;
	[tilespmem:s1+$0x30] =	vst v13  }
0xea: {  	s29 =	sadd.s32 $0x1, s29;
	s0 =	simm.s32 $0x20;
	s25 =	simm.s32 $0x1F;
	v25 =	vadd.s32 v61, v8;
	v13 =	vld.idx.msk [tilespmem:v28+s15+$0x0], $0xffff;
	v22 =	vbroadcast v22, $0x0;
	[tilespmem:s1+$0x40] =	vst v24;
	v24 =	vmul.f32 v63, v40  }
.LBB2_9:
0xeb: {  	p0 =	slt.u32 s0, $0x70;
	v17 =	vld.idx.msk [tilespmem:v17+s15+$0x0], $0xffff;
	v25 =	vbroadcast v25, $0x0;
	v16 =	vadd.s32 v16, v6;
	v26 =	vmov s25;
	[tilespmem:s1+$0x50] =	vst v23  }
0xec: {  	v15 =	vadd.s32 v15, v3;
	v18 =	vld.idx.msk [tilespmem:v18+s15+$0x0], $0xffff;
	v16 =	vbroadcast v16, $0x0;
	v23 =	vshrl.u32 v26, $0x3;
	[tilespmem:s1+$0x60] =	vst v24  }
0xed: {  	v14 =	vadd.s32 v14, v2;
	v15 =	vbroadcast v15, $0x0;
	v19 =	vld.idx.msk [tilespmem:v19+s15+$0x0], $0xffff;
	v23 =	vshll.u32 v23, v0  }
0xee: {  	s14 =	sadd.s32 $0x1, s0;
	v24 =	vmov s0;
	v14 =	vbroadcast v14, $0x0;
	v20 =	vld.idx.msk [tilespmem:v20+s15+$0x0], $0xffff;
	v23 =	vadd.s32 v23, v1  }
0xef: {  	s25 =	sadd.s32 $0x3, s0;
	s26 =	sadd.s32 $0x4, s0;
	v26 =	vmov s14;
	s14 =	sadd.s32 $0x2, s0;
	v24 =	vshrl.u32 v24, $0x3;
	v21 =	vld.idx.msk [tilespmem:v21+s15+$0x0], $0xffff;
	v23 =	vbroadcast v23, $0x0  }
0xf0: {  	v28 =	vmov s25;
	v29 =	vmov s26;
	s25 =	sadd.s32 $0x6, s0;
	s26 =	sadd.s32 $0x7, s0;
	v27 =	vmov s14;
	s14 =	sadd.s32 $0x5, s0;
	v22 =	vld.idx.msk [tilespmem:v22+s15+$0x0], $0xffff  }
0xf1: {  	v31 =	vmov s25;
	v32 =	vmov s26;
	s25 =	sadd.s32 $0x9, s0;
	s26 =	sadd.s32 $0xA, s0;
	v30 =	vmov s14;
	s14 =	sadd.s32 $0x8, s0;
	v25 =	vld.idx.msk [tilespmem:v25+s15+$0x0], $0xffff  }
0xf2: {  	v34 =	vmov s25;
	v35 =	vmov s26;
	s25 =	sadd.s32 $0xC, s0;
	s26 =	sadd.s32 $0xD, s0;
	v33 =	vmov s14;
	s14 =	sadd.s32 $0xB, s0;
	v36 =	vld.idx.msk [tilespmem:v16+s15+$0x0], $0xffff  }
0xf3: {  	v37 =	vmov s25;
	v38 =	vmov s26;
	v16 =	vmov s14;
	s14 =	sadd.s32 $0xE, s0;
	v39 =	vld.idx.msk [tilespmem:v15+s15+$0x0], $0xffff  }
0xf4: {  	v15 =	vshll.u32 v24, v0;
	v24 =	vshrl.u32 v26, $0x3;
	v26 =	vmov s14;
	v40 =	vld.idx.msk [tilespmem:v14+s15+$0x0], $0xffff  }
0xf5: {  	s31 =	sadd.s32 $0x100, s31;
	v14 =	vshrl.u32 v27, $0x3;
	v27 =	vshrl.u32 v28, $0x3;
	v28 =	vshrl.u32 v29, $0x3;
	v23 =	vld.idx.msk [tilespmem:v23+s15+$0x0], $0xffff  }
0xf6: {  	v29 =	vshrl.u32 v30, $0x3;
	v30 =	vshrl.u32 v31, $0x3;
	v31 =	vshrl.u32 v32, $0x3;
	v32 =	vld [tilespmem:s31+$0x70]  }
0xf7: {  	v34 =	vshrl.u32 v34, $0x3;
	v35 =	vshrl.u32 v35, $0x3;
	v33 =	vshrl.u32 v33, $0x3;
	v41 =	vld [tilespmem:s31+$0xFFFFFF80]  }
0xf8: {  	v37 =	vshrl.u32 v37, $0x3;
	v38 =	vshrl.u32 v38, $0x3;
	v16 =	vshrl.u32 v16, $0x3;
	v42 =	vld [tilespmem:s31+$0xFFFFFF90]  }
0xf9: {  	v43 =	vadd.s32 v4, v15;
	v24 =	vshll.u32 v24, v0;
	v26 =	vshrl.u32 v26, $0x3;
	v15 =	vld [tilespmem:s31+$0xFFFFFFA0]  }
0xfa: {  	v44 =	vshll.u32 v14, v0;
	v27 =	vshll.u32 v27, v0;
	v28 =	vshll.u32 v28, v0;
	v45 =	vld [tilespmem:s31+$0xFFFFFFB0]  }
0xfb: {  	v29 =	vshll.u32 v29, v0;
	v30 =	vshll.u32 v30, v0;
	v46 =	vld [tilespmem:s31+$0xFFFFFFC0];
	v14 =	vmul.f32 v32, v23  }
0xfc: {  	s1 =	sadd.s32 $0x100, s1;
	v23 =	vshll.u32 v31, v0;
	v31 =	vshll.u32 v33, v0;
	v9 =	vmul.f32 v41, v9;
	v32 =	vld [tilespmem:s31+$0xFFFFFFD0]  }
0xfd: {  	v33 =	vshll.u32 v34, v0;
	v34 =	vshll.u32 v35, v0;
	v10 =	vmul.f32 v42, v10;
	v35 =	vld [tilespmem:s31+$0xFFFFFFE0];
	[tilespmem:s1+$0x70] =	vst v14  }
0xfe: {  	v41 =	vshll.u32 v16, v0;
	v16 =	vshll.u32 v37, v0;
	[tilespmem:s1+$0xFFFFFF80] =	vst v9;
	v9 =	vmul.f32 v15, v11;
	v11 =	vld [tilespmem:s31+$0xFFFFFFF0]  }
0xff: {  	v14 =	vshll.u32 v26, v0;
	v15 =	vshll.u32 v38, v0;
	[tilespmem:s1+$0xFFFFFF90] =	vst v10;
	v10 =	vmul.f32 v45, v12;
	v12 =	vld [tilespmem:s31+$0x0]  }
0x100: {  	v24 =	vadd.s32 v24, v5;
	v26 =	vbroadcast v43, $0x0;
	[tilespmem:s1+$0xFFFFFFA0] =	vst v9;
	v9 =	vmul.f32 v46, v13;
	v13 =	vld [tilespmem:s31+$0x10]  }
0x101: {  	v24 =	vbroadcast v24, $0x0;
	v37 =	vadd.s32 v44, v7;
	[tilespmem:s1+$0xFFFFFFB0] =	vst v10;
	v10 =	vmul.f32 v32, v17;
	v32 =	vld [tilespmem:s31+$0x20]  }
0x102: {  	v37 =	vbroadcast v37, $0x0;
	v17 =	vadd.s32 v27, v8;
	[tilespmem:s1+$0xFFFFFFC0] =	vst v9;
	v9 =	vmul.f32 v35, v18;
	v27 =	vld [tilespmem:s31+$0x30]  }
0x103: {  	v35 =	vbroadcast v17, $0x0;
	v17 =	vadd.s32 v28, v6;
	[tilespmem:s1+$0xFFFFFFD0] =	vst v10;
	v10 =	vmul.f32 v11, v19;
	v28 =	vld [tilespmem:s31+$0x40]  }
0x104: {  	v38 =	vbroadcast v17, $0x0;
	v11 =	vadd.s32 v29, v3;
	[tilespmem:s1+$0xFFFFFFE0] =	vst v9;
	v12 =	vmul.f32 v12, v20;
	v29 =	vld [tilespmem:s31+$0x50]  }
0x105: {  	v17 =	vbroadcast v11, $0x0;
	v11 =	vadd.s32 v30, v2;
	[tilespmem:s1+$0xFFFFFFF0] =	vst v10;
	v13 =	vmul.f32 v13, v21;
	v30 =	vld [tilespmem:s31+$0x60]  }
.Ltmp4:
0x106: {  	v18 =	vbroadcast v11, $0x0;
	v11 =	vadd.s32 v23, v1;
	v9 =	vld.idx.msk [tilespmem:v26+s15+$0x0], $0xffff;
	[tilespmem:s1+$0x0] =	vst v12;
	v12 =	vmul.f32 v32, v22;
	(pc) =	sbr.rel @p0 .LBB2_9-.Ltmp4, $4  }
0x107: {  	v20 =	vadd.s32 v4, v31;
	v19 =	vbroadcast v11, $0x0;
	v10 =	vld.idx.msk [tilespmem:v24+s15+$0x0], $0xffff;
	[tilespmem:s1+$0x10] =	vst v13;
	v13 =	vmul.f32 v27, v25  }
0x108: {  	v20 =	vbroadcast v20, $0x0;
	v21 =	vadd.s32 v33, v5;
	v11 =	vld.idx.msk [tilespmem:v37+s15+$0x0], $0xffff;
	[tilespmem:s1+$0x20] =	vst v12;
	v24 =	vmul.f32 v28, v36  }
0x109: {  	v21 =	vbroadcast v21, $0x0;
	v22 =	vadd.s32 v34, v7;
	v12 =	vld.idx.msk [tilespmem:v35+s15+$0x0], $0xffff;
	[tilespmem:s1+$0x30] =	vst v13;
	v23 =	vmul.f32 v29, v39  }
0x10a: {  	s25 =	sadd.s32 $0xF, s0;
	s0 =	sadd.s32 $0x10, s0;
	v22 =	vbroadcast v22, $0x0;
	v25 =	vadd.s32 v41, v8;
	v13 =	vld.idx.msk [tilespmem:v38+s15+$0x0], $0xffff;
	[tilespmem:s1+$0x40] =	vst v24;
	v24 =	vmul.f32 v30, v40  }
0x10b: {  	_ =	sdelay $0x3  }
0x10c: {  	v4 =	vld.idx.msk [tilespmem:v17+s15+$0x0], $0xffff  }
0x10d: {  	v8 =	vld.idx.msk [tilespmem:v18+s15+$0x0], $0xffff  }
0x10e: {  	v7 =	vmov s25;
	v40 =	vld.idx.msk [tilespmem:v19+s15+$0x0], $0xffff  }
0x10f: {  	v41 =	vld.idx.msk [tilespmem:v20+s15+$0x0], $0xffff;
	v7 =	vshrl.u32 v7, $0x3  }
0x110: {  	v42 =	vld.idx.msk [tilespmem:v21+s15+$0x0], $0xffff;
	v7 =	vshll.u32 v7, v0  }
0x111: {  	s0 =	sadd.s32 $0x100, s31;
	v43 =	vld.idx.msk [tilespmem:v22+s15+$0x0], $0xffff;
	v1 =	vadd.s32 v7, v1  }
0x112: {  	v44 =	vld [tilespmem:s0+$0x70];
	v1 =	vbroadcast v1, $0x0  }
0x113: {  	v45 =	vld [tilespmem:s0+$0xFFFFFF80]  }
0x114: {  	v46 =	vld [tilespmem:s0+$0xFFFFFF90]  }
0x115: {  	v47 =	vld [tilespmem:s0+$0xFFFFFFA0]  }
0x116: {  	v48 =	vld [tilespmem:s0+$0xFFFFFFB0]  }
0x117: {  	v49 =	vld [tilespmem:s0+$0xFFFFFFC0]  }
0x118: {  	v1 =	vld.idx.msk [tilespmem:v1+s15+$0x0], $0xffff  }
0x119: {  	v50 =	vld [tilespmem:s0+$0xFFFFFFD0]  }
0x11a: {  	v51 =	vld [tilespmem:s0+$0xFFFFFFE0]  }
0x11b: {  	v52 =	vld [tilespmem:s0+$0xFFFFFFF0]  }
0x11c: {  	[tilespmem:s1+$0x50] =	vst v23;
	v54 =	vld [tilespmem:s0+$0x0];
	v9 =	vmul.f32 v45, v9  }
0x11d: {  	v5 =	vbroadcast v25, $0x0;
	v6 =	vadd.s32 v16, v6;
	s31 =	sadd.s32 $0x100, s1;
	[tilespmem:s1+$0x60] =	vst v24;
	v55 =	vld [tilespmem:s0+$0x10];
	v1 =	vmul.f32 v44, v1  }
0x11e: {  	v3 =	vadd.s32 v15, v3;
	v6 =	vbroadcast v6, $0x0;
	v56 =	vld [tilespmem:s0+$0x20];
	v10 =	vmul.f32 v46, v10;
	[tilespmem:s31+$0xFFFFFF80] =	vst v9  }
0x11f: {  	v2 =	vadd.s32 v14, v2;
	v3 =	vbroadcast v3, $0x0;
	v57 =	vld [tilespmem:s0+$0x30];
	[tilespmem:s31+$0x70] =	vst v1;
	v1 =	vmul.f32 v47, v11  }
0x120: {  	v2 =	vbroadcast v2, $0x0;
	v59 =	vld [tilespmem:s0+$0x40];
	v53 =	vmul.f32 v48, v12;
	[tilespmem:s31+$0xFFFFFF90] =	vst v10  }
0x121: {  	v60 =	vld [tilespmem:s0+$0x50];
	[tilespmem:s31+$0xFFFFFFA0] =	vst v1;
	v1 =	vmul.f32 v49, v13  }
0x122: {  	v62 =	vld [tilespmem:s0+$0x60];
	v4 =	vmul.f32 v50, v4;
	[tilespmem:s31+$0xFFFFFFB0] =	vst v53  }
0x123: {  	v5 =	vld.idx.msk [tilespmem:v5+s15+$0x0], $0xffff;
	[tilespmem:s31+$0xFFFFFFC0] =	vst v1;
	v1 =	vmul.f32 v51, v8  }
0x124: {  	v58 =	vmul.f32 v52, v40;
	v6 =	vld.idx.msk [tilespmem:v6+s15+$0x0], $0xffff;
	[tilespmem:s31+$0xFFFFFFD0] =	vst v4  }
0x125: {  	v3 =	vld.idx.msk [tilespmem:v3+s15+$0x0], $0xffff;
	[tilespmem:s31+$0xFFFFFFE0] =	vst v1;
	v1 =	vmul.f32 v54, v41  }
0x126: {  	v61 =	vmul.f32 v55, v42;
	v2 =	vld.idx.msk [tilespmem:v2+s15+$0x0], $0xffff;
	[tilespmem:s31+$0xFFFFFFF0] =	vst v58  }
0x127: {  	[tilespmem:s31+$0x0] =	vst v1;
	v1 =	vmul.f32 v56, v43  }
0x128: {  	[tilespmem:s31+$0x10] =	vst v61;
	v63 =	vmul.f32 v57, v5  }
0x129: {  	p0 =	sne.s32 s29, $0x27;
	[tilespmem:s31+$0x20] =	vst v1;
	v1 =	vmul.f32 v59, v6  }
.Ltmp5:
0x12a: {  	v3 =	vmul.f32 v60, v3;
	[tilespmem:s31+$0x30] =	vst v63;
	(pc) =	sbr.rel @p0 .LBB2_2-.Ltmp5, $4  }
0x12b: {  	[tilespmem:s31+$0x40] =	vst v1;
	v1 =	vmul.f32 v62, v2  }
0x12c: {  	[tilespmem:s31+$0x50] =	vst v3  }
0x12d: {  	[tilespmem:s31+$0x60] =	vst v1  }
0x12e: {  	[spmem:s3] =	stream.indirect.scatter.add.f32 [tilespmem:s23], [sflag:$0x4], $0x10, s30, s16, $0xb8;
	[tilespmem:$0xE680] =	vst v63  }
0x12f: {  	s0 =	simm.s32 $0x0;
	s25 =	simm.s32 $0x1  }
0x130: {  	s1 =	simm.s32 $0x2;
	s14 =	simm.s32 $0x3;
	s26 =	simm.s32 $0x4;
	v1 =	vmov s0;
	v2 =	vmov s25  }
0x131: {  	s30 =	simm.s32 $0x5;
	s31 =	simm.s32 $0x6;
	v3 =	vmov s1;
	v4 =	vmov s14;
	v5 =	vmov s26  }
0x132: {  	s25 =	simm.s32 $0x7;
	v6 =	vmov s30;
	v7 =	vmov s31;
	s26 =	simm.s32 $0x8;
	s30 =	simm.s32 $0x9;
	v1 =	vshrl.u32 v1, $0x3  }
0x133: {  	s31 =	simm.s32 $0xA;
	s14 =	simm.s32 $0xB;
	v8 =	vmov s25;
	v9 =	vmov s26;
	v10 =	vmov s30  }
0x134: {  	v11 =	vmov s31;
	v12 =	vmov s14;
	v2 =	vshrl.u32 v2, $0x3  }
0x135: {  	s25 =	simm.s32 $0xC;
	v3 =	vshrl.u32 v3, $0x3;
	v4 =	vshrl.u32 v4, $0x3;
	v5 =	vshrl.u32 v5, $0x3  }
0x136: {  	s26 =	simm.s32 $0xD;
	s30 =	simm.s32 $0xE;
	v6 =	vshrl.u32 v6, $0x3;
	v7 =	vshrl.u32 v7, $0x3;
	v13 =	vmov s25  }
0x137: {  	_ =	swait.ge [sflag:s24], $0x800;
	v14 =	vmov s26;
	v1 =	vshll.u32 v1, v0;
	v15 =	vmov s30  }
0x138: {  	[sflag:s24] =	ssyncset.done $0x0;
	v8 =	vshrl.u32 v8, $0x3;
	v9 =	vshrl.u32 v9, $0x3;
	v10 =	vshrl.u32 v10, $0x3  }
0x139: {  	[sflag:s24] =	ssyncadd.s32 $0xFFFFF800;
	v11 =	vshrl.u32 v11, $0x3;
	v12 =	vshrl.u32 v12, $0x3;
	v2 =	vshll.u32 v2, v0  }
0x13a: {  	_ =	swait.ge [sflag:s22], $0x800;
	v3 =	vshll.u32 v3, v0;
	v4 =	vshll.u32 v4, v0;
	v5 =	vshll.u32 v5, v0  }
0x13b: {  	v6 =	vshll.u32 v6, v0;
	v7 =	vshll.u32 v7, v0;
	v13 =	vshrl.u32 v13, $0x3;
	[sflag:s22] =	ssyncset.done $0x0  }
0x13c: {  	s31 =	simm.s32 $0x4E80;
	v14 =	vshrl.u32 v14, $0x3;
	v1 =	vadd.s32 $0x2700, v1;
	v15 =	vshrl.u32 v15, $0x3;
	[sflag:s22] =	ssyncadd.s32 $0xFFFFF800  }
0x13d: {  	v2 =	vadd.s32 $0x2701, v2;
	v3 =	vadd.s32 $0x2702, v3;
	v4 =	vadd.s32 $0x2703, v4;
	[tilespmem:s17], [sflag:$0x1] =	stream.indirect.gather [hbm4b:s2+s16], $0x10, s31, s16, $0xb8;
	[tilespmem:$0xE680] =	vst v63  }
0x13e: {  	v8 =	vshll.u32 v8, v0;
	v5 =	vadd.s32 $0x2704, v5;
	v9 =	vshll.u32 v9, v0;
	_ =	swait.ge [sflag:s19], $0x800  }
0x13f: {  	v6 =	vadd.s32 $0x2705, v6;
	v10 =	vshll.u32 v10, v0;
	v7 =	vadd.s32 $0x2706, v7;
	[sflag:s19] =	ssyncset.done $0x0  }
0x140: {  	s29 =	simm.s32 $0x7700;
	s25 =	simm.s32 $0x11;
	v11 =	vshll.u32 v11, v0;
	v12 =	vshll.u32 v12, v0;
	v1 =	vbroadcast v1, $0x0;
	[sflag:s19] =	ssyncadd.s32 $0xFFFFF800  }
0x141: {  	s26 =	simm.s32 $0x12;
	v18 =	vmov s25;
	v2 =	vbroadcast v2, $0x0;
	v3 =	vbroadcast v3, $0x0;
	v57 =	vld [tilespmem:s29+$0x70]  }
0x142: {  	s30 =	simm.s32 $0x13;
	v19 =	vmov s26;
	v4 =	vbroadcast v4, $0x0;
	v5 =	vbroadcast v5, $0x0;
	v33 =	vld [tilespmem:s29+$0xFFFFFF80]  }
0x143: {  	v20 =	vmov s30;
	v6 =	vbroadcast v6, $0x0;
	v7 =	vbroadcast v7, $0x0;
	v34 =	vld [tilespmem:s29+$0xFFFFFF90]  }
0x144: {  	v8 =	vadd.s32 $0x2707, v8;
	v9 =	vadd.s32 $0x2700, v9;
	v13 =	vshll.u32 v13, v0;
	v36 =	vld [tilespmem:s29+$0xFFFFFFA0]  }
0x145: {  	s25 =	simm.s32 $0x17;
	v10 =	vadd.s32 $0x2701, v10;
	v14 =	vshll.u32 v14, v0;
	v11 =	vadd.s32 $0x2702, v11;
	v37 =	vld [tilespmem:s29+$0xFFFFFFB0]  }
0x146: {  	s30 =	simm.s32 $0x19;
	v15 =	vshll.u32 v15, v0;
	v12 =	vadd.s32 $0x2703, v12;
	v24 =	vmov s25;
	v38 =	vld [tilespmem:s29+$0xFFFFFFC0]  }
0x147: {  	v26 =	vmov s30;
	v8 =	vbroadcast v8, $0x0;
	v9 =	vbroadcast v9, $0x0;
	s31 =	simm.s32 $0x14;
	v59 =	vld [tilespmem:s29+$0xFFFFFFD0]  }
0x148: {  	s30 =	simm.s32 $0x1D;
	v10 =	vbroadcast v10, $0x0;
	v11 =	vbroadcast v11, $0x0;
	v21 =	vmov s31;
	s31 =	simm.s32 $0x1A;
	v60 =	vld [tilespmem:s29+$0xFFFFFFE0]  }
0x149: {  	v30 =	vmov s30;
	v56 =	vshrl.u32 v24, $0x3;
	v27 =	vmov s31;
	v1 =	vld.idx.msk [tilespmem:v1+s15+$0x0], $0xffff  }
0x14a: {  	v26 =	vshrl.u32 v26, $0x3;
	v30 =	vshrl.u32 v30, $0x3;
	v27 =	vshrl.u32 v27, $0x3;
	v2 =	vld.idx.msk [tilespmem:v2+s15+$0x0], $0xffff  }
0x14b: {  	s1 =	simm.s32 $0xF;
	v26 =	vshll.u32 v26, v0;
	v53 =	vshrl.u32 v21, $0x3;
	v27 =	vshll.u32 v27, v0;
	v3 =	vld.idx.msk [tilespmem:v3+s15+$0x0], $0xffff  }
0x14c: {  	v16 =	vld.idx.msk [tilespmem:v6+s15+$0x0], $0xffff;
	v6 =	vbroadcast v12, $0x0;
	v12 =	vadd.s32 $0x2704, v13;
	v13 =	vmov s1  }
0x14d: {  	v17 =	vld.idx.msk [tilespmem:v7+s15+$0x0], $0xffff;
	s1 =	simm.s32 $0x15;
	v7 =	vbroadcast v12, $0x0;
	v12 =	vadd.s32 $0x2705, v14;
	v13 =	vshrl.u32 v13, $0x3  }
0x14e: {  	s14 =	simm.s32 $0x10;
	v14 =	vld.idx.msk [tilespmem:v8+s15+$0x0], $0xffff;
	v22 =	vmov s1;
	v8 =	vbroadcast v12, $0x0;
	v12 =	vadd.s32 $0x2706, v15  }
0x14f: {  	v4 =	vld.idx.msk [tilespmem:v4+s15+$0x0], $0xffff;
	v13 =	vshll.u32 v13, v0;
	v15 =	vmov s14;
	s14 =	simm.s32 $0x16;
	v54 =	vshrl.u32 v22, $0x3  }
0x150: {  	v5 =	vld.idx.msk [tilespmem:v5+s15+$0x0], $0xffff;
	v12 =	vbroadcast v12, $0x0;
	v13 =	vadd.s32 $0x2707, v13;
	v23 =	vmov s14  }
0x151: {  	v9 =	vld.idx.msk [tilespmem:v9+s15+$0x0], $0xffff;
	v15 =	vshrl.u32 v15, $0x3;
	v21 =	vshll.u32 v54, v0;
	v55 =	vshrl.u32 v23, $0x3  }
0x152: {  	s26 =	simm.s32 $0x18;
	s25 =	simm.s32 $0x1B;
	v13 =	vbroadcast v13, $0x0;
	v22 =	vshll.u32 v55, v0;
	v1 =	vmul.f32 v33, v1;
	v25 =	vld.idx.msk [tilespmem:v6+s15+$0x0], $0xffff  }
0x153: {  	s1 =	simm.s32 $0x8700;
	v2 =	vmul.f32 v34, v2;
	v6 =	vmov s26;
	s26 =	simm.s32 $0x1C;
	v28 =	vld.idx.msk [tilespmem:v7+s15+$0x0], $0xffff;
	v7 =	vmov s25  }
0x154: {  	v10 =	vld.idx.msk [tilespmem:v10+s15+$0x0], $0xffff;
	v29 =	vmov s26;
	v6 =	vshrl.u32 v6, $0x3;
	[tilespmem:s1+$0xFFFFFF80] =	vst v1;
	v1 =	vmul.f32 v36, v3  }
0x155: {  	s31 =	simm.s32 $0x1E;
	[tilespmem:s1+$0xFFFFFF90] =	vst v2;
	v2 =	vmul.f32 v37, v4;
	v31 =	vld.idx.msk [tilespmem:v8+s15+$0x0], $0xffff;
	v8 =	vshll.u32 v15, v0;
	v15 =	vshrl.u32 v18, $0x3  }
0x156: {  	v11 =	vld.idx.msk [tilespmem:v11+s15+$0x0], $0xffff;
	v18 =	vmov s31;
	v7 =	vshrl.u32 v7, $0x3;
	v29 =	vshrl.u32 v29, $0x3  }
0x157: {  	v58 =	vshll.u32 v6, v0;
	v32 =	vld.idx.msk [tilespmem:v12+s15+$0x0], $0xffff;
	v12 =	vshrl.u32 v19, $0x3;
	v19 =	vshrl.u32 v20, $0x3  }
0x158: {  	v3 =	vld [tilespmem:s29+$0xFFFFFFF0];
	v35 =	vadd.s32 $0x2700, v8;
	v15 =	vshll.u32 v15, v0;
	v18 =	vshrl.u32 v18, $0x3  }
0x159: {  	v4 =	vld [tilespmem:s29+$0x0];
	v20 =	vshll.u32 v53, v0;
	v61 =	vshll.u32 v7, v0;
	v7 =	vshll.u32 v30, v0;
	[tilespmem:s1+$0xFFFFFFA0] =	vst v1  }
0x15a: {  	v1 =	vmul.f32 v38, v5;
	v5 =	vld [tilespmem:s29+$0x10];
	[tilespmem:s1+$0xFFFFFFB0] =	vst v2;
	v2 =	vmul.f32 v59, v16;
	v12 =	vshll.u32 v12, v0  }
0x15b: {  	v16 =	vld [tilespmem:s29+$0x20];
	v19 =	vshll.u32 v19, v0;
	v6 =	vshll.u32 v18, v0;
	v15 =	vadd.s32 $0x2701, v15  }
0x15c: {  	v13 =	vld.idx.msk [tilespmem:v13+s15+$0x0], $0xffff;
	v18 =	vbroadcast v35, $0x0;
	v20 =	vadd.s32 $0x2704, v20;
	v15 =	vbroadcast v15, $0x0  }
0x15d: {  	v12 =	vadd.s32 $0x2702, v12;
	[tilespmem:s1+$0xFFFFFFC0] =	vst v1;
	v1 =	vmul.f32 v60, v17;
	v20 =	vbroadcast v20, $0x0  }
0x15e: {  	v19 =	vadd.s32 $0x2703, v19;
	v17 =	vld [tilespmem:s29+$0x30];
	[tilespmem:s1+$0xFFFFFFD0] =	vst v2;
	v12 =	vbroadcast v12, $0x0;
	v2 =	vmul.f32 v3, v14  }
0x15f: {  	v19 =	vbroadcast v19, $0x0;
	v14 =	vld [tilespmem:s29+$0x40];
	v3 =	vadd.s32 $0x2705, v21;
	v4 =	vmul.f32 v4, v9;
	[tilespmem:s1+$0xFFFFFFE0] =	vst v1  }
0x160: {  	v62 =	vld [tilespmem:s29+$0x50];
	v9 =	vbroadcast v3, $0x0;
	v3 =	vadd.s32 $0x2706, v22;
	[tilespmem:s1+$0xFFFFFFF0] =	vst v2;
	v5 =	vmul.f32 v5, v10  }
0x161: {  	v63 =	vld [tilespmem:s29+$0x60];
	[tilespmem:s1+$0x0] =	vst v4;
	v4 =	vmul.f32 v16, v11;
	v8 =	vmul.f32 v57, v13;
	v13 =	vshll.u32 v56, v0  }
0x162: {  	v10 =	vbroadcast v3, $0x0;
	v1 =	vld.idx.msk [tilespmem:v18+s15+$0x0], $0xffff;
	v3 =	vadd.s32 $0x2707, v13;
	v13 =	vadd.s32 $0x2700, v58;
	[tilespmem:s1+$0x10] =	vst v5  }
0x163: {  	v5 =	vmul.f32 v17, v25;
	[tilespmem:s1+$0x20] =	vst v4;
	v17 =	vadd.s32 $0x2703, v61;
	v2 =	vld.idx.msk [tilespmem:v15+s15+$0x0], $0xffff;
	v11 =	vbroadcast v3, $0x0  }
0x164: {  	[tilespmem:s1+$0x70] =	vst v8;
	v16 =	vmul.f32 v14, v28;
	v3 =	vld.idx.msk [tilespmem:v12+s15+$0x0], $0xffff;
	v12 =	vbroadcast v13, $0x0;
	v13 =	vadd.s32 $0x2701, v26  }
0x165: {  	v14 =	vadd.s32 $0x2702, v27;
	v15 =	vmul.f32 v62, v31;
	v4 =	vld.idx.msk [tilespmem:v19+s15+$0x0], $0xffff;
	[tilespmem:s1+$0x30] =	vst v5;
	v13 =	vbroadcast v13, $0x0  }
0x166: {  	s0 =	simm.s32 $0x20;
	s25 =	simm.s32 $0x1F;
	v8 =	vshll.u32 v29, v0;
	v5 =	vld.idx.msk [tilespmem:v20+s15+$0x0], $0xffff;
	v14 =	vbroadcast v14, $0x0;
	[tilespmem:s1+$0x40] =	vst v16;
	v16 =	vmul.f32 v63, v32  }
.LBB2_12:
0x167: {  	p0 =	slt.u32 s0, $0x70;
	v9 =	vld.idx.msk [tilespmem:v9+s15+$0x0], $0xffff;
	v17 =	vbroadcast v17, $0x0;
	v8 =	vadd.s32 $0x2704, v8;
	v18 =	vmov s25;
	[tilespmem:s1+$0x50] =	vst v15  }
0x168: {  	v7 =	vadd.s32 $0x2705, v7;
	v10 =	vld.idx.msk [tilespmem:v10+s15+$0x0], $0xffff;
	v8 =	vbroadcast v8, $0x0;
	v15 =	vshrl.u32 v18, $0x3;
	[tilespmem:s1+$0x60] =	vst v16  }
0x169: {  	v6 =	vadd.s32 $0x2706, v6;
	v7 =	vbroadcast v7, $0x0;
	v11 =	vld.idx.msk [tilespmem:v11+s15+$0x0], $0xffff;
	v15 =	vshll.u32 v15, v0  }
0x16a: {  	s14 =	sadd.s32 $0x1, s0;
	v16 =	vmov s0;
	v6 =	vbroadcast v6, $0x0;
	v12 =	vld.idx.msk [tilespmem:v12+s15+$0x0], $0xffff;
	v15 =	vadd.s32 $0x2707, v15  }
0x16b: {  	s25 =	sadd.s32 $0x3, s0;
	s26 =	sadd.s32 $0x4, s0;
	v18 =	vmov s14;
	s14 =	sadd.s32 $0x2, s0;
	v16 =	vshrl.u32 v16, $0x3;
	v13 =	vld.idx.msk [tilespmem:v13+s15+$0x0], $0xffff;
	v15 =	vbroadcast v15, $0x0  }
0x16c: {  	v20 =	vmov s25;
	v21 =	vmov s26;
	s25 =	sadd.s32 $0x6, s0;
	s26 =	sadd.s32 $0x7, s0;
	v19 =	vmov s14;
	s14 =	sadd.s32 $0x5, s0;
	v14 =	vld.idx.msk [tilespmem:v14+s15+$0x0], $0xffff  }
0x16d: {  	v23 =	vmov s25;
	v24 =	vmov s26;
	s25 =	sadd.s32 $0x9, s0;
	s26 =	sadd.s32 $0xA, s0;
	v22 =	vmov s14;
	s14 =	sadd.s32 $0x8, s0;
	v17 =	vld.idx.msk [tilespmem:v17+s15+$0x0], $0xffff  }
0x16e: {  	v26 =	vmov s25;
	v27 =	vmov s26;
	s25 =	sadd.s32 $0xC, s0;
	s26 =	sadd.s32 $0xD, s0;
	v25 =	vmov s14;
	s14 =	sadd.s32 $0xB, s0;
	v28 =	vld.idx.msk [tilespmem:v8+s15+$0x0], $0xffff  }
0x16f: {  	v29 =	vmov s25;
	v30 =	vmov s26;
	v8 =	vmov s14;
	s14 =	sadd.s32 $0xE, s0;
	v31 =	vld.idx.msk [tilespmem:v7+s15+$0x0], $0xffff  }
0x170: {  	v7 =	vshll.u32 v16, v0;
	v16 =	vshrl.u32 v18, $0x3;
	v18 =	vmov s14;
	v32 =	vld.idx.msk [tilespmem:v6+s15+$0x0], $0xffff  }
0x171: {  	s29 =	sadd.s32 $0x100, s29;
	v6 =	vshrl.u32 v19, $0x3;
	v19 =	vshrl.u32 v20, $0x3;
	v20 =	vshrl.u32 v21, $0x3;
	v15 =	vld.idx.msk [tilespmem:v15+s15+$0x0], $0xffff  }
0x172: {  	v21 =	vshrl.u32 v22, $0x3;
	v22 =	vshrl.u32 v23, $0x3;
	v23 =	vshrl.u32 v24, $0x3;
	v24 =	vld [tilespmem:s29+$0x70]  }
0x173: {  	v26 =	vshrl.u32 v26, $0x3;
	v27 =	vshrl.u32 v27, $0x3;
	v25 =	vshrl.u32 v25, $0x3;
	v33 =	vld [tilespmem:s29+$0xFFFFFF80]  }
0x174: {  	v29 =	vshrl.u32 v29, $0x3;
	v30 =	vshrl.u32 v30, $0x3;
	v8 =	vshrl.u32 v8, $0x3;
	v34 =	vld [tilespmem:s29+$0xFFFFFF90]  }
0x175: {  	v35 =	vadd.s32 $0x2700, v7;
	v16 =	vshll.u32 v16, v0;
	v18 =	vshrl.u32 v18, $0x3;
	v7 =	vld [tilespmem:s29+$0xFFFFFFA0]  }
0x176: {  	v36 =	vshll.u32 v6, v0;
	v19 =	vshll.u32 v19, v0;
	v20 =	vshll.u32 v20, v0;
	v37 =	vld [tilespmem:s29+$0xFFFFFFB0]  }
0x177: {  	v21 =	vshll.u32 v21, v0;
	v22 =	vshll.u32 v22, v0;
	v38 =	vld [tilespmem:s29+$0xFFFFFFC0];
	v6 =	vmul.f32 v24, v15  }
0x178: {  	s1 =	sadd.s32 $0x100, s1;
	v15 =	vshll.u32 v23, v0;
	v23 =	vshll.u32 v25, v0;
	v1 =	vmul.f32 v33, v1;
	v24 =	vld [tilespmem:s29+$0xFFFFFFD0]  }
0x179: {  	v25 =	vshll.u32 v26, v0;
	v26 =	vshll.u32 v27, v0;
	v2 =	vmul.f32 v34, v2;
	v27 =	vld [tilespmem:s29+$0xFFFFFFE0];
	[tilespmem:s1+$0x70] =	vst v6  }
0x17a: {  	v33 =	vshll.u32 v8, v0;
	v8 =	vshll.u32 v29, v0;
	[tilespmem:s1+$0xFFFFFF80] =	vst v1;
	v1 =	vmul.f32 v7, v3;
	v3 =	vld [tilespmem:s29+$0xFFFFFFF0]  }
0x17b: {  	v6 =	vshll.u32 v18, v0;
	v7 =	vshll.u32 v30, v0;
	[tilespmem:s1+$0xFFFFFF90] =	vst v2;
	v2 =	vmul.f32 v37, v4;
	v4 =	vld [tilespmem:s29+$0x0]  }
0x17c: {  	v16 =	vadd.s32 $0x2701, v16;
	v18 =	vbroadcast v35, $0x0;
	[tilespmem:s1+$0xFFFFFFA0] =	vst v1;
	v1 =	vmul.f32 v38, v5;
	v5 =	vld [tilespmem:s29+$0x10]  }
0x17d: {  	v16 =	vbroadcast v16, $0x0;
	v29 =	vadd.s32 $0x2702, v36;
	[tilespmem:s1+$0xFFFFFFB0] =	vst v2;
	v2 =	vmul.f32 v24, v9;
	v24 =	vld [tilespmem:s29+$0x20]  }
0x17e: {  	v29 =	vbroadcast v29, $0x0;
	v9 =	vadd.s32 $0x2703, v19;
	[tilespmem:s1+$0xFFFFFFC0] =	vst v1;
	v1 =	vmul.f32 v27, v10;
	v19 =	vld [tilespmem:s29+$0x30]  }
0x17f: {  	v27 =	vbroadcast v9, $0x0;
	v9 =	vadd.s32 $0x2704, v20;
	[tilespmem:s1+$0xFFFFFFD0] =	vst v2;
	v2 =	vmul.f32 v3, v11;
	v20 =	vld [tilespmem:s29+$0x40]  }
0x180: {  	v30 =	vbroadcast v9, $0x0;
	v3 =	vadd.s32 $0x2705, v21;
	[tilespmem:s1+$0xFFFFFFE0] =	vst v1;
	v4 =	vmul.f32 v4, v12;
	v21 =	vld [tilespmem:s29+$0x50]  }
0x181: {  	v9 =	vbroadcast v3, $0x0;
	v3 =	vadd.s32 $0x2706, v22;
	[tilespmem:s1+$0xFFFFFFF0] =	vst v2;
	v5 =	vmul.f32 v5, v13;
	v22 =	vld [tilespmem:s29+$0x60]  }
.Ltmp6:
0x182: {  	v10 =	vbroadcast v3, $0x0;
	v3 =	vadd.s32 $0x2707, v15;
	v1 =	vld.idx.msk [tilespmem:v18+s15+$0x0], $0xffff;
	[tilespmem:s1+$0x0] =	vst v4;
	v4 =	vmul.f32 v24, v14;
	(pc) =	sbr.rel @p0 .LBB2_12-.Ltmp6, $4  }
0x183: {  	v12 =	vadd.s32 $0x2700, v23;
	v11 =	vbroadcast v3, $0x0;
	v2 =	vld.idx.msk [tilespmem:v16+s15+$0x0], $0xffff;
	[tilespmem:s1+$0x10] =	vst v5;
	v5 =	vmul.f32 v19, v17  }
0x184: {  	v12 =	vbroadcast v12, $0x0;
	v13 =	vadd.s32 $0x2701, v25;
	v3 =	vld.idx.msk [tilespmem:v29+s15+$0x0], $0xffff;
	[tilespmem:s1+$0x20] =	vst v4;
	v16 =	vmul.f32 v20, v28  }
0x185: {  	v13 =	vbroadcast v13, $0x0;
	v14 =	vadd.s32 $0x2702, v26;
	v4 =	vld.idx.msk [tilespmem:v27+s15+$0x0], $0xffff;
	[tilespmem:s1+$0x30] =	vst v5;
	v15 =	vmul.f32 v21, v31  }
0x186: {  	s25 =	sadd.s32 $0xF, s0;
	s0 =	sadd.s32 $0x10, s0;
	v14 =	vbroadcast v14, $0x0;
	v17 =	vadd.s32 $0x2703, v33;
	v5 =	vld.idx.msk [tilespmem:v30+s15+$0x0], $0xffff;
	[tilespmem:s1+$0x40] =	vst v16;
	v16 =	vmul.f32 v22, v32  }
0x187: {  	_ =	sdelay $0x3  }
0x188: {  	v9 =	vld.idx.msk [tilespmem:v9+s15+$0x0], $0xffff  }
0x189: {  	v10 =	vld.idx.msk [tilespmem:v10+s15+$0x0], $0xffff  }
0x18a: {  	v11 =	vld.idx.msk [tilespmem:v11+s15+$0x0], $0xffff  }
0x18b: {  	v12 =	vld.idx.msk [tilespmem:v12+s15+$0x0], $0xffff  }
0x18c: {  	v13 =	vld.idx.msk [tilespmem:v13+s15+$0x0], $0xffff  }
0x18d: {  	s0 =	sadd.s32 $0x100, s29;
	v14 =	vld.idx.msk [tilespmem:v14+s15+$0x0], $0xffff  }
0x18e: {  	v19 =	vld [tilespmem:s0+$0x70]  }
0x18f: {  	v20 =	vld [tilespmem:s0+$0xFFFFFF80]  }
0x190: {  	v21 =	vld [tilespmem:s0+$0xFFFFFF90]  }
0x191: {  	v22 =	vld [tilespmem:s0+$0xFFFFFFA0]  }
0x192: {  	v18 =	vmov s25;
	v23 =	vld [tilespmem:s0+$0xFFFFFFB0]  }
0x193: {  	v18 =	vshrl.u32 v18, $0x3;
	v55 =	vld [tilespmem:s0+$0xFFFFFFC0]  }
0x194: {  	v56 =	vld [tilespmem:s0+$0xFFFFFFD0];
	v18 =	vshll.u32 v18, v0  }
0x195: {  	v57 =	vld [tilespmem:s0+$0xFFFFFFE0];
	v18 =	vadd.s32 $0x2707, v18  }
0x196: {  	v58 =	vld [tilespmem:s0+$0x0];
	v18 =	vbroadcast v18, $0x0  }
0x197: {  	v59 =	vld [tilespmem:s0+$0x10]  }
0x198: {  	v17 =	vbroadcast v17, $0x0;
	v8 =	vadd.s32 $0x2704, v8;
	[tilespmem:s1+$0x50] =	vst v15;
	v60 =	vld [tilespmem:s0+$0x20];
	v1 =	vmul.f32 v20, v1  }
0x199: {  	s30 =	sadd.s32 $0x100, s1;
	v8 =	vbroadcast v8, $0x0;
	[tilespmem:s1+$0x60] =	vst v16;
	v61 =	vld [tilespmem:s0+$0x30];
	v2 =	vmul.f32 v21, v2  }
0x19a: {  	v7 =	vadd.s32 $0x2705, v7;
	[tilespmem:s30+$0xFFFFFF80] =	vst v1;
	v1 =	vmul.f32 v22, v3;
	v3 =	vld [tilespmem:s0+$0xFFFFFFF0]  }
0x19b: {  	v6 =	vadd.s32 $0x2706, v6;
	v7 =	vbroadcast v7, $0x0;
	v62 =	vld [tilespmem:s0+$0x50];
	[tilespmem:s30+$0xFFFFFF90] =	vst v2;
	v2 =	vmul.f32 v23, v4  }
0x19c: {  	v6 =	vbroadcast v6, $0x0;
	v18 =	vld.idx.msk [tilespmem:v18+s15+$0x0], $0xffff;
	[tilespmem:s30+$0xFFFFFFA0] =	vst v1;
	v1 =	vmul.f32 v55, v5  }
0x19d: {  	v63 =	vld [tilespmem:s0+$0x60];
	[tilespmem:s30+$0xFFFFFFB0] =	vst v2;
	v2 =	vmul.f32 v56, v9  }
0x19e: {  	v17 =	vld.idx.msk [tilespmem:v17+s15+$0x0], $0xffff;
	[tilespmem:s30+$0xFFFFFFC0] =	vst v1;
	v1 =	vmul.f32 v57, v10  }
0x19f: {  	v8 =	vld.idx.msk [tilespmem:v8+s15+$0x0], $0xffff;
	[tilespmem:s30+$0xFFFFFFD0] =	vst v2;
	v2 =	vmul.f32 v3, v11  }
0x1a0: {  	v3 =	vld [tilespmem:s0+$0x40];
	[tilespmem:s30+$0xFFFFFFE0] =	vst v1;
	v1 =	vmul.f32 v58, v12  }
0x1a1: {  	v7 =	vld.idx.msk [tilespmem:v7+s15+$0x0], $0xffff;
	v54 =	vmul.f32 v19, v18;
	[tilespmem:s30+$0xFFFFFFF0] =	vst v2  }
0x1a2: {  	v6 =	vld.idx.msk [tilespmem:v6+s15+$0x0], $0xffff;
	v2 =	vmul.f32 v59, v13;
	[tilespmem:s30+$0x0] =	vst v1  }
0x1a3: {  	v1 =	vmul.f32 v60, v14;
	[tilespmem:s30+$0x70] =	vst v54  }
0x1a4: {  	[tilespmem:s30+$0x10] =	vst v2;
	v2 =	vmul.f32 v61, v17  }
0x1a5: {  	[tilespmem:s30+$0x20] =	vst v1;
	v1 =	vmul.f32 v3, v8  }
0x1a6: {  	[tilespmem:s30+$0x30] =	vst v2;
	v2 =	vmul.f32 v62, v7  }
0x1a7: {  	[tilespmem:s30+$0x40] =	vst v1;
	v1 =	vmul.f32 v63, v6  }
0x1a8: {  	[tilespmem:s30+$0x50] =	vst v2  }
0x1a9: {  	s31 =	simm.s32 $0x2700;
	[tilespmem:s30+$0x60] =	vst v1  }
0x1aa: {  	[spmem:s3] =	stream.indirect.scatter.add.f32 [tilespmem:s20], [sflag:$0x5], $0x10, s31, s16, $0xb8;
	[tilespmem:$0xE680] =	vst v63  }
0x1ab: {  	_ =	swait.ge [sflag:s13], $0x800  }
0x1ac: {  	[sflag:s13] =	ssyncset.done $0x0  }
0x1ad: {  	[sflag:s13] =	ssyncadd.s32 $0xFFFFF800  }
0x1ae: {  	[bflag:$0x0] =	sbarrier.arrive $0xFFFF  }
0x1af: {  	[tilespmem:s12], [sflag:$0x5] =	stream.linear.gather [spmem:s6], $0x2800, $0x38;
	[tilespmem:$0xE680] =	vst v63  }
0x1b0: {  	s28 =	sadd.s32 $0x1, s28;
	_ =	swait.ge [sflag:s13], $0x2800  }
0x1b1: {  	p0 =	sne.s32 s28, s11;
	[sflag:s13] =	ssyncset.done $0x0  }
.Ltmp7:
0x1b2: {  	[sflag:s13] =	ssyncadd.s32 $0xFFFFD800;
	(pc) =	sbr.rel @p0 .LBB2_1-.Ltmp7, $4  }
0x1b3: {  	[hbm4b:s10+s4] =	stream.linear.scatter [tilespmem:s12], [sflag:$0x5], $0x2800, $0x38;
	[tilespmem:$0xE680] =	vst v63  }
0x1b4: {  	_ =	swait.ge [sflag:s13], $0x2800  }
0x1b5: {  	[sflag:s13] =	ssyncset.done $0x0  }
0x1b6: {  	[sflag:s13] =	ssyncadd.s32 $0xFFFFD800  }
0x1b7: {  	_ =	sfence.sel $0x180000  }
0x1b8: {  	[bflag:$0x0] =	sbarrier.arrive $0xFFFF  }
0x1b9: {  	_ =	strace $0x9000004D  }
0x1ba: {  	s0 =	stileid.u32;
	[bflag:$0x2] =	sbarrier.arrive $0xFFFF  }
0x1bb: {  	p0 =	sne.s32 s0, $0x0;
	s0 =	rddreg [dreg:$0x3]  }
0x1bc: {  	s0 =	sadd.s32 @!p0 $0x100000, s0  }
0x1bd: {  	[sflag:s0] =	ssyncadd.tile.s32 @!p0 $0x1;
	_ =	shalt  }
.Lfunc_end2:
_tile_overlayer_lowered:
.L_overlay_start_2:
0x1be: {  	(tag) =	ssettag $0x2  }
0x1bf: {  	s0 =	rddreg [dreg:$0x0];
	s2 =	stileid.u32  }
0x1c0: {  	s1 =	rddreg [dreg:$0x1];
	p0 =	sne.s32 s2, $0x0  }
0x1c1: {  	s3 =	rddreg [dreg:$0x2];
	[bflag:$0x3] =	sbarrier.arrive $0xFFFF;
	s2 =	simm.s32 @!p0 $0x1C05  }
0x1c2: {  	[timem:s3], [sflag:s2] =	dma.local @!p0 [hbm:s0], s1  }
0x1c3: {  	s0 =	simm.s32 @!p0 $0x5  }
0x1c4: {  	_ =	swait.ge @!p0 [sflag:s0], s1  }
0x1c5: {  	s1 =	ssub.s32 @!p0 $0x0, s1;
	[sflag:s0] =	ssyncset.done @!p0 $0x0  }
0x1c6: {  	[sflag:s0] =	ssyncadd.s32 @!p0 s1  }
0x1c7: {  	[bflag:$0x3] =	sbarrier.arrive $0xFFFF  }
0x1c8: {  	_ =	shalt  }

// kernel: kernel.9.cloned.1.call-start
scs
__scs_entry_jumppad:
0x0: {  	(pc) =	sbr.rel $0x88, $3  }
0x1: {  	(tag) =	ssettag $0x0;
	lr =	simm.s32 $0x1  }
0x2: {  	[smem:$0x3F9A] =	sst lr;
	_ =	strace $0xD0000000  }
0x3: {  	_ = 	snop  }
0x4: {  	_ = 	snop  }
0x5: {  	_ = 	snop  }
0x6: {  	_ = 	snop  }
0x7: {  	_ = 	snop  }
__scs_overlays_trampoline_lowered:
0x8: {  	[smem:$0x3FA9] =	sst s0  }
0x9: {  	[smem:$0x3FAA] =	sst s1  }
0xa: {  	[smem:$0x3FAB] =	sst s2  }
0xb: {  	[smem:$0x3FAC] =	sst s3  }
0xc: {  	[smem:$0x3FAD] =	sst s4  }
0xd: {  	[smem:$0x3FAE] =	sst s5  }
0xe: {  	[smem:$0x3FAF] =	sst s6  }
0xf: {  	[smem:$0x3FB0] =	sst s7  }
0x10: {  	[smem:$0x3FB1] =	sst s8  }
0x11: {  	[smem:$0x3FB2] =	sst s9;
	s0 =	simm.s32 @!p0 $0x0  }
0x12: {  	s1 =	sld [smem:$0x3F98];
	s0 =	simm.s32 @p0 $0x1  }
0x13: {  	[smem:$0x3FB3] =	sst s0;
	s0 =	simm.s32 @!p1 $0x0  }
0x14: {  	s2 =	sld [smem:$0x3F97];
	s0 =	simm.s32 @p1 $0x1  }
0x15: {  	[smem:$0x3FB4] =	sst s0;
	s0 =	simm.s32 @!p2 $0x0  }
0x16: {  	s3 =	sld [smem:$0x3FDB];
	s0 =	simm.s32 @p2 $0x1  }
0x17: {  	s4 =	simm.s32 $0x1BF5;
	[smem:$0x3FB6] =	sst s0  }
0x18: {  	s0 =	sld [smem:$0x3F99];
	_ =	swait.ge [sflag:s4], $0x0  }
0x19: {  	s7 =	sld [smem:$0x3F9A]  }
0x1a: {  	s8 =	sadd.s32 $0xFFFFE003, lr  }
0x1b: {  	s9 =	sadd.s32 $0xFFFFFEF7, lr;
	s5 =	simm.s32 $0xFFFFFFFF;
	p2 =	slt.u32 s8, $0xFFFFF086  }
0x1c: {  	p1 =	slt.u32 s9, $0xF7A;
	s5 =	simm.s32 @!p2 $0x0  }
0x1d: {  	s5 =	simm.s32 @p1 $0x1;
	p0 =	seq.s32 s7, s2  }
0x1e: {  	s7 =	smul.u32 @!p0 $0xF7A, s2;
	p2 =	seq.s32 @!p0 s5, $0x0  }
0x1f: {  	s9 =	smul.u32 $0xF7A, s1;
	s8 =	simm.s32 @!p0 $0x1BF5;
	p2 =	por !p2, p0  }
0x20: {  	[sflag:s8] =	ssyncset.s32 @!p0 $0xFFFFF086;
	s6 =	sadd.s32 @!p0 s3, s7;
	s7 =	simm.s32 @!p0 $0x108  }
0x21: {  	s3 =	sadd.s32 s3, s9;
	s6 =	sadd.s32 @!p0 $0x88, s6;
	s7 =	simm.s32 @p2 $0x1082  }
0x22: {  	[simem:s7], [sflag:s8] =	dma.local @!p0 [hbm:s6], $0xF7A  }
0x23: {  	s9 =	sor.u32 $0xD0000000, s2;
	s6 =	simm.s32 $0x108;
	_ =	swait.ge @!p0 [sflag:s8], $0x0  }
0x24: {  	s3 =	sadd.s32 $0x88, s3;
	s6 =	simm.s32 @!p1 $0x1082;
	[sflag:s4] =	ssyncset.s32 $0xFFFFF086  }
0x25: {  	[simem:s6], [sflag:s4] =	dma.local [hbm:s3], $0xF7A  }
0x26: {  	[smem:$0x3F9A] =	sst s1;
	(tag) =	ssettag s2;
	_ =	strace s9  }
0x27: {  	s1 =	sld [smem:$0x3FAA]  }
0x28: {  	s2 =	sld [smem:$0x3FAB]  }
0x29: {  	s4 =	sld [smem:$0x3FAD]  }
0x2a: {  	p0 =	seq.s32 s5, $0x0;
	s5 =	sld [smem:$0x3FAE]  }
0x2b: {  	s6 =	sld [smem:$0x3FAF]  }
0x2c: {  	s7 =	sld [smem:$0x3FB0]  }
0x2d: {  	s3 =	simm.s32 $0x108;
	s8 =	sld [smem:$0x3FB1]  }
0x2e: {  	s3 =	simm.s32 @!p0 $0x1082;
	s9 =	sld [smem:$0x3FB2]  }
0x2f: {  	lr =	sadd.s32 s0, s3;
	s0 =	sld [smem:$0x3FA9]  }
0x30: {  	s3 =	sld [smem:$0x3FAC]  }
0x31: {  	[smem:$0x3FB5] =	sst s10  }
0x32: {  	s10 =	sld [smem:$0x3FB3];
	_ =	sdelay $0x3  }
0x33: {  	p0 =	seq.s32 s10, $0x1;
	s10 =	sld [smem:$0x3FB5];
	_ =	sdelay $0x3  }
0x34: {  	[smem:$0x3FB5] =	sst s10  }
0x35: {  	s10 =	sld [smem:$0x3FB4];
	_ =	sdelay $0x3  }
0x36: {  	p1 =	seq.s32 s10, $0x1;
	s10 =	sld [smem:$0x3FB5];
	_ =	sdelay $0x3  }
0x37: {  	[smem:$0x3FB5] =	sst s10  }
0x38: {  	s10 =	sld [smem:$0x3FB6]  }
0x39: {  	_ = 	snop;
	(pc) =	sbr.ind lr, $3  }
0x3a: {  	_ = 	snop  }
0x3b: {  	_ = 	snop  }
0x3c: {  	p2 =	seq.s32 s10, $0x1;
	s10 =	sld [smem:$0x3FB5]  }
0x3d: {  	_ =	shalt  }
0x3e: {  	_ =	shalt  }
0x3f: {  	_ =	shalt  }
0x40: {  	_ =	shalt  }
0x41: {  	_ =	shalt  }
0x42: {  	_ =	shalt  }
0x43: {  	_ =	shalt  }
0x44: {  	_ =	shalt  }
0x45: {  	_ =	shalt  }
0x46: {  	_ =	shalt  }
0x47: {  	_ =	shalt  }
0x48: {  	_ =	shalt  }
0x49: {  	_ =	shalt  }
0x4a: {  	_ =	shalt  }
0x4b: {  	_ =	shalt  }
0x4c: {  	_ =	shalt  }
0x4d: {  	_ =	shalt  }
0x4e: {  	_ =	shalt  }
0x4f: {  	_ =	shalt  }
0x50: {  	_ =	shalt  }
0x51: {  	_ =	shalt  }
0x52: {  	_ =	shalt  }
0x53: {  	_ =	shalt  }
0x54: {  	_ =	shalt  }
0x55: {  	_ =	shalt  }
0x56: {  	_ =	shalt  }
0x57: {  	_ =	shalt  }
0x58: {  	_ =	shalt  }
0x59: {  	_ =	shalt  }
0x5a: {  	_ =	shalt  }
0x5b: {  	_ =	shalt  }
0x5c: {  	_ =	shalt  }
0x5d: {  	_ =	shalt  }
0x5e: {  	_ =	shalt  }
0x5f: {  	_ =	shalt  }
0x60: {  	_ =	shalt  }
0x61: {  	_ =	shalt  }
0x62: {  	_ =	shalt  }
0x63: {  	_ =	shalt  }
0x64: {  	_ =	shalt  }
0x65: {  	_ =	shalt  }
0x66: {  	_ =	shalt  }
0x67: {  	_ =	shalt  }
0x68: {  	_ =	shalt  }
0x69: {  	_ =	shalt  }
0x6a: {  	_ =	shalt  }
0x6b: {  	_ =	shalt  }
0x6c: {  	_ =	shalt  }
0x6d: {  	_ =	shalt  }
0x6e: {  	_ =	shalt  }
0x6f: {  	_ =	shalt  }
0x70: {  	_ =	shalt  }
0x71: {  	_ =	shalt  }
0x72: {  	_ =	shalt  }
0x73: {  	_ =	shalt  }
0x74: {  	_ =	shalt  }
0x75: {  	_ =	shalt  }
0x76: {  	_ =	shalt  }
0x77: {  	_ =	shalt  }
0x78: {  	_ =	shalt  }
0x79: {  	_ =	shalt  }
0x7a: {  	_ =	shalt  }
0x7b: {  	_ =	shalt  }
0x7c: {  	_ =	shalt  }
0x7d: {  	_ =	shalt  }
0x7e: {  	_ =	shalt  }
0x7f: {  	_ =	shalt  }
0x80: {  	_ =	shalt  }
0x81: {  	_ =	shalt  }
0x82: {  	_ =	shalt  }
0x83: {  	_ =	shalt  }
0x84: {  	_ =	shalt  }
0x85: {  	_ =	shalt  }
0x86: {  	_ =	shalt  }
0x87: {  	_ =	shalt  }
.Lfunc_end0:
.L_simem_size_0:
called_computation_lowered:
.L_overlay_start_0:
0x88: {  	s2 =	sld [smem:$0x3FD9]  }
0x89: {  	s3 =	sld [smem:$0x3FFE];
	_ =	sdelay $0x1  }
0x8a: {  	s1 =	srdreg.scid  }
0x8b: {  	s0 =	sand.u32 $0x1, s1  }
0x8c: {  	s16 =	sshll.u32 s0, $0xA;
	s2 =	sadd.s32 s3, s2  }
0x8d: {  	s2 =	sadd.s32 s2, s16  }
0x8e: {  	[smem:$0x3FC1] =	sst s2  }
0x8f: {  	_ = 	snop  }
0x90: {  	(tm) =	ssettm $0x1  }
0x91: {  	s17 =	sld [smem:$0x3FFB];
	_ =	sdelay $0x3  }
0x92: {  	_ =	strace s17  }
0x93: {  	s2 =	sld [smem:$0x3FFC];
	_ =	sdelay $0x3  }
0x94: {  	_ =	strace s2  }
0x95: {  	s2 =	sld [smem:$0x3FFD];
	_ =	sdelay $0x3  }
0x96: {  	_ =	strace s2  }
0x97: {  	_ =	strace $0x8FFFFFFF  }
0x98: {  	s18 =	sld [smem:$0x3FDB];
	_ =	sdelay $0x1  }
0x99: {  	s19 =	simm.s32 $_scs_section_size  }
0x9a: {  	s4 =	simm.s32 $_size__tile_overlayer_lowered;
	s5 =	simm.s32 $_tile_overlayer_lowered  }
0x9b: {  	s22 =	simm.s32 $0x1BFF;
	s21 =	sshll.u32 s5, $0x1;
	s2 =	sadd.s32 s19, s18  }
0x9c: {  	s6 =	simm.s32 $0x0;
	s20 =	sshll.u32 s4, $0x1;
	s4 =	sadd.s32 s21, s2  }
0x9d: {  	[timem:s6], [sflag:s22] =	dma.local [hbm:s4], s20  }
0x9e: {  	_ =	swait.ge [sflag:s22], s20  }
0x9f: {  	s3 =	ssub.s32 $0x0, s20;
	[sflag:s22] =	ssyncset.done $0x0  }
0xa0: {  	[sflag:s22] =	ssyncadd.s32 s3;
	_ =	sdelay $0x1  }
0xa1: {  	s23 =	simm.s32 $0x1B8B  }
0xa2: {  	_ =	swait.ge [sflag:s23], $0x1  }
0xa3: {  	[sflag:s23] =	ssyncset.done $0x0  }
0xa4: {  	s25 =	simm.s32 $0x1B8E;
	s24 =	sld [smem:$0x3FFE];
	[sflag:s23] =	ssyncadd.s32 $0xFFFFFFFF  }
0xa5: {  	s26 =	simm.s32 $execute0_lowered;
	[smem:$0x3FD2] =	sst s25  }
0xa6: {  	s4 =	sshll.u32 s26, $0x1;
	_ =	strace $0x80000046;
	[dreg:$0x1] =	wrdreg $0xFFFFFFFF  }
0xa7: {  	s28 =	simm.s32 $_size_execute0_lowered;
	s2 =	sadd.s32 s2, s4;
	[dreg:$0x0] =	wrdreg $0x0  }
0xa8: {  	s4 =	sshll.u32 s28, $0x1;
	[dreg:$0x2] =	wrdreg s2  }
0xa9: {  	[dreg:$0x3] =	wrdreg s4  }
0xaa: {  	[dreg:$0x4] =	wrdreg $0xC0  }
0xab: {  	_ =	task [dreg:s6], $0x5FFFF  }
0xac: {  	[dreg:$0x1] =	wrdreg $0xFFFFFFFF  }
0xad: {  	[dreg:$0x0] =	wrdreg $0x60  }
0xae: {  	[dreg:$0x2] =	wrdreg s24  }
0xaf: {  	[dreg:$0x3] =	wrdreg $0x51800  }
0xb0: {  	[dreg:$0x4] =	wrdreg $0x9  }
0xb1: {  	_ =	task.clear_ibuf [dreg:s6], $0x5FFFF;
	_ =	strace $0x90000046  }
0xb2: {  	s29 =	simm.s32 $0x9;
	_ =	strace $0x80000048  }
0xb3: {  	_ =	swait.ge [sflag:s29], $0x1  }
0xb4: {  	[sflag:s29] =	ssyncadd.s32 $0xFFFFFFFF  }
0xb5: {  	_ =	strace $0x90000048  }
0xb6: {  	_ =	sfence  }
0xb7: {  	s30 =	sld [smem:$0x0];
	_ =	sdelay $0x2  }
0xb8: {  	s31 =	sshll.u32 s1, $0xD;
	s1 =	sshrl.u32 s1, $0x2  }
0xb9: {  	s3 =	sand.u32 $0x4000, s31;
	s1 =	sadd.s32 s1, s30  }
0xba: {  	s0 =	sor.u32 s3, s0;
	s1 =	sshll.u32 s1, $0x11  }
0xbb: {  	s0 =	sor.u32 s1, s0  }
0xbc: {  	s0 =	sadd.s32 $0x8F2B, s0  }
0xbd: {  	[sflag:s0] =	ssyncadd.remote.s32 $0x1  }
0xbe: {  	_ =	sfence.sel $0xFFFF  }
0xbf: {  	[dreg:$0x0] =	wrdreg $0xFFFFFFFF;
	(pc) =	sbr.abs _section_cstart, $3  }
0xc0: {  	[dreg:$0x1] =	wrdreg $0xFFFFFFFF  }
0xc1: {  	_ =	task.clear_ibuf [dreg:s6], $0x2FFFF;
	_ =	strace $0x9FFFFFFF  }
0xc2: {  	(tm) =	ssettm $0x7FFFFFFF  }
0xc3: {  	_ =	shalt  }
tec
execute0_lowered:
.L_overlay_start_1:
0x0: {  	(tag) =	ssettag $0x1  }
0x1: {  	s1 =	srdreg.scid;
	s5 =	rddreg [dreg:$0x0]  }
0x2: {  	s0 =	stileid.u32;
	s2 =	rddreg [dreg:$0x1];
	s3 =	simm.s32 $0x0  }
0x3: {  	s12 =	simm.s32 $0x2780;
	s13 =	simm.s32 $0x80;
	s14 =	simm.s32 $0x0  }
0x4: {  	s4 =	sand.u32 $0x1, s1;
	s29 =	sshll.u32 s0, $0x1;
	s7 =	smul.u32 $0x280, s0  }
0x5: {  	[smem:$0x7FF] =	sst s3;
	s1 =	sor.u32 s4, s29;
	s8 =	smul.u32 $0x2800, s4  }
0x6: {  	s31 =	ssub.s32 $0x2, s4;
	s4 =	sadd.s32 $0x20000, s5;
	s6 =	smul.u32 $0x4F0, s1  }
0x7: {  	s1 =	rddreg [dreg:$0x2];
	_ =	strace $0x80000047;
	s30 =	sadd.s32 s7, s8  }
0x8: {  	s10 =	sshrl.u32 s31, $0x1;
	s9 =	sadd.s32 s6, s5;
	s6 =	sshrl.u32 s30, $0x3  }
0x9: {  	s10 =	ssub.s32 s31, s10;
	s11 =	sadd.s32 s6, s5;
	s5 =	sadd.s32 s7, s2  }
0xa: {  	s6 =	sadd.s32 $0xC400, s9;
	s7 =	sadd.s32 $0x2600, s9;
	s9 =	smax.u32 s10, $0x1  }
0xb: {  	s10 =	simm.s32 $0x4F00;
	s8 =	sadd.s32 $0x20200, s11;
	s11 =	simm.s32 $0x1  }
.LBB2_1:
0xc: {  	[tilespmem:s10], [sflag:$0x1] =	stream.linear.gather [hbm4b:s4+s3], $0x280, $0x38;
	[tilespmem:$0x5400] =	vst v63  }
0xd: {  	_ =	swait.ge [sflag:s11], $0x280  }
0xe: {  	[sflag:s11] =	ssyncset.done $0x0  }
0xf: {  	[sflag:s11] =	ssyncadd.s32 $0xFFFFFD80  }
0x10: {  	[spmem:s5] =	stream.linear.scatter [tilespmem:s10], [sflag:$0x1], $0x280, $0x38;
	[tilespmem:$0x5400] =	vst v63  }
0x11: {  	_ =	swait.ge [sflag:s11], $0x280  }
0x12: {  	[sflag:s11] =	ssyncset.done $0x0  }
0x13: {  	[sflag:s11] =	ssyncadd.s32 $0xFFFFFD80  }
0x14: {  	[bflag:$0x0] =	sbarrier.arrive $0xFFFF  }
0x15: {  	[tilespmem:s3], [sflag:$0x1] =	stream.linear.gather [hbm4b:s6+s3], $0x2780, $0x38;
	[tilespmem:$0x5400] =	vst v63  }
0x16: {  	_ =	swait.ge [sflag:s11], $0x2780  }
0x17: {  	[sflag:s11] =	ssyncset.done $0x0  }
0x18: {  	[sflag:s11] =	ssyncadd.s32 $0xFFFFD880  }
0x19: {  	[tilespmem:s12], [sflag:$0x1] =	stream.linear.gather [hbm4b:s7+s3], $0x2780, $0x38;
	[tilespmem:$0x5400] =	vst v63  }
0x1a: {  	_ =	swait.ge [sflag:s11], $0x2780  }
0x1b: {  	[sflag:s11] =	ssyncset.done $0x0  }
0x1c: {  	s15 =	simm.s32 $0x0;
	s16 =	simm.s32 $0x2780;
	[sflag:s11] =	ssyncadd.s32 $0xFFFFD880  }
0x1d: {  	[spmem:s2] =	stream.indirect.scatter.add.f32 [tilespmem:s16], [sflag:$0x1], $0x1, s15, s13, $0xb8;
	[tilespmem:$0x5400] =	vst v63  }
0x1e: {  	s15 =	simm.s32 $0x200;
	_ =	swait.ge [sflag:s11], $0x80  }
.LBB2_2:
0x1f: {  	s16 =	sshra.s32 s15, $0x2;
	[sflag:s11] =	ssyncset.done $0x0;
	p0 =	sne.s32 s15, $0x9C00  }
.Ltmp0:
0x20: {  	s17 =	sadd.s32 $0x2780, s16;
	[sflag:s11] =	ssyncadd.s32 $0xFFFFFF80;
	(pc) =	sbr.rel @p0 .LBB2_2-.Ltmp0, $3  }
0x21: {  	[spmem:s2] =	stream.indirect.scatter.add.f32 [tilespmem:s17], [sflag:$0x1], $0x1, s16, s13, $0xb8;
	[tilespmem:$0x5400] =	vst v63  }
0x22: {  	s15 =	sadd.s32 $0x200, s15;
	_ =	sdelay $0x1  }
0x23: {  	_ =	swait.ge [sflag:s11], $0x80  }
0x24: {  	[sflag:s11] =	ssyncset.done $0x0  }
0x25: {  	[sflag:s11] =	ssyncadd.s32 $0xFFFFFF80  }
0x26: {  	[bflag:$0x0] =	sbarrier.arrive $0xFFFF  }
0x27: {  	[tilespmem:s10], [sflag:$0x1] =	stream.linear.gather [spmem:s5], $0x280, $0x38;
	[tilespmem:$0x5400] =	vst v63  }
0x28: {  	s14 =	sadd.s32 $0x1, s14;
	_ =	swait.ge [sflag:s11], $0x280  }
0x29: {  	p0 =	sne.s32 s14, s9;
	[sflag:s11] =	ssyncset.done $0x0  }
.Ltmp1:
0x2a: {  	[sflag:s11] =	ssyncadd.s32 $0xFFFFFD80;
	(pc) =	sbr.rel @p0 .LBB2_1-.Ltmp1, $4  }
0x2b: {  	[hbm4b:s8+s3] =	stream.linear.scatter [tilespmem:s10], [sflag:$0x1], $0x280, $0x38;
	[tilespmem:$0x5400] =	vst v63  }
0x2c: {  	_ =	swait.ge [sflag:s11], $0x280  }
0x2d: {  	[sflag:s11] =	ssyncset.done $0x0  }
0x2e: {  	[sflag:s11] =	ssyncadd.s32 $0xFFFFFD80  }
0x2f: {  	_ =	sfence.sel $0x180000  }
0x30: {  	[bflag:$0x0] =	sbarrier.arrive $0xFFFF  }
0x31: {  	p0 =	sne.s32 s0, $0x0;
	_ =	strace $0x90000047  }
0x32: {  	s0 =	sadd.s32 @!p0 $0x100000, s1;
	[bflag:$0x2] =	sbarrier.arrive $0xFFFF  }
0x33: {  	[sflag:s0] =	ssyncadd.tile.s32 @!p0 $0x1;
	_ =	shalt  }
.Lfunc_end2:
_tile_overlayer_lowered:
.L_overlay_start_2:
0x34: {  	(tag) =	ssettag $0x2  }
0x35: {  	s0 =	rddreg [dreg:$0x0];
	s2 =	stileid.u32  }
0x36: {  	s1 =	rddreg [dreg:$0x1];
	p0 =	sne.s32 s2, $0x0  }
0x37: {  	s3 =	rddreg [dreg:$0x2];
	[bflag:$0x3] =	sbarrier.arrive $0xFFFF;
	s2 =	simm.s32 @!p0 $0x1C01  }
0x38: {  	[timem:s3], [sflag:s2] =	dma.local @!p0 [hbm:s0], s1  }
0x39: {  	s0 =	simm.s32 @!p0 $0x1  }
0x3a: {  	_ =	swait.ge @!p0 [sflag:s0], s1  }
0x3b: {  	s1 =	ssub.s32 @!p0 $0x0, s1;
	[sflag:s0] =	ssyncset.done @!p0 $0x0  }
0x3c: {  	[sflag:s0] =	ssyncadd.s32 @!p0 s1  }
0x3d: {  	[bflag:$0x3] =	sbarrier.arrive $0xFFFF  }
0x3e: {  	_ =	shalt  }

</sc_bundles>
